<compile_context>
chip_gen: v7x
topology: tpu7x:2x2x1
jax: 0.10.2.dev20260603
libtpu: 0.0.44.dev20260713+nightly
codegen_flags: <defaults>
</compile_context>

<pallas_src>
import functools

import numpy as np
import jax
import jax.numpy as jnp
from jax import lax
from jax.experimental import pallas as pl
from jax.experimental.pallas import tpu as pltpu
from jax.experimental.pallas import tpu_sc as plsc

_F32 = jnp.float32
_I32 = jnp.int32


def _fps_body(x_ref, y_ref, z_ref, idx_ref, cx_ref, cy_ref, cz_ref, *, npoint):
    x = x_ref[...]
    y = y_ref[...]
    z = z_ref[...]
    B, N = x.shape
    lane = lax.broadcasted_iota(_I32, (B, N), 1).astype(_F32)
    piota = lax.broadcasted_iota(_I32, (B, npoint), 1).astype(_F32)

    def body(i, state):
        idx, cxa, cya, cza, dist, far = state
        sel = lane == far
        cx = jnp.sum(jnp.where(sel, x, 0.0), axis=1, keepdims=True)
        cy = jnp.sum(jnp.where(sel, y, 0.0), axis=1, keepdims=True)
        cz = jnp.sum(jnp.where(sel, z, 0.0), axis=1, keepdims=True)
        slot = jnp.where(piota == i.astype(_F32), 1.0, 0.0)
        idx = idx + slot * far
        cxa = cxa + slot * cx
        cya = cya + slot * cy
        cza = cza + slot * cz
        dx = x - cx
        dy = y - cy
        dz = z - cz
        d = (dx * dx + dy * dy) + dz * dz
        dist = jnp.minimum(dist, d)
        m = jnp.max(dist, axis=1, keepdims=True)
        far = jnp.min(jnp.where(dist == m, lane, np.float32(N)),
                      axis=1, keepdims=True)
        return idx, cxa, cya, cza, dist, far

    zp = (piota * 0.0
          + lax.broadcasted_iota(_I32, (B, npoint), 0).astype(_F32) * 0.0)
    zn = (lane * 0.0
          + lax.broadcasted_iota(_I32, (B, N), 0).astype(_F32) * 0.0)
    init = (zp, zp, zp, zp, zn + 1e10, jnp.zeros((B, 1), _F32))
    idx, cxa, cya, cza, _, _ = lax.fori_loop(0, npoint, body, init)
    idx_ref[...] = idx.astype(_I32)
    cx_ref[...] = cxa
    cy_ref[...] = cya
    cz_ref[...] = cza


def _fps(x, y, z, npoint):
    B, N = x.shape
    full = lambda s: pl.BlockSpec(s, lambda: (0,) * len(s))
    outs = pl.pallas_call(
        functools.partial(_fps_body, npoint=npoint),
        in_specs=[full((B, N))] * 3,
        out_specs=[full((B, npoint))] * 4,
        out_shape=[jax.ShapeDtypeStruct((B, npoint), _I32)] +
                  [jax.ShapeDtypeStruct((B, npoint), _F32)] * 3,
    )(x, y, z)
    return outs


def _cumsum_lanes(m):
    c = m
    sh = 1
    n = m.shape[-1]
    while sh < n:
        z = jnp.zeros(m.shape[:-1] + (sh,), m.dtype)
        c = c + jnp.concatenate([z, c[..., :-sh]], axis=-1)
        sh *= 2
    return c


def _ballq_body(q_ref, pt_ref, out_ref, *, thr, K, N):
    b = pl.program_id(0)
    q = q_ref[0]
    pt = pt_ref[0]
    qx = q[:, 0:1]
    qy = q[:, 1:2]
    qz = q[:, 2:3]
    qn = (qx * qx + qy * qy) + qz * qz
    pn = jnp.sum(pt * pt, axis=0, keepdims=True)
    cross = jnp.dot(q, pt)
    sqd = (qn + pn) - 2.0 * cross
    mask = jnp.where(sqd > thr, 0.0, 1.0)
    c = _cumsum_lanes(mask)
    cnt = c[:, N - 1:N]
    svals = [jnp.sum(jnp.minimum(c, np.float32(t)), axis=1, keepdims=True)
             for t in range(K + 1)]
    cols = [np.float32(N) - (svals[k + 1] - svals[k]) for k in range(K)]
    pk = jnp.concatenate(cols, axis=1)
    ST = q.shape[0]
    kio = lax.broadcasted_iota(_I32, (ST, K), 1)
    grp = jnp.where(kio < cnt.astype(_I32), pk, cols[0])
    out_ref[...] = (grp.astype(_I32) + b * N)[None]


def _ballq(q, pt, thr, K, stile):
    B, S, _ = q.shape
    N = pt.shape[-1]
    grid = (B, S // stile)
    out = pl.pallas_call(
        functools.partial(_ballq_body, thr=thr, K=K, N=N),
        grid=grid,
        in_specs=[pl.BlockSpec((1, stile, 3), lambda b, t: (b, t, 0)),
                  pl.BlockSpec((1, 3, N), lambda b, t: (b, 0, 0))],
        out_specs=pl.BlockSpec((1, stile, K), lambda b, t: (b, t, 0)),
        out_shape=jax.ShapeDtypeStruct((B, S, K), _I32),
    )(q, pt)
    return out


@functools.lru_cache(maxsize=None)
def _make_sc_gather(V, D, Btot):
    NC, NS = 2, 16
    NW = NC * NS
    CH = 128
    bw = Btot // NW
    nch = bw // CH
    mesh = plsc.VectorSubcoreMesh(core_axis_name="c", subcore_axis_name="s")

    @functools.partial(
        pl.kernel,
        mesh=mesh,
        out_type=jax.ShapeDtypeStruct((Btot, D), _F32),
        scratch_types=[pltpu.VMEM((CH,), _I32),
                       pltpu.VMEM((CH, D), _F32),
                       pltpu.SemaphoreType.DMA],
        compiler_params=pltpu.CompilerParams(use_tc_tiling_on_sc=False),
    )
    def k(table_hbm, idx_hbm, out_hbm, idx_v, rows_v, sem):
        wid = lax.axis_index("s") * NC + lax.axis_index("c")
        base = wid * bw

        def chunk(j, carry):
            off = base + j * CH
            pltpu.sync_copy(idx_hbm.at[pl.ds(off, CH)], idx_v)
            pltpu.async_copy(table_hbm.at[idx_v], rows_v, sem).wait()
            pltpu.sync_copy(rows_v, out_hbm.at[pl.ds(off, CH)])
            return carry

        lax.fori_loop(0, nch, chunk, 0)

    return k


def _sc_gather_rows(table, idx):
    V, D = table.shape
    return _make_sc_gather(V, D, idx.shape[0])(table, idx)


def _mlp_pool_body(g_ref, nx_ref, w1o_ref, w1_ref, b1_ref, w2_ref, b2_ref,
                   w3_ref, b3_ref, out_ref, *, stile, K, cout):
    g = g_ref[...]
    ow = jnp.dot(nx_ref[0], w1o_ref[...], preferred_element_type=_F32)
    c1 = ow.shape[1]
    owr = jnp.broadcast_to(ow[:, None, :], (stile, K, c1)).reshape(stile * K, c1)
    h = jnp.maximum(jnp.dot(g, w1_ref[...], preferred_element_type=_F32)
                    - owr + b1_ref[...], 0.0)
    h = jnp.maximum(jnp.dot(h, w2_ref[...], preferred_element_type=_F32)
                    + b2_ref[...], 0.0)
    h = jnp.maximum(jnp.dot(h, w3_ref[...], preferred_element_type=_F32)
                    + b3_ref[...], 0.0)
    h = h.reshape(stile, K, cout)
    out_ref[...] = jnp.max(h, axis=1)[None]


def _mlp_pool(gath, new_xyz, ws, bs, B, S, K, stile):
    rows = stile * K
    din = gath.shape[1]
    cout = ws[2].shape[1]
    grid = (B, S // stile)
    nblk = S // stile
    w1o = ws[0][:3]
    full = lambda a: pl.BlockSpec(a.shape, lambda b, t: (0,) * a.ndim)
    b2d = [b.reshape(1, -1) for b in bs]
    out = pl.pallas_call(
        functools.partial(_mlp_pool_body, stile=stile, K=K, cout=cout),
        grid=grid,
        in_specs=[pl.BlockSpec((rows, din), lambda b, t, n=nblk: (b * n + t, 0)),
                  pl.BlockSpec((1, stile, 3), lambda b, t: (b, t, 0)),
                  full(w1o),
                  full(ws[0]), full(b2d[0]), full(ws[1]), full(b2d[1]),
                  full(ws[2]), full(b2d[2])],
        out_specs=pl.BlockSpec((1, stile, cout), lambda b, t: (b, t, 0)),
        out_shape=jax.ShapeDtypeStruct((B, S, cout), _F32),
    )(gath, new_xyz, w1o, ws[0], b2d[0], ws[1], b2d[1], ws[2], b2d[2])
    return out


def _nn3_weights(q, pt):
    M = q.shape[0]
    S = pt.shape[1]
    qx, qy, qz = q[:, 0:1], q[:, 1:2], q[:, 2:3]
    qn = (qx * qx + qy * qy) + qz * qz
    pn = jnp.sum(pt * pt, axis=0, keepdims=True)
    cross = jnp.dot(q, pt)
    d = (qn + pn) - 2.0 * cross
    lio = lax.broadcasted_iota(_I32, (M, S), 1)
    ohs, wts = [], []
    for _ in range(3):
        m = jnp.min(d, axis=1, keepdims=True)
        a = jnp.min(jnp.where(d == m, lio, S), axis=1, keepdims=True)
        oh = lio == a
        wts.append(1.0 / jnp.maximum(m, 1e-10))
        ohs.append(oh)
        d = jnp.where(oh, jnp.float32(np.inf), d)
    wsum = (wts[0] + wts[1]) + wts[2]
    wm = (jnp.where(ohs[0], wts[0] / wsum, 0.0)
          + jnp.where(ohs[1], wts[1] / wsum, 0.0)
          + jnp.where(ohs[2], wts[2] / wsum, 0.0))
    return wm


def _fp1_body(q_ref, pt_ref, f1_ref, f2_ref, w1a_ref, w1b_ref, b1_ref,
              w2_ref, b2_ref, out_ref):
    wm = _nn3_weights(q_ref[0], pt_ref[0])
    interp = jnp.dot(wm, f2_ref[0], preferred_element_type=_F32,
                     precision=lax.Precision.HIGHEST)
    h = jnp.maximum(
        jnp.dot(f1_ref[0], w1a_ref[...], preferred_element_type=_F32)
        + jnp.dot(interp, w1b_ref[...], preferred_element_type=_F32)
        + b1_ref[...], 0.0)
    h = jnp.maximum(jnp.dot(h, w2_ref[...], preferred_element_type=_F32)
                    + b2_ref[...], 0.0)
    out_ref[...] = h[None]


def _fp1(xyz1, xyz2t, nf1, nf2, ws, bs):
    B, S1, _ = xyz1.shape
    S2 = xyz2t.shape[2]
    c1 = nf1.shape[2]
    c2 = nf2.shape[2]
    w1a, w1b = ws[0][:c1], ws[0][c1:]
    b2d = [b.reshape(1, -1) for b in bs]
    full = lambda a: pl.BlockSpec(a.shape, lambda b: (0,) * a.ndim)
    out = pl.pallas_call(
        _fp1_body,
        grid=(B,),
        in_specs=[pl.BlockSpec((1, S1, 3), lambda b: (b, 0, 0)),
                  pl.BlockSpec((1, 3, S2), lambda b: (b, 0, 0)),
                  pl.BlockSpec((1, S1, c1), lambda b: (b, 0, 0)),
                  pl.BlockSpec((1, S2, c2), lambda b: (b, 0, 0)),
                  full(w1a), full(w1b), full(b2d[0]),
                  full(ws[1]), full(b2d[1])],
        out_specs=pl.BlockSpec((1, S1, ws[1].shape[1]), lambda b: (b, 0, 0)),
        out_shape=jax.ShapeDtypeStruct((B, S1, ws[1].shape[1]), _F32),
    )(xyz1, xyz2t, nf1, nf2, w1a, w1b, b2d[0], ws[1], b2d[1])
    return out


def _fp2fc_body(q_ref, pt_ref, up_ref, w1a_ref, w1b_ref, b1_ref, w2_ref,
                b2_ref, w3_ref, b3_ref, wc1_ref, bc1_ref, wc2_ref, bc2_ref,
                out_ref):
    q = q_ref[0]
    wm = _nn3_weights(q, pt_ref[0])
    interp = jnp.dot(wm, up_ref[0], preferred_element_type=_F32,
                     precision=lax.Precision.HIGHEST)
    h = jnp.maximum(
        jnp.dot(q, w1a_ref[...], preferred_element_type=_F32)
        + jnp.dot(interp, w1b_ref[...], preferred_element_type=_F32)
        + b1_ref[...], 0.0)
    h = jnp.maximum(jnp.dot(h, w2_ref[...], preferred_element_type=_F32)
                    + b2_ref[...], 0.0)
    h = jnp.maximum(jnp.dot(h, w3_ref[...], preferred_element_type=_F32)
                    + b3_ref[...], 0.0)
    h = jnp.maximum(jnp.dot(h, wc1_ref[...], preferred_element_type=_F32)
                    + bc1_ref[...], 0.0)
    out_ref[...] = (jnp.dot(h, wc2_ref[...], preferred_element_type=_F32)
                    + bc2_ref[...])[None]


def _fp2fc(xyz, xyz1t, up1, fp2_w, fp2_b, fc_w, fc_b, ntile):
    B, N, _ = xyz.shape
    S = xyz1t.shape[2]
    cu = up1.shape[2]
    ncls = fc_w[1].shape[1]
    w1a, w1b = fp2_w[0][:3], fp2_w[0][3:]
    b2d = [b.reshape(1, -1) for b in fp2_b] + [b.reshape(1, -1) for b in fc_b]
    full = lambda a: pl.BlockSpec(a.shape, lambda b, t: (0,) * a.ndim)
    out = pl.pallas_call(
        _fp2fc_body,
        grid=(B, N // ntile),
        in_specs=[pl.BlockSpec((1, ntile, 3), lambda b, t: (b, t, 0)),
                  pl.BlockSpec((1, 3, S), lambda b, t: (b, 0, 0)),
                  pl.BlockSpec((1, S, cu), lambda b, t: (b, 0, 0)),
                  full(w1a), full(w1b), full(b2d[0]),
                  full(fp2_w[1]), full(b2d[1]),
                  full(fp2_w[2]), full(b2d[2]),
                  full(fc_w[0]), full(b2d[3]),
                  full(fc_w[1]), full(b2d[4])],
        out_specs=pl.BlockSpec((1, ntile, ncls), lambda b, t: (b, t, 0)),
        out_shape=jax.ShapeDtypeStruct((B, N, ncls), _F32),
    )(xyz, xyz1t, up1, w1a, w1b, b2d[0], fp2_w[1], b2d[1], fp2_w[2], b2d[2],
      fc_w[0], b2d[3], fc_w[1], b2d[4])
    return out


def kernel(points, sa1_w, sa1_b, sa2_w, sa2_b, fp1_w, fp1_b, fp2_w, fp2_b,
           fc_w, fc_b):
    xyz = points[:, :, :3]
    B, N, _ = xyz.shape
    xt = jnp.transpose(xyz, (0, 2, 1))
    x2, y2, z2 = xt[:, 0], xt[:, 1], xt[:, 2]

    S1, K1 = 512, 32
    _, cx1, cy1, cz1 = _fps(x2, y2, z2, S1)
    new_xyz1 = jnp.stack([cx1, cy1, cz1], axis=-1)
    gidx1 = _ballq(new_xyz1, xt, np.float32(0.2 * 0.2), K1, 128)
    table1 = jnp.concatenate(
        [xyz, xyz, jnp.zeros((B, N, 10), _F32)], axis=-1).reshape(B * N, 16)
    gath1 = _sc_gather_rows(table1, gidx1.reshape(-1))
    w1p = jnp.concatenate([sa1_w[0], jnp.zeros((10, sa1_w[0].shape[1]), _F32)],
                          axis=0)
    nf1 = _mlp_pool(gath1, new_xyz1, [w1p, sa1_w[1], sa1_w[2]], sa1_b,
                    B, S1, K1, 64)

    S2, K2 = 128, 64
    _, cx2, cy2, cz2 = _fps(cx1, cy1, cz1, S2)
    new_xyz2 = jnp.stack([cx2, cy2, cz2], axis=-1)
    xyz1t = jnp.stack([cx1, cy1, cz1], axis=1)
    gidx2 = _ballq(new_xyz2, xyz1t, np.float32(0.4 * 0.4), K2, S2)
    c1 = nf1.shape[2]
    din2 = 3 + c1
    pad2 = (-din2) % 16
    table2 = jnp.concatenate(
        [new_xyz1, nf1, jnp.zeros((B, S1, pad2), _F32)],
        axis=-1).reshape(B * S1, din2 + pad2)
    gath2 = _sc_gather_rows(table2, gidx2.reshape(-1))
    w2p = jnp.concatenate([sa2_w[0], jnp.zeros((pad2, sa2_w[0].shape[1]),
                                               _F32)], axis=0)
    nf2 = _mlp_pool(gath2, new_xyz2, [w2p, sa2_w[1], sa2_w[2]], sa2_b,
                    B, S2, K2, 32)

    xyz2t = jnp.stack([cx2, cy2, cz2], axis=1)
    up1 = _fp1(new_xyz1, xyz2t, nf1, nf2, fp1_w, fp1_b)

    logits = _fp2fc(xyz, xyz1t, up1, fp2_w, fp2_b, fc_w, fc_b, 1024)
    return logits

# --- scband reference (transcript-rebuilt; emitter-appended) ---
"""Pipeline reference for scband-point-net-plus-plus-segmentation-53334903881920 (READ-ONLY COPY).

The authoritative reference and input builder live on the scoring server;
editing this copy changes nothing except your own understanding.
"""

import jax, jax.numpy as jnp
import numpy as np


def square_distance(a, b):
    return (jnp.sum(a * a, axis=-1)[:, :, None] + jnp.sum(b * b, axis=-1)[:, None, :]
            - 2.0 * jnp.einsum('bnc,bmc->bnm', a, b))


def index_points(points, idx):
    B = points.shape[0]
    batch = jnp.arange(B).reshape((B,) + (1,) * (idx.ndim - 1))
    return points[batch, idx]


def farthest_point_sample(xyz, npoint):
    xyz = jax.lax.stop_gradient(xyz)
    B, N, _ = xyz.shape

    def body(i, state):
        idx, dist, far = state
        idx = idx.at[:, i].set(far)
        centroid = index_points(xyz, far[:, None])  # [B,1,3]
        d = jnp.sum((xyz - centroid) ** 2, axis=-1)  # [B,N]
        dist = jnp.minimum(dist, d)
        far = jnp.argmax(dist, axis=-1).astype(jnp.int32)
        return (idx, dist, far)

    state = (jnp.zeros((B, npoint), jnp.int32),
             jnp.full((B, N), 1e10, jnp.float32),
             jnp.zeros((B,), jnp.int32))
    idx, _, _ = jax.lax.fori_loop(0, npoint, body, state)
    return idx


def query_ball_point(radius, nsample, xyz, new_xyz):
    B, N, _ = xyz.shape
    S = new_xyz.shape[1]
    sqrdists = square_distance(new_xyz, xyz)  # [B,S,N]
    grp = jnp.broadcast_to(jnp.arange(N, dtype=jnp.int32), (B, S, N))
    grp = jnp.where(sqrdists > radius * radius, N, grp)
    grp = jnp.sort(grp, axis=-1)[:, :, :nsample]
    first = jnp.broadcast_to(grp[:, :, :1], grp.shape)
    grp = jnp.where(grp == N, first, grp)
    return grp


def set_abstraction(xyz, feats, npoint, radius, nsample, ws, bs):
    fps_idx = farthest_point_sample(xyz, npoint)
    new_xyz = index_points(xyz, fps_idx)  # [B,S,3]
    idx = query_ball_point(radius, nsample, xyz, new_xyz)  # [B,S,K]
    grouped_xyz = index_points(xyz, idx) - new_xyz[:, :, None, :]
    g = jnp.concatenate([grouped_xyz, index_points(feats, idx)], axis=-1)
    for W, b in zip(ws, bs):
        g = jax.nn.relu(g @ W + b)
    new_feats = jnp.max(g, axis=2)  # [B,S,Cout]
    return new_xyz, jnp.transpose(new_feats, (0, 2, 1)), fps_idx


def feature_propagation(xyz1, xyz2, points1, points2, ws, bs):
    dists = square_distance(xyz1, xyz2)  # [B,N,S]
    neg, idx = jax.lax.top_k(-dists, 3)
    d = jnp.maximum(-neg, 1e-10)
    w = 1.0 / d
    w = w / jnp.sum(w, axis=-1, keepdims=True)
    interp = jnp.sum(index_points(points2, idx) * w[..., None], axis=2)  # [B,N,C2]
    g = jnp.concatenate([points1, interp], axis=-1)
    for W, b in zip(ws, bs):
        g = jax.nn.relu(g @ W + b)
    return jnp.transpose(g, (0, 2, 1))  # [B,Cout,N]


def _mlp_params(key, dims):
    ws, bs = [], []
    for i in range(len(dims) - 1):
        key, k1 = jax.random.split(key)
        ws.append(jax.random.normal(k1, (dims[i], dims[i + 1]), jnp.float32)
                  * np.float32(np.sqrt(2.0 / dims[i])))
        bs.append(jnp.zeros((dims[i + 1],), jnp.float32))
    return ws, bs, key


def setup_inputs(seed: int = 0):
    key = jax.random.key(seed)
    key, kp = jax.random.split(key)
    points = jax.random.uniform(kp, (8, 4096, 3), jnp.float32)
    sa1_w, sa1_b, key = _mlp_params(key, [6, 64, 128, 256])
    sa2_w, sa2_b, key = _mlp_params(key, [259, 128, 256, 512])
    fp1_w, fp1_b, key = _mlp_params(key, [768, 256, 128])
    fp2_w, fp2_b, key = _mlp_params(key, [131, 128, 128, 128])
    fc_w, fc_b, key = _mlp_params(key, [128, 128, 13])
    return {"points": points,
            "sa1_w": sa1_w, "sa1_b": sa1_b,
            "sa2_w": sa2_w, "sa2_b": sa2_b,
            "fp1_w": fp1_w, "fp1_b": fp1_b,
            "fp2_w": fp2_w, "fp2_b": fp2_b,
            "fc_w": fc_w, "fc_b": fc_b}


def reference(points, sa1_w, sa1_b, sa2_w, sa2_b, fp1_w, fp1_b, fp2_w, fp2_b, fc_w, fc_b):
    xyz = points[:, :, :3]
    feats = xyz if points.shape[-1] <= 3 else points[:, :, 3:]
    new_xyz1, nf1, _ = set_abstraction(xyz, feats, 512, 0.2, 32, sa1_w, sa1_b)
    nf1 = jnp.transpose(nf1, (0, 2, 1))  # [B,512,256]
    new_xyz2, nf2, _ = set_abstraction(new_xyz1, nf1, 128, 0.4, 64, sa2_w, sa2_b)
    nf2 = jnp.transpose(nf2, (0, 2, 1))  # [B,128,512]
    up1 = feature_propagation(new_xyz1, new_xyz2, nf1, nf2, fp1_w, fp1_b)
    up1 = jnp.transpose(up1, (0, 2, 1))  # [B,512,128]
    up2 = feature_propagation(xyz, new_xyz1, feats, up1, fp2_w, fp2_b)  # [B,128,N]
    x = jnp.transpose(up2, (0, 2, 1))  # [B,N,128]
    x = jax.nn.relu(x @ fc_w[0] + fc_b[0])  # dropout is identity in eval
    logits = x @ fc_w[1] + fc_b[1]  # [B,N,num_classes] (== permute(0,2,1) of conv1d out)
    return logits

if __name__ == "__main__":
    import jax
    _d = setup_inputs()
    print(jax.jit(kernel)(*tuple(_d.values())))

</pallas_src>

<mosaic_0001>
#map = affine_map<(d0, d1) -> (0, 0)>
#map1 = affine_map<(d0, d1) -> (0)>
module attributes {stable_mosaic.version = 14 : i64} {
  func.func @k(%arg0: i32, %arg1: i32, %arg2: memref<32768x16xf32, #tpu.memory_space<hbm>>, %arg3: memref<131072xi32, #tpu.memory_space<hbm>>, %arg4: memref<131072x16xf32, #tpu.memory_space<hbm>>, %arg5: memref<128xi32, #tpu.memory_space<vmem>>, %arg6: memref<128x16xf32, #tpu.memory_space<vmem>>, %arg7: memref<!tpu.dma_semaphore, #tpu.memory_space<semaphore_mem>>) attributes {dimension_semantics = [#tpu.dimension_semantics<core_parallel>, #tpu.dimension_semantics<subcore_parallel>], iteration_bounds = array<i64: 2, 16>, scalar_prefetch = 0 : i64, scratch_operands = 3 : i64, tpu.core_type = #tpu.core_type<sc_vector_subcore>, window_params = [{transform_indices = #map}, {transform_indices = #map1}, {transform_indices = #map}]} {
    %mul3A = arith.constant 2 : i32
    %mul3A_0 = arith.muli %arg1, %mul3A : i32
    %add3A = arith.addi %mul3A_0, %arg0 : i32
    %mul3A_1 = arith.constant 4096 : i32
    %mul3A_2 = arith.muli %add3A, %mul3A_1 : i32
    %scan3A = arith.constant 0 : i32
    %scan3A_3 = arith.constant 0 : i32
    %scan3A_4 = arith.constant 32 : i32
    %scan3A_5 = arith.addi %scan3A_3, %scan3A_4 : i32
    %scan3A_6 = arith.constant 1 : i32
    scf.for %scan3A_8 = %scan3A_3 to %scan3A_5 step %scan3A_6  : i32 {
      %mul3A_9 = arith.constant 128 : i32
      %mul3A_10 = arith.muli %scan3A_8, %mul3A_9 : i32
      %add3A_11 = arith.addi %mul3A_2, %mul3A_10 : i32
      "tpu.region"() ({
        %run_scoped3A = tpu.sem_alloc : memref<!tpu.dma_semaphore, #tpu.memory_space<semaphore_mem>>
        %dma_start3A_16 = tpu.memref_slice %arg3[%add3A_11] : memref<131072xi32, #tpu.memory_space<hbm>> -> memref<128xi32, #tpu.memory_space<hbm>>
        %dma_start3A_17 = tpu.memref_slice %arg3[%add3A_11] : memref<131072xi32, #tpu.memory_space<hbm>> -> memref<128xi32, #tpu.memory_space<hbm>>
        tpu.enqueue_dma source(%dma_start3A_17 : memref<128xi32, #tpu.memory_space<hbm>>) target(%arg5 : memref<128xi32, #tpu.memory_space<vmem>>) target_semaphore(%run_scoped3A : memref<!tpu.dma_semaphore, #tpu.memory_space<semaphore_mem>>)
        %dma_wait3A_18 = tpu.memref_slice %arg3[%add3A_11] : memref<131072xi32, #tpu.memory_space<hbm>> -> memref<128xi32, #tpu.memory_space<hbm>>
        %dma_wait3A_19 = tpu.memref_slice %arg3[%add3A_11] : memref<131072xi32, #tpu.memory_space<hbm>> -> memref<128xi32, #tpu.memory_space<hbm>>
        tpu.wait_dma2 semaphore(%run_scoped3A : memref<!tpu.dma_semaphore, #tpu.memory_space<semaphore_mem>>) src(%dma_wait3A_19 : memref<128xi32, #tpu.memory_space<hbm>>) dst(%arg5 : memref<128xi32, #tpu.memory_space<vmem>>)
        tpu.yield
      }) : () -> ()
      %dma_start3A = arith.constant 0 : i32
      %dma_start3A_12 = arith.constant 0 : i32
      %dma_start3A_13 = tpu.memref_slice %arg2[%dma_start3A, %dma_start3A_12] : memref<32768x16xf32, #tpu.memory_space<hbm>> -> memref<32768x16xf32, #tpu.memory_space<hbm>>
      tpu.enqueue_indirect_dma source(%dma_start3A_13 : memref<32768x16xf32, #tpu.memory_space<hbm>>) target(%arg6 : memref<128x16xf32, #tpu.memory_space<vmem>>) offsets(%arg5 : memref<128xi32, #tpu.memory_space<vmem>>) semaphore(%arg7 : memref<!tpu.dma_semaphore, #tpu.memory_space<semaphore_mem>>)
      %dma_wait3A = arith.constant 0 : i32
      %dma_wait3A_14 = arith.constant 0 : i32
      %dma_wait3A_15 = tpu.memref_slice %arg2[%dma_wait3A, %dma_wait3A_14] : memref<32768x16xf32, #tpu.memory_space<hbm>> -> memref<32768x16xf32, #tpu.memory_space<hbm>>
      tpu.wait_indirect_dma semaphore(%arg7 : memref<!tpu.dma_semaphore, #tpu.memory_space<semaphore_mem>>) src(%dma_wait3A_15 : memref<32768x16xf32, #tpu.memory_space<hbm>>) dst(%arg6 : memref<128x16xf32, #tpu.memory_space<vmem>>)
      "tpu.region"() ({
        %run_scoped3A = tpu.sem_alloc : memref<!tpu.dma_semaphore, #tpu.memory_space<semaphore_mem>>
        %dma_start3A_16 = arith.constant 0 : i32
        %dma_start3A_17 = tpu.memref_slice %arg4[%add3A_11, %dma_start3A_16] : memref<131072x16xf32, #tpu.memory_space<hbm>> -> memref<128x16xf32, #tpu.memory_space<hbm>>
        %dma_start3A_18 = arith.constant 0 : i32
        %dma_start3A_19 = tpu.memref_slice %arg4[%add3A_11, %dma_start3A_18] : memref<131072x16xf32, #tpu.memory_space<hbm>> -> memref<128x16xf32, #tpu.memory_space<hbm>>
        tpu.enqueue_dma source(%arg6 : memref<128x16xf32, #tpu.memory_space<vmem>>) target(%dma_start3A_19 : memref<128x16xf32, #tpu.memory_space<hbm>>) target_semaphore(%run_scoped3A : memref<!tpu.dma_semaphore, #tpu.memory_space<semaphore_mem>>)
        %dma_wait3A_20 = arith.constant 0 : i32
        %dma_wait3A_21 = tpu.memref_slice %arg4[%add3A_11, %dma_wait3A_20] : memref<131072x16xf32, #tpu.memory_space<hbm>> -> memref<128x16xf32, #tpu.memory_space<hbm>>
        %dma_wait3A_22 = arith.constant 0 : i32
        %dma_wait3A_23 = tpu.memref_slice %arg4[%add3A_11, %dma_wait3A_22] : memref<131072x16xf32, #tpu.memory_space<hbm>> -> memref<128x16xf32, #tpu.memory_space<hbm>>
        tpu.wait_dma2 semaphore(%run_scoped3A : memref<!tpu.dma_semaphore, #tpu.memory_space<semaphore_mem>>) src(%arg6 : memref<128x16xf32, #tpu.memory_space<vmem>>) dst(%dma_wait3A_23 : memref<128x16xf32, #tpu.memory_space<hbm>>)
        tpu.yield
      }) : () -> ()
    }
    %scan3A_7 = arith.constant 32 : i32
    return
  }
}

#map = affine_map<(d0, d1) -> (0, 0)>
#map1 = affine_map<(d0, d1) -> (0)>
module attributes {stable_mosaic.version = 14 : i64} {
  func.func @k(%arg0: i32, %arg1: i32, %arg2: memref<4096x272xf32, #tpu.memory_space<hbm>>, %arg3: memref<65536xi32, #tpu.memory_space<hbm>>, %arg4: memref<65536x272xf32, #tpu.memory_space<hbm>>, %arg5: memref<128xi32, #tpu.memory_space<vmem>>, %arg6: memref<128x272xf32, #tpu.memory_space<vmem>>, %arg7: memref<!tpu.dma_semaphore, #tpu.memory_space<semaphore_mem>>) attributes {dimension_semantics = [#tpu.dimension_semantics<core_parallel>, #tpu.dimension_semantics<subcore_parallel>], iteration_bounds = array<i64: 2, 16>, scalar_prefetch = 0 : i64, scratch_operands = 3 : i64, tpu.core_type = #tpu.core_type<sc_vector_subcore>, window_params = [{transform_indices = #map}, {transform_indices = #map1}, {transform_indices = #map}]} {
    %mul3A = arith.constant 2 : i32
    %mul3A_0 = arith.muli %arg1, %mul3A : i32
    %add3A = arith.addi %mul3A_0, %arg0 : i32
    %mul3A_1 = arith.constant 2048 : i32
    %mul3A_2 = arith.muli %add3A, %mul3A_1 : i32
    %scan3A = arith.constant 0 : i32
    %scan3A_3 = arith.constant 0 : i32
    %scan3A_4 = arith.constant 16 : i32
    %scan3A_5 = arith.addi %scan3A_3, %scan3A_4 : i32
    %scan3A_6 = arith.constant 1 : i32
    scf.for %scan3A_8 = %scan3A_3 to %scan3A_5 step %scan3A_6  : i32 {
      %mul3A_9 = arith.constant 128 : i32
      %mul3A_10 = arith.muli %scan3A_8, %mul3A_9 : i32
      %add3A_11 = arith.addi %mul3A_2, %mul3A_10 : i32
      "tpu.region"() ({
        %run_scoped3A = tpu.sem_alloc : memref<!tpu.dma_semaphore, #tpu.memory_space<semaphore_mem>>
        %dma_start3A_16 = tpu.memref_slice %arg3[%add3A_11] : memref<65536xi32, #tpu.memory_space<hbm>> -> memref<128xi32, #tpu.memory_space<hbm>>
        %dma_start3A_17 = tpu.memref_slice %arg3[%add3A_11] : memref<65536xi32, #tpu.memory_space<hbm>> -> memref<128xi32, #tpu.memory_space<hbm>>
        tpu.enqueue_dma source(%dma_start3A_17 : memref<128xi32, #tpu.memory_space<hbm>>) target(%arg5 : memref<128xi32, #tpu.memory_space<vmem>>) target_semaphore(%run_scoped3A : memref<!tpu.dma_semaphore, #tpu.memory_space<semaphore_mem>>)
        %dma_wait3A_18 = tpu.memref_slice %arg3[%add3A_11] : memref<65536xi32, #tpu.memory_space<hbm>> -> memref<128xi32, #tpu.memory_space<hbm>>
        %dma_wait3A_19 = tpu.memref_slice %arg3[%add3A_11] : memref<65536xi32, #tpu.memory_space<hbm>> -> memref<128xi32, #tpu.memory_space<hbm>>
        tpu.wait_dma2 semaphore(%run_scoped3A : memref<!tpu.dma_semaphore, #tpu.memory_space<semaphore_mem>>) src(%dma_wait3A_19 : memref<128xi32, #tpu.memory_space<hbm>>) dst(%arg5 : memref<128xi32, #tpu.memory_space<vmem>>)
        tpu.yield
      }) : () -> ()
      %dma_start3A = arith.constant 0 : i32
      %dma_start3A_12 = arith.constant 0 : i32
      %dma_start3A_13 = tpu.memref_slice %arg2[%dma_start3A, %dma_start3A_12] : memref<4096x272xf32, #tpu.memory_space<hbm>> -> memref<4096x272xf32, #tpu.memory_space<hbm>>
      tpu.enqueue_indirect_dma source(%dma_start3A_13 : memref<4096x272xf32, #tpu.memory_space<hbm>>) target(%arg6 : memref<128x272xf32, #tpu.memory_space<vmem>>) offsets(%arg5 : memref<128xi32, #tpu.memory_space<vmem>>) semaphore(%arg7 : memref<!tpu.dma_semaphore, #tpu.memory_space<semaphore_mem>>)
      %dma_wait3A = arith.constant 0 : i32
      %dma_wait3A_14 = arith.constant 0 : i32
      %dma_wait3A_15 = tpu.memref_slice %arg2[%dma_wait3A, %dma_wait3A_14] : memref<4096x272xf32, #tpu.memory_space<hbm>> -> memref<4096x272xf32, #tpu.memory_space<hbm>>
      tpu.wait_indirect_dma semaphore(%arg7 : memref<!tpu.dma_semaphore, #tpu.memory_space<semaphore_mem>>) src(%dma_wait3A_15 : memref<4096x272xf32, #tpu.memory_space<hbm>>) dst(%arg6 : memref<128x272xf32, #tpu.memory_space<vmem>>)
      "tpu.region"() ({
        %run_scoped3A = tpu.sem_alloc : memref<!tpu.dma_semaphore, #tpu.memory_space<semaphore_mem>>
        %dma_start3A_16 = arith.constant 0 : i32
        %dma_start3A_17 = tpu.memref_slice %arg4[%add3A_11, %dma_start3A_16] : memref<65536x272xf32, #tpu.memory_space<hbm>> -> memref<128x272xf32, #tpu.memory_space<hbm>>
        %dma_start3A_18 = arith.constant 0 : i32
        %dma_start3A_19 = tpu.memref_slice %arg4[%add3A_11, %dma_start3A_18] : memref<65536x272xf32, #tpu.memory_space<hbm>> -> memref<128x272xf32, #tpu.memory_space<hbm>>
        tpu.enqueue_dma source(%arg6 : memref<128x272xf32, #tpu.memory_space<vmem>>) target(%dma_start3A_19 : memref<128x272xf32, #tpu.memory_space<hbm>>) target_semaphore(%run_scoped3A : memref<!tpu.dma_semaphore, #tpu.memory_space<semaphore_mem>>)
        %dma_wait3A_20 = arith.constant 0 : i32
        %dma_wait3A_21 = tpu.memref_slice %arg4[%add3A_11, %dma_wait3A_20] : memref<65536x272xf32, #tpu.memory_space<hbm>> -> memref<128x272xf32, #tpu.memory_space<hbm>>
        %dma_wait3A_22 = arith.constant 0 : i32
        %dma_wait3A_23 = tpu.memref_slice %arg4[%add3A_11, %dma_wait3A_22] : memref<65536x272xf32, #tpu.memory_space<hbm>> -> memref<128x272xf32, #tpu.memory_space<hbm>>
        tpu.wait_dma2 semaphore(%run_scoped3A : memref<!tpu.dma_semaphore, #tpu.memory_space<semaphore_mem>>) src(%arg6 : memref<128x272xf32, #tpu.memory_space<vmem>>) dst(%dma_wait3A_23 : memref<128x272xf32, #tpu.memory_space<hbm>>)
        tpu.yield
      }) : () -> ()
    }
    %scan3A_7 = arith.constant 16 : i32
    return
  }
}

module attributes {stable_mosaic.version = 14 : i64} {
  func.func @_fps_body(%arg0: memref<8x4096xf32, #tpu.memory_space<vmem>>, %arg1: memref<8x4096xf32, #tpu.memory_space<vmem>>, %arg2: memref<8x4096xf32, #tpu.memory_space<vmem>>, %arg3: memref<8x512xi32, #tpu.memory_space<vmem>>, %arg4: memref<8x512xf32, #tpu.memory_space<vmem>>, %arg5: memref<8x512xf32, #tpu.memory_space<vmem>>, %arg6: memref<8x512xf32, #tpu.memory_space<vmem>>) attributes {dimension_semantics = [], scalar_prefetch = 0 : i64, scratch_operands = 0 : i64, tpu.core_type = #tpu.core_type<tc>} {
    %get3A = arith.constant 0 : index
    %get3A_0 = arith.constant 0 : index
    %get3A_1 = vector.load %arg0[%get3A, %get3A_0] : memref<8x4096xf32, #tpu.memory_space<vmem>>, vector<8x4096xf32>
    %get3A_2 = arith.constant 0 : index
    %get3A_3 = arith.constant 0 : index
    %get3A_4 = vector.load %arg1[%get3A_2, %get3A_3] : memref<8x4096xf32, #tpu.memory_space<vmem>>, vector<8x4096xf32>
    %get3A_5 = arith.constant 0 : index
    %get3A_6 = arith.constant 0 : index
    %get3A_7 = vector.load %arg2[%get3A_5, %get3A_6] : memref<8x4096xf32, #tpu.memory_space<vmem>>, vector<8x4096xf32>
    %iota3A = tpu.iota {dimensions = array<i32: 1>} : vector<8x4096xi32>
    %convert_element_type3A = arith.sitofp %iota3A : vector<8x4096xi32> to vector<8x4096xf32>
    %iota3A_8 = tpu.iota {dimensions = array<i32: 1>} : vector<8x512xi32>
    %convert_element_type3A_9 = arith.sitofp %iota3A_8 : vector<8x512xi32> to vector<8x512xf32>
    %mul3A = arith.constant 0.000000e+00 : f32
    %mul3A_10 = vector.broadcast %mul3A : f32 to vector<8x512xf32>
    %mul3A_11 = arith.mulf %convert_element_type3A_9, %mul3A_10 : vector<8x512xf32>
    %iota3A_12 = tpu.iota {dimensions = array<i32: 0>} : vector<8x512xi32>
    %convert_element_type3A_13 = arith.sitofp %iota3A_12 : vector<8x512xi32> to vector<8x512xf32>
    %mul3A_14 = arith.constant 0.000000e+00 : f32
    %mul3A_15 = vector.broadcast %mul3A_14 : f32 to vector<8x512xf32>
    %mul3A_16 = arith.mulf %convert_element_type3A_13, %mul3A_15 : vector<8x512xf32>
    %add3A = arith.addf %mul3A_11, %mul3A_16 : vector<8x512xf32>
    %mul3A_17 = arith.constant 0.000000e+00 : f32
    %mul3A_18 = vector.broadcast %mul3A_17 : f32 to vector<8x4096xf32>
    %mul3A_19 = arith.mulf %convert_element_type3A, %mul3A_18 : vector<8x4096xf32>
    %iota3A_20 = tpu.iota {dimensions = array<i32: 0>} : vector<8x4096xi32>
    %convert_element_type3A_21 = arith.sitofp %iota3A_20 : vector<8x4096xi32> to vector<8x4096xf32>
    %mul3A_22 = arith.constant 0.000000e+00 : f32
    %mul3A_23 = vector.broadcast %mul3A_22 : f32 to vector<8x4096xf32>
    %mul3A_24 = arith.mulf %convert_element_type3A_21, %mul3A_23 : vector<8x4096xf32>
    %add3A_25 = arith.addf %mul3A_19, %mul3A_24 : vector<8x4096xf32>
    %add3A_26 = arith.constant 1.000000e+10 : f32
    %add3A_27 = vector.broadcast %add3A_26 : f32 to vector<8x4096xf32>
    %add3A_28 = arith.addf %add3A_25, %add3A_27 : vector<8x4096xf32>
    %broadcast_in_dim3A = arith.constant 0.000000e+00 : f32
    %broadcast_in_dim3A_29 = vector.broadcast %broadcast_in_dim3A : f32 to vector<8x1xf32>
    %scan3A = arith.constant 0 : i32
    %scan3A_30 = arith.constant 512 : i32
    %scan3A_31 = arith.addi %scan3A, %scan3A_30 : i32
    %scan3A_32 = arith.constant 1 : i32
    %scan3A_33:6 = scf.for %scan3A_47 = %scan3A to %scan3A_31 step %scan3A_32 iter_args(%scan3A_48 = %add3A, %scan3A_49 = %add3A, %scan3A_50 = %add3A, %scan3A_51 = %add3A, %scan3A_52 = %add3A_28, %scan3A_53 = %broadcast_in_dim3A_29) -> (vector<8x512xf32>, vector<8x512xf32>, vector<8x512xf32>, vector<8x512xf32>, vector<8x4096xf32>, vector<8x1xf32>)  : i32 {
      %eq3A = vector.broadcast %scan3A_53 : vector<8x1xf32> to vector<8x4096xf32>
      %eq3A_54 = arith.cmpf oeq, %convert_element_type3A, %eq3A : vector<8x4096xf32>
      %jit3A = arith.constant 0.000000e+00 : f32
      %broadcast_in_dim3A_55 = vector.broadcast %jit3A : f32 to vector<8x4096xf32>
      %select_n3A = arith.select %eq3A_54, %get3A_1, %broadcast_in_dim3A_55 : vector<8x4096xi1>, vector<8x4096xf32>
      %reduce_sum3A = arith.constant dense<0.000000e+00> : vector<8xf32>
      %reduce_sum3A_56 = vector.multi_reduction <add>, %select_n3A, %reduce_sum3A [1] : vector<8x4096xf32> to vector<8xf32>
      %broadcast_in_dim3A_57 = vector.shape_cast %reduce_sum3A_56 : vector<8xf32> to vector<8x1xf32>
      %jit3A_58 = arith.constant 0.000000e+00 : f32
      %broadcast_in_dim3A_59 = vector.broadcast %jit3A_58 : f32 to vector<8x4096xf32>
      %select_n3A_60 = arith.select %eq3A_54, %get3A_4, %broadcast_in_dim3A_59 : vector<8x4096xi1>, vector<8x4096xf32>
      %reduce_sum3A_61 = arith.constant dense<0.000000e+00> : vector<8xf32>
      %reduce_sum3A_62 = vector.multi_reduction <add>, %select_n3A_60, %reduce_sum3A_61 [1] : vector<8x4096xf32> to vector<8xf32>
      %broadcast_in_dim3A_63 = vector.shape_cast %reduce_sum3A_62 : vector<8xf32> to vector<8x1xf32>
      %jit3A_64 = arith.constant 0.000000e+00 : f32
      %broadcast_in_dim3A_65 = vector.broadcast %jit3A_64 : f32 to vector<8x4096xf32>
      %select_n3A_66 = arith.select %eq3A_54, %get3A_7, %broadcast_in_dim3A_65 : vector<8x4096xi1>, vector<8x4096xf32>
      %reduce_sum3A_67 = arith.constant dense<0.000000e+00> : vector<8xf32>
      %reduce_sum3A_68 = vector.multi_reduction <add>, %select_n3A_66, %reduce_sum3A_67 [1] : vector<8x4096xf32> to vector<8xf32>
      %broadcast_in_dim3A_69 = vector.shape_cast %reduce_sum3A_68 : vector<8xf32> to vector<8x1xf32>
      %convert_element_type3A_70 = arith.sitofp %scan3A_47 : i32 to f32
      %eq3A_71 = vector.broadcast %convert_element_type3A_70 : f32 to vector<8x512xf32>
      %eq3A_72 = arith.cmpf oeq, %convert_element_type3A_9, %eq3A_71 : vector<8x512xf32>
      %jit3A_73 = arith.constant 1.000000e+00 : f32
      %jit3A_74 = arith.constant 0.000000e+00 : f32
      %broadcast_in_dim3A_75 = vector.broadcast %jit3A_73 : f32 to vector<8x512xf32>
      %broadcast_in_dim3A_76 = vector.broadcast %jit3A_74 : f32 to vector<8x512xf32>
      %select_n3A_77 = arith.select %eq3A_72, %broadcast_in_dim3A_75, %broadcast_in_dim3A_76 : vector<8x512xi1>, vector<8x512xf32>
      %mul3A_78 = vector.broadcast %scan3A_53 : vector<8x1xf32> to vector<8x512xf32>
      %mul3A_79 = arith.mulf %select_n3A_77, %mul3A_78 : vector<8x512xf32>
      %add3A_80 = arith.addf %scan3A_48, %mul3A_79 : vector<8x512xf32>
      %mul3A_81 = vector.broadcast %broadcast_in_dim3A_57 : vector<8x1xf32> to vector<8x512xf32>
      %mul3A_82 = arith.mulf %select_n3A_77, %mul3A_81 : vector<8x512xf32>
      %add3A_83 = arith.addf %scan3A_49, %mul3A_82 : vector<8x512xf32>
      %mul3A_84 = vector.broadcast %broadcast_in_dim3A_63 : vector<8x1xf32> to vector<8x512xf32>
      %mul3A_85 = arith.mulf %select_n3A_77, %mul3A_84 : vector<8x512xf32>
      %add3A_86 = arith.addf %scan3A_50, %mul3A_85 : vector<8x512xf32>
      %mul3A_87 = vector.broadcast %broadcast_in_dim3A_69 : vector<8x1xf32> to vector<8x512xf32>
      %mul3A_88 = arith.mulf %select_n3A_77, %mul3A_87 : vector<8x512xf32>
      %add3A_89 = arith.addf %scan3A_51, %mul3A_88 : vector<8x512xf32>
      %sub3A = vector.broadcast %broadcast_in_dim3A_57 : vector<8x1xf32> to vector<8x4096xf32>
      %sub3A_90 = arith.subf %get3A_1, %sub3A : vector<8x4096xf32>
      %sub3A_91 = vector.broadcast %broadcast_in_dim3A_63 : vector<8x1xf32> to vector<8x4096xf32>
      %sub3A_92 = arith.subf %get3A_4, %sub3A_91 : vector<8x4096xf32>
      %sub3A_93 = vector.broadcast %broadcast_in_dim3A_69 : vector<8x1xf32> to vector<8x4096xf32>
      %sub3A_94 = arith.subf %get3A_7, %sub3A_93 : vector<8x4096xf32>
      %mul3A_95 = arith.mulf %sub3A_90, %sub3A_90 : vector<8x4096xf32>
      %mul3A_96 = arith.mulf %sub3A_92, %sub3A_92 : vector<8x4096xf32>
      %add3A_97 = arith.addf %mul3A_95, %mul3A_96 : vector<8x4096xf32>
      %mul3A_98 = arith.mulf %sub3A_94, %sub3A_94 : vector<8x4096xf32>
      %add3A_99 = arith.addf %add3A_97, %mul3A_98 : vector<8x4096xf32>
      %min3A = arith.minimumf %scan3A_52, %add3A_99 : vector<8x4096xf32>
      %reduce_max3A = arith.constant dense<0xFF800000> : vector<8xf32>
      %reduce_max3A_100 = vector.multi_reduction <maximumf>, %min3A, %reduce_max3A [1] : vector<8x4096xf32> to vector<8xf32>
      %broadcast_in_dim3A_101 = vector.shape_cast %reduce_max3A_100 : vector<8xf32> to vector<8x1xf32>
      %eq3A_102 = vector.broadcast %broadcast_in_dim3A_101 : vector<8x1xf32> to vector<8x4096xf32>
      %eq3A_103 = arith.cmpf oeq, %min3A, %eq3A_102 : vector<8x4096xf32>
      %jit3A_104 = arith.constant 4.096000e+03 : f32
      %broadcast_in_dim3A_105 = vector.broadcast %jit3A_104 : f32 to vector<8x4096xf32>
      %select_n3A_106 = arith.select %eq3A_103, %convert_element_type3A, %broadcast_in_dim3A_105 : vector<8x4096xi1>, vector<8x4096xf32>
      %reduce_min3A = arith.constant dense<0x7F800000> : vector<8xf32>
      %reduce_min3A_107 = vector.multi_reduction <minimumf>, %select_n3A_106, %reduce_min3A [1] : vector<8x4096xf32> to vector<8xf32>
      %broadcast_in_dim3A_108 = vector.shape_cast %reduce_min3A_107 : vector<8xf32> to vector<8x1xf32>
      scf.yield %add3A_80, %add3A_83, %add3A_86, %add3A_89, %min3A, %broadcast_in_dim3A_108 : vector<8x512xf32>, vector<8x512xf32>, vector<8x512xf32>, vector<8x512xf32>, vector<8x4096xf32>, vector<8x1xf32>
    }
    %scan3A_34 = arith.constant 512 : i32
    %convert_element_type3A_35 = arith.fptosi %scan3A_33#0 : vector<8x512xf32> to vector<8x512xi32>
    %swap3A = arith.constant 0 : index
    %swap3A_36 = arith.constant 0 : index
    %swap3A_37 = vector.load %arg3[%swap3A, %swap3A_36] : memref<8x512xi32, #tpu.memory_space<vmem>>, vector<8x512xi32>
    tpu.vector_store %arg3[%swap3A, %swap3A_36], %convert_element_type3A_35 {strides = array<i32>} : memref<8x512xi32, #tpu.memory_space<vmem>>, vector<8x512xi32>,
    %swap3A_38 = arith.constant 0 : index
    %swap3A_39 = arith.constant 0 : index
    %swap3A_40 = vector.load %arg4[%swap3A_38, %swap3A_39] : memref<8x512xf32, #tpu.memory_space<vmem>>, vector<8x512xf32>
    tpu.vector_store %arg4[%swap3A_38, %swap3A_39], %scan3A_33#1 {strides = array<i32>} : memref<8x512xf32, #tpu.memory_space<vmem>>, vector<8x512xf32>,
    %swap3A_41 = arith.constant 0 : index
    %swap3A_42 = arith.constant 0 : index
    %swap3A_43 = vector.load %arg5[%swap3A_41, %swap3A_42] : memref<8x512xf32, #tpu.memory_space<vmem>>, vector<8x512xf32>
    tpu.vector_store %arg5[%swap3A_41, %swap3A_42], %scan3A_33#2 {strides = array<i32>} : memref<8x512xf32, #tpu.memory_space<vmem>>, vector<8x512xf32>,
    %swap3A_44 = arith.constant 0 : index
    %swap3A_45 = arith.constant 0 : index
    %swap3A_46 = vector.load %arg6[%swap3A_44, %swap3A_45] : memref<8x512xf32, #tpu.memory_space<vmem>>, vector<8x512xf32>
    tpu.vector_store %arg6[%swap3A_44, %swap3A_45], %scan3A_33#3 {strides = array<i32>} : memref<8x512xf32, #tpu.memory_space<vmem>>, vector<8x512xf32>,
    return
  }
}

module attributes {stable_mosaic.version = 14 : i64} {
  func.func @_ballq_body(%arg0: i32, %arg1: i32, %arg2: memref<1x128x3xf32, #tpu.memory_space<vmem>>, %arg3: memref<1x3x4096xf32, #tpu.memory_space<vmem>>, %arg4: memref<1x128x32xi32, #tpu.memory_space<vmem>>) attributes {dimension_semantics = [#tpu.dimension_semantics<arbitrary>, #tpu.dimension_semantics<arbitrary>], iteration_bounds = array<i64: 8, 4>, scalar_prefetch = 0 : i64, scratch_operands = 0 : i64, tpu.core_type = #tpu.core_type<tc>, window_params = [{transform_indices = @transform_0, window_bounds = array<i64: 1, 128, 3>}, {transform_indices = @transform_1, window_bounds = array<i64: 1, 3, 4096>}, {transform_indices = @transform_2, window_bounds = array<i64: 1, 128, 32>}]} {
    %get3A = arith.constant 0 : index
    %get3A_0 = arith.constant 0 : index
    %get3A_1 = arith.constant 0 : index
    %get3A_2 = vector.load %arg2[%get3A, %get3A_0, %get3A_1] : memref<1x128x3xf32, #tpu.memory_space<vmem>>, vector<1x128x3xf32>
    %get3A_3 = vector.shape_cast %get3A_2 : vector<1x128x3xf32> to vector<128x3xf32>
    %get3A_4 = arith.constant 0 : index
    %get3A_5 = arith.constant 0 : index
    %get3A_6 = arith.constant 0 : index
    %get3A_7 = vector.load %arg3[%get3A_4, %get3A_5, %get3A_6] : memref<1x3x4096xf32, #tpu.memory_space<vmem>>, vector<1x3x4096xf32>
    %get3A_8 = vector.shape_cast %get3A_7 : vector<1x3x4096xf32> to vector<3x4096xf32>
    %slice3A = vector.extract_strided_slice %get3A_3 {offsets = [0, 0], sizes = [128, 1], strides = [1, 1]} : vector<128x3xf32> to vector<128x1xf32>
    %slice3A_9 = vector.extract_strided_slice %get3A_3 {offsets = [0, 1], sizes = [128, 1], strides = [1, 1]} : vector<128x3xf32> to vector<128x1xf32>
    %slice3A_10 = vector.extract_strided_slice %get3A_3 {offsets = [0, 2], sizes = [128, 1], strides = [1, 1]} : vector<128x3xf32> to vector<128x1xf32>
    %mul3A = arith.mulf %slice3A, %slice3A : vector<128x1xf32>
    %mul3A_11 = arith.mulf %slice3A_9, %slice3A_9 : vector<128x1xf32>
    %add3A = arith.addf %mul3A, %mul3A_11 : vector<128x1xf32>
    %mul3A_12 = arith.mulf %slice3A_10, %slice3A_10 : vector<128x1xf32>
    %add3A_13 = arith.addf %add3A, %mul3A_12 : vector<128x1xf32>
    %mul3A_14 = arith.mulf %get3A_8, %get3A_8 : vector<3x4096xf32>
    %reduce_sum3A = arith.constant dense<0.000000e+00> : vector<4096xf32>
    %reduce_sum3A_15 = vector.multi_reduction <add>, %mul3A_14, %reduce_sum3A [0] : vector<3x4096xf32> to vector<4096xf32>
    %broadcast_in_dim3A = vector.shape_cast %reduce_sum3A_15 : vector<4096xf32> to vector<1x4096xf32>
    %dot_general3A = arith.constant dense<0.000000e+00> : vector<128x4096xf32>
    %dot_general3A_16 = tpu.matmul %get3A_3, %get3A_8, %dot_general3A {dimension_numbers = #tpu.dot_dimension_numbers<[1], [0], [0], [1], [0, 0, 1, 1], [], []>, transpose_lhs_hint = false} : vector<128x3xf32>, vector<3x4096xf32>, vector<128x4096xf32> -> vector<128x4096xf32>
    %add3A_17 = vector.broadcast %add3A_13 : vector<128x1xf32> to vector<128x4096xf32>
    %add3A_18 = vector.broadcast %broadcast_in_dim3A : vector<1x4096xf32> to vector<128x4096xf32>
    %add3A_19 = arith.addf %add3A_17, %add3A_18 : vector<128x4096xf32>
    %mul3A_20 = arith.constant 2.000000e+00 : f32
    %mul3A_21 = vector.broadcast %mul3A_20 : f32 to vector<128x4096xf32>
    %mul3A_22 = arith.mulf %mul3A_21, %dot_general3A_16 : vector<128x4096xf32>
    %sub3A = arith.subf %add3A_19, %mul3A_22 : vector<128x4096xf32>
    %gt3A = arith.constant 4.000000e-02 : f32
    %gt3A_23 = vector.broadcast %gt3A : f32 to vector<128x4096xf32>
    %gt3A_24 = arith.cmpf ogt, %sub3A, %gt3A_23 : vector<128x4096xf32>
    %jit3A = arith.constant 0.000000e+00 : f32
    %jit3A_25 = arith.constant 1.000000e+00 : f32
    %broadcast_in_dim3A_26 = vector.broadcast %jit3A : f32 to vector<128x4096xf32>
    %broadcast_in_dim3A_27 = vector.broadcast %jit3A_25 : f32 to vector<128x4096xf32>
    %select_n3A = arith.select %gt3A_24, %broadcast_in_dim3A_26, %broadcast_in_dim3A_27 : vector<128x4096xi1>, vector<128x4096xf32>
    %broadcast_in_dim3A_28 = arith.constant 0.000000e+00 : f32
    %broadcast_in_dim3A_29 = vector.broadcast %broadcast_in_dim3A_28 : f32 to vector<128x1xf32>
    %slice3A_30 = vector.extract_strided_slice %select_n3A {offsets = [0, 0], sizes = [128, 4095], strides = [1, 1]} : vector<128x4096xf32> to vector<128x4095xf32>
    %concatenate3A = tpu.concatenate %broadcast_in_dim3A_29, %slice3A_30 in 1 : vector<128x1xf32>, vector<128x4095xf32> -> vector<128x4096xf32>
    %add3A_31 = arith.addf %select_n3A, %concatenate3A : vector<128x4096xf32>
    %broadcast_in_dim3A_32 = arith.constant 0.000000e+00 : f32
    %broadcast_in_dim3A_33 = vector.broadcast %broadcast_in_dim3A_32 : f32 to vector<128x2xf32>
    %slice3A_34 = vector.extract_strided_slice %add3A_31 {offsets = [0, 0], sizes = [128, 4094], strides = [1, 1]} : vector<128x4096xf32> to vector<128x4094xf32>
    %concatenate3A_35 = tpu.concatenate %broadcast_in_dim3A_33, %slice3A_34 in 1 : vector<128x2xf32>, vector<128x4094xf32> -> vector<128x4096xf32>
    %add3A_36 = arith.addf %add3A_31, %concatenate3A_35 : vector<128x4096xf32>
    %broadcast_in_dim3A_37 = arith.constant 0.000000e+00 : f32
    %broadcast_in_dim3A_38 = vector.broadcast %broadcast_in_dim3A_37 : f32 to vector<128x4xf32>
    %slice3A_39 = vector.extract_strided_slice %add3A_36 {offsets = [0, 0], sizes = [128, 4092], strides = [1, 1]} : vector<128x4096xf32> to vector<128x4092xf32>
    %concatenate3A_40 = tpu.concatenate %broadcast_in_dim3A_38, %slice3A_39 in 1 : vector<128x4xf32>, vector<128x4092xf32> -> vector<128x4096xf32>
    %add3A_41 = arith.addf %add3A_36, %concatenate3A_40 : vector<128x4096xf32>
    %broadcast_in_dim3A_42 = arith.constant 0.000000e+00 : f32
    %broadcast_in_dim3A_43 = vector.broadcast %broadcast_in_dim3A_42 : f32 to vector<128x8xf32>
    %slice3A_44 = vector.extract_strided_slice %add3A_41 {offsets = [0, 0], sizes = [128, 4088], strides = [1, 1]} : vector<128x4096xf32> to vector<128x4088xf32>
    %concatenate3A_45 = tpu.concatenate %broadcast_in_dim3A_43, %slice3A_44 in 1 : vector<128x8xf32>, vector<128x4088xf32> -> vector<128x4096xf32>
    %add3A_46 = arith.addf %add3A_41, %concatenate3A_45 : vector<128x4096xf32>
    %broadcast_in_dim3A_47 = arith.constant 0.000000e+00 : f32
    %broadcast_in_dim3A_48 = vector.broadcast %broadcast_in_dim3A_47 : f32 to vector<128x16xf32>
    %slice3A_49 = vector.extract_strided_slice %add3A_46 {offsets = [0, 0], sizes = [128, 4080], strides = [1, 1]} : vector<128x4096xf32> to vector<128x4080xf32>
    %concatenate3A_50 = tpu.concatenate %broadcast_in_dim3A_48, %slice3A_49 in 1 : vector<128x16xf32>, vector<128x4080xf32> -> vector<128x4096xf32>
    %add3A_51 = arith.addf %add3A_46, %concatenate3A_50 : vector<128x4096xf32>
    %broadcast_in_dim3A_52 = arith.constant 0.000000e+00 : f32
    %broadcast_in_dim3A_53 = vector.broadcast %broadcast_in_dim3A_52 : f32 to vector<128x32xf32>
    %slice3A_54 = vector.extract_strided_slice %add3A_51 {offsets = [0, 0], sizes = [128, 4064], strides = [1, 1]} : vector<128x4096xf32> to vector<128x4064xf32>
    %concatenate3A_55 = tpu.concatenate %broadcast_in_dim3A_53, %slice3A_54 in 1 : vector<128x32xf32>, vector<128x4064xf32> -> vector<128x4096xf32>
    %add3A_56 = arith.addf %add3A_51, %concatenate3A_55 : vector<128x4096xf32>
    %broadcast_in_dim3A_57 = arith.constant 0.000000e+00 : f32
    %broadcast_in_dim3A_58 = vector.broadcast %broadcast_in_dim3A_57 : f32 to vector<128x64xf32>
    %slice3A_59 = vector.extract_strided_slice %add3A_56 {offsets = [0, 0], sizes = [128, 4032], strides = [1, 1]} : vector<128x4096xf32> to vector<128x4032xf32>
    %concatenate3A_60 = tpu.concatenate %broadcast_in_dim3A_58, %slice3A_59 in 1 : vector<128x64xf32>, vector<128x4032xf32> -> vector<128x4096xf32>
    %add3A_61 = arith.addf %add3A_56, %concatenate3A_60 : vector<128x4096xf32>
    %broadcast_in_dim3A_62 = arith.constant 0.000000e+00 : f32
    %broadcast_in_dim3A_63 = vector.broadcast %broadcast_in_dim3A_62 : f32 to vector<128x128xf32>
    %slice3A_64 = vector.extract_strided_slice %add3A_61 {offsets = [0, 0], sizes = [128, 3968], strides = [1, 1]} : vector<128x4096xf32> to vector<128x3968xf32>
    %concatenate3A_65 = tpu.concatenate %broadcast_in_dim3A_63, %slice3A_64 in 1 : vector<128x128xf32>, vector<128x3968xf32> -> vector<128x4096xf32>
    %add3A_66 = arith.addf %add3A_61, %concatenate3A_65 : vector<128x4096xf32>
    %broadcast_in_dim3A_67 = arith.constant 0.000000e+00 : f32
    %broadcast_in_dim3A_68 = vector.broadcast %broadcast_in_dim3A_67 : f32 to vector<128x256xf32>
    %slice3A_69 = vector.extract_strided_slice %add3A_66 {offsets = [0, 0], sizes = [128, 3840], strides = [1, 1]} : vector<128x4096xf32> to vector<128x3840xf32>
    %concatenate3A_70 = tpu.concatenate %broadcast_in_dim3A_68, %slice3A_69 in 1 : vector<128x256xf32>, vector<128x3840xf32> -> vector<128x4096xf32>
    %add3A_71 = arith.addf %add3A_66, %concatenate3A_70 : vector<128x4096xf32>
    %broadcast_in_dim3A_72 = arith.constant 0.000000e+00 : f32
    %broadcast_in_dim3A_73 = vector.broadcast %broadcast_in_dim3A_72 : f32 to vector<128x512xf32>
    %slice3A_74 = vector.extract_strided_slice %add3A_71 {offsets = [0, 0], sizes = [128, 3584], strides = [1, 1]} : vector<128x4096xf32> to vector<128x3584xf32>
    %concatenate3A_75 = tpu.concatenate %broadcast_in_dim3A_73, %slice3A_74 in 1 : vector<128x512xf32>, vector<128x3584xf32> -> vector<128x4096xf32>
    %add3A_76 = arith.addf %add3A_71, %concatenate3A_75 : vector<128x4096xf32>
    %broadcast_in_dim3A_77 = arith.constant 0.000000e+00 : f32
    %broadcast_in_dim3A_78 = vector.broadcast %broadcast_in_dim3A_77 : f32 to vector<128x1024xf32>
    %slice3A_79 = vector.extract_strided_slice %add3A_76 {offsets = [0, 0], sizes = [128, 3072], strides = [1, 1]} : vector<128x4096xf32> to vector<128x3072xf32>
    %concatenate3A_80 = tpu.concatenate %broadcast_in_dim3A_78, %slice3A_79 in 1 : vector<128x1024xf32>, vector<128x3072xf32> -> vector<128x4096xf32>
    %add3A_81 = arith.addf %add3A_76, %concatenate3A_80 : vector<128x4096xf32>
    %broadcast_in_dim3A_82 = arith.constant 0.000000e+00 : f32
    %broadcast_in_dim3A_83 = vector.broadcast %broadcast_in_dim3A_82 : f32 to vector<128x2048xf32>
    %slice3A_84 = vector.extract_strided_slice %add3A_81 {offsets = [0, 0], sizes = [128, 2048], strides = [1, 1]} : vector<128x4096xf32> to vector<128x2048xf32>
    %concatenate3A_85 = tpu.concatenate %broadcast_in_dim3A_83, %slice3A_84 in 1 : vector<128x2048xf32>, vector<128x2048xf32> -> vector<128x4096xf32>
    %add3A_86 = arith.addf %add3A_81, %concatenate3A_85 : vector<128x4096xf32>
    %slice3A_87 = vector.extract_strided_slice %add3A_86 {offsets = [0, 4095], sizes = [128, 1], strides = [1, 1]} : vector<128x4096xf32> to vector<128x1xf32>
    %min3A = arith.constant 0.000000e+00 : f32
    %min3A_88 = vector.broadcast %min3A : f32 to vector<128x4096xf32>
    %min3A_89 = arith.minimumf %add3A_86, %min3A_88 : vector<128x4096xf32>
    %reduce_sum3A_90 = arith.constant dense<0.000000e+00> : vector<128xf32>
    %reduce_sum3A_91 = vector.multi_reduction <add>, %min3A_89, %reduce_sum3A_90 [1] : vector<128x4096xf32> to vector<128xf32>
    %broadcast_in_dim3A_92 = vector.shape_cast %reduce_sum3A_91 : vector<128xf32> to vector<128x1xf32>
    %min3A_93 = arith.constant 1.000000e+00 : f32
    %min3A_94 = vector.broadcast %min3A_93 : f32 to vector<128x4096xf32>
    %min3A_95 = arith.minimumf %add3A_86, %min3A_94 : vector<128x4096xf32>
    %reduce_sum3A_96 = arith.constant dense<0.000000e+00> : vector<128xf32>
    %reduce_sum3A_97 = vector.multi_reduction <add>, %min3A_95, %reduce_sum3A_96 [1] : vector<128x4096xf32> to vector<128xf32>
    %broadcast_in_dim3A_98 = vector.shape_cast %reduce_sum3A_97 : vector<128xf32> to vector<128x1xf32>
    %min3A_99 = arith.constant 2.000000e+00 : f32
    %min3A_100 = vector.broadcast %min3A_99 : f32 to vector<128x4096xf32>
    %min3A_101 = arith.minimumf %add3A_86, %min3A_100 : vector<128x4096xf32>
    %reduce_sum3A_102 = arith.constant dense<0.000000e+00> : vector<128xf32>
    %reduce_sum3A_103 = vector.multi_reduction <add>, %min3A_101, %reduce_sum3A_102 [1] : vector<128x4096xf32> to vector<128xf32>
    %broadcast_in_dim3A_104 = vector.shape_cast %reduce_sum3A_103 : vector<128xf32> to vector<128x1xf32>
    %min3A_105 = arith.constant 3.000000e+00 : f32
    %min3A_106 = vector.broadcast %min3A_105 : f32 to vector<128x4096xf32>
    %min3A_107 = arith.minimumf %add3A_86, %min3A_106 : vector<128x4096xf32>
    %reduce_sum3A_108 = arith.constant dense<0.000000e+00> : vector<128xf32>
    %reduce_sum3A_109 = vector.multi_reduction <add>, %min3A_107, %reduce_sum3A_108 [1] : vector<128x4096xf32> to vector<128xf32>
    %broadcast_in_dim3A_110 = vector.shape_cast %reduce_sum3A_109 : vector<128xf32> to vector<128x1xf32>
    %min3A_111 = arith.constant 4.000000e+00 : f32
    %min3A_112 = vector.broadcast %min3A_111 : f32 to vector<128x4096xf32>
    %min3A_113 = arith.minimumf %add3A_86, %min3A_112 : vector<128x4096xf32>
    %reduce_sum3A_114 = arith.constant dense<0.000000e+00> : vector<128xf32>
    %reduce_sum3A_115 = vector.multi_reduction <add>, %min3A_113, %reduce_sum3A_114 [1] : vector<128x4096xf32> to vector<128xf32>
    %broadcast_in_dim3A_116 = vector.shape_cast %reduce_sum3A_115 : vector<128xf32> to vector<128x1xf32>
    %min3A_117 = arith.constant 5.000000e+00 : f32
    %min3A_118 = vector.broadcast %min3A_117 : f32 to vector<128x4096xf32>
    %min3A_119 = arith.minimumf %add3A_86, %min3A_118 : vector<128x4096xf32>
    %reduce_sum3A_120 = arith.constant dense<0.000000e+00> : vector<128xf32>
    %reduce_sum3A_121 = vector.multi_reduction <add>, %min3A_119, %reduce_sum3A_120 [1] : vector<128x4096xf32> to vector<128xf32>
    %broadcast_in_dim3A_122 = vector.shape_cast %reduce_sum3A_121 : vector<128xf32> to vector<128x1xf32>
    %min3A_123 = arith.constant 6.000000e+00 : f32
    %min3A_124 = vector.broadcast %min3A_123 : f32 to vector<128x4096xf32>
    %min3A_125 = arith.minimumf %add3A_86, %min3A_124 : vector<128x4096xf32>
    %reduce_sum3A_126 = arith.constant dense<0.000000e+00> : vector<128xf32>
    %reduce_sum3A_127 = vector.multi_reduction <add>, %min3A_125, %reduce_sum3A_126 [1] : vector<128x4096xf32> to vector<128xf32>
    %broadcast_in_dim3A_128 = vector.shape_cast %reduce_sum3A_127 : vector<128xf32> to vector<128x1xf32>
    %min3A_129 = arith.constant 7.000000e+00 : f32
    %min3A_130 = vector.broadcast %min3A_129 : f32 to vector<128x4096xf32>
    %min3A_131 = arith.minimumf %add3A_86, %min3A_130 : vector<128x4096xf32>
    %reduce_sum3A_132 = arith.constant dense<0.000000e+00> : vector<128xf32>
    %reduce_sum3A_133 = vector.multi_reduction <add>, %min3A_131, %reduce_sum3A_132 [1] : vector<128x4096xf32> to vector<128xf32>
    %broadcast_in_dim3A_134 = vector.shape_cast %reduce_sum3A_133 : vector<128xf32> to vector<128x1xf32>
    %min3A_135 = arith.constant 8.000000e+00 : f32
    %min3A_136 = vector.broadcast %min3A_135 : f32 to vector<128x4096xf32>
    %min3A_137 = arith.minimumf %add3A_86, %min3A_136 : vector<128x4096xf32>
    %reduce_sum3A_138 = arith.constant dense<0.000000e+00> : vector<128xf32>
    %reduce_sum3A_139 = vector.multi_reduction <add>, %min3A_137, %reduce_sum3A_138 [1] : vector<128x4096xf32> to vector<128xf32>
    %broadcast_in_dim3A_140 = vector.shape_cast %reduce_sum3A_139 : vector<128xf32> to vector<128x1xf32>
    %min3A_141 = arith.constant 9.000000e+00 : f32
    %min3A_142 = vector.broadcast %min3A_141 : f32 to vector<128x4096xf32>
    %min3A_143 = arith.minimumf %add3A_86, %min3A_142 : vector<128x4096xf32>
    %reduce_sum3A_144 = arith.constant dense<0.000000e+00> : vector<128xf32>
    %reduce_sum3A_145 = vector.multi_reduction <add>, %min3A_143, %reduce_sum3A_144 [1] : vector<128x4096xf32> to vector<128xf32>
    %broadcast_in_dim3A_146 = vector.shape_cast %reduce_sum3A_145 : vector<128xf32> to vector<128x1xf32>
    %min3A_147 = arith.constant 1.000000e+01 : f32
    %min3A_148 = vector.broadcast %min3A_147 : f32 to vector<128x4096xf32>
    %min3A_149 = arith.minimumf %add3A_86, %min3A_148 : vector<128x4096xf32>
    %reduce_sum3A_150 = arith.constant dense<0.000000e+00> : vector<128xf32>
    %reduce_sum3A_151 = vector.multi_reduction <add>, %min3A_149, %reduce_sum3A_150 [1] : vector<128x4096xf32> to vector<128xf32>
    %broadcast_in_dim3A_152 = vector.shape_cast %reduce_sum3A_151 : vector<128xf32> to vector<128x1xf32>
    %min3A_153 = arith.constant 1.100000e+01 : f32
    %min3A_154 = vector.broadcast %min3A_153 : f32 to vector<128x4096xf32>
    %min3A_155 = arith.minimumf %add3A_86, %min3A_154 : vector<128x4096xf32>
    %reduce_sum3A_156 = arith.constant dense<0.000000e+00> : vector<128xf32>
    %reduce_sum3A_157 = vector.multi_reduction <add>, %min3A_155, %reduce_sum3A_156 [1] : vector<128x4096xf32> to vector<128xf32>
    %broadcast_in_dim3A_158 = vector.shape_cast %reduce_sum3A_157 : vector<128xf32> to vector<128x1xf32>
    %min3A_159 = arith.constant 1.200000e+01 : f32
    %min3A_160 = vector.broadcast %min3A_159 : f32 to vector<128x4096xf32>
    %min3A_161 = arith.minimumf %add3A_86, %min3A_160 : vector<128x4096xf32>
    %reduce_sum3A_162 = arith.constant dense<0.000000e+00> : vector<128xf32>
    %reduce_sum3A_163 = vector.multi_reduction <add>, %min3A_161, %reduce_sum3A_162 [1] : vector<128x4096xf32> to vector<128xf32>
    %broadcast_in_dim3A_164 = vector.shape_cast %reduce_sum3A_163 : vector<128xf32> to vector<128x1xf32>
    %min3A_165 = arith.constant 1.300000e+01 : f32
    %min3A_166 = vector.broadcast %min3A_165 : f32 to vector<128x4096xf32>
    %min3A_167 = arith.minimumf %add3A_86, %min3A_166 : vector<128x4096xf32>
    %reduce_sum3A_168 = arith.constant dense<0.000000e+00> : vector<128xf32>
    %reduce_sum3A_169 = vector.multi_reduction <add>, %min3A_167, %reduce_sum3A_168 [1] : vector<128x4096xf32> to vector<128xf32>
    %broadcast_in_dim3A_170 = vector.shape_cast %reduce_sum3A_169 : vector<128xf32> to vector<128x1xf32>
    %min3A_171 = arith.constant 1.400000e+01 : f32
    %min3A_172 = vector.broadcast %min3A_171 : f32 to vector<128x4096xf32>
    %min3A_173 = arith.minimumf %add3A_86, %min3A_172 : vector<128x4096xf32>
    %reduce_sum3A_174 = arith.constant dense<0.000000e+00> : vector<128xf32>
    %reduce_sum3A_175 = vector.multi_reduction <add>, %min3A_173, %reduce_sum3A_174 [1] : vector<128x4096xf32> to vector<128xf32>
    %broadcast_in_dim3A_176 = vector.shape_cast %reduce_sum3A_175 : vector<128xf32> to vector<128x1xf32>
    %min3A_177 = arith.constant 1.500000e+01 : f32
    %min3A_178 = vector.broadcast %min3A_177 : f32 to vector<128x4096xf32>
    %min3A_179 = arith.minimumf %add3A_86, %min3A_178 : vector<128x4096xf32>
    %reduce_sum3A_180 = arith.constant dense<0.000000e+00> : vector<128xf32>
    %reduce_sum3A_181 = vector.multi_reduction <add>, %min3A_179, %reduce_sum3A_180 [1] : vector<128x4096xf32> to vector<128xf32>
    %broadcast_in_dim3A_182 = vector.shape_cast %reduce_sum3A_181 : vector<128xf32> to vector<128x1xf32>
    %min3A_183 = arith.constant 1.600000e+01 : f32
    %min3A_184 = vector.broadcast %min3A_183 : f32 to vector<128x4096xf32>
    %min3A_185 = arith.minimumf %add3A_86, %min3A_184 : vector<128x4096xf32>
    %reduce_sum3A_186 = arith.constant dense<0.000000e+00> : vector<128xf32>
    %reduce_sum3A_187 = vector.multi_reduction <add>, %min3A_185, %reduce_sum3A_186 [1] : vector<128x4096xf32> to vector<128xf32>
    %broadcast_in_dim3A_188 = vector.shape_cast %reduce_sum3A_187 : vector<128xf32> to vector<128x1xf32>
    %min3A_189 = arith.constant 1.700000e+01 : f32
    %min3A_190 = vector.broadcast %min3A_189 : f32 to vector<128x4096xf32>
    %min3A_191 = arith.minimumf %add3A_86, %min3A_190 : vector<128x4096xf32>
    %reduce_sum3A_192 = arith.constant dense<0.000000e+00> : vector<128xf32>
    %reduce_sum3A_193 = vector.multi_reduction <add>, %min3A_191, %reduce_sum3A_192 [1] : vector<128x4096xf32> to vector<128xf32>
    %broadcast_in_dim3A_194 = vector.shape_cast %reduce_sum3A_193 : vector<128xf32> to vector<128x1xf32>
    %min3A_195 = arith.constant 1.800000e+01 : f32
    %min3A_196 = vector.broadcast %min3A_195 : f32 to vector<128x4096xf32>
    %min3A_197 = arith.minimumf %add3A_86, %min3A_196 : vector<128x4096xf32>
    %reduce_sum3A_198 = arith.constant dense<0.000000e+00> : vector<128xf32>
    %reduce_sum3A_199 = vector.multi_reduction <add>, %min3A_197, %reduce_sum3A_198 [1] : vector<128x4096xf32> to vector<128xf32>
    %broadcast_in_dim3A_200 = vector.shape_cast %reduce_sum3A_199 : vector<128xf32> to vector<128x1xf32>
    %min3A_201 = arith.constant 1.900000e+01 : f32
    %min3A_202 = vector.broadcast %min3A_201 : f32 to vector<128x4096xf32>
    %min3A_203 = arith.minimumf %add3A_86, %min3A_202 : vector<128x4096xf32>
    %reduce_sum3A_204 = arith.constant dense<0.000000e+00> : vector<128xf32>
    %reduce_sum3A_205 = vector.multi_reduction <add>, %min3A_203, %reduce_sum3A_204 [1] : vector<128x4096xf32> to vector<128xf32>
    %broadcast_in_dim3A_206 = vector.shape_cast %reduce_sum3A_205 : vector<128xf32> to vector<128x1xf32>
    %min3A_207 = arith.constant 2.000000e+01 : f32
    %min3A_208 = vector.broadcast %min3A_207 : f32 to vector<128x4096xf32>
    %min3A_209 = arith.minimumf %add3A_86, %min3A_208 : vector<128x4096xf32>
    %reduce_sum3A_210 = arith.constant dense<0.000000e+00> : vector<128xf32>
    %reduce_sum3A_211 = vector.multi_reduction <add>, %min3A_209, %reduce_sum3A_210 [1] : vector<128x4096xf32> to vector<128xf32>
    %broadcast_in_dim3A_212 = vector.shape_cast %reduce_sum3A_211 : vector<128xf32> to vector<128x1xf32>
    %min3A_213 = arith.constant 2.100000e+01 : f32
    %min3A_214 = vector.broadcast %min3A_213 : f32 to vector<128x4096xf32>
    %min3A_215 = arith.minimumf %add3A_86, %min3A_214 : vector<128x4096xf32>
    %reduce_sum3A_216 = arith.constant dense<0.000000e+00> : vector<128xf32>
    %reduce_sum3A_217 = vector.multi_reduction <add>, %min3A_215, %reduce_sum3A_216 [1] : vector<128x4096xf32> to vector<128xf32>
    %broadcast_in_dim3A_218 = vector.shape_cast %reduce_sum3A_217 : vector<128xf32> to vector<128x1xf32>
    %min3A_219 = arith.constant 2.200000e+01 : f32
    %min3A_220 = vector.broadcast %min3A_219 : f32 to vector<128x4096xf32>
    %min3A_221 = arith.minimumf %add3A_86, %min3A_220 : vector<128x4096xf32>
    %reduce_sum3A_222 = arith.constant dense<0.000000e+00> : vector<128xf32>
    %reduce_sum3A_223 = vector.multi_reduction <add>, %min3A_221, %reduce_sum3A_222 [1] : vector<128x4096xf32> to vector<128xf32>
    %broadcast_in_dim3A_224 = vector.shape_cast %reduce_sum3A_223 : vector<128xf32> to vector<128x1xf32>
    %min3A_225 = arith.constant 2.300000e+01 : f32
    %min3A_226 = vector.broadcast %min3A_225 : f32 to vector<128x4096xf32>
    %min3A_227 = arith.minimumf %add3A_86, %min3A_226 : vector<128x4096xf32>
    %reduce_sum3A_228 = arith.constant dense<0.000000e+00> : vector<128xf32>
    %reduce_sum3A_229 = vector.multi_reduction <add>, %min3A_227, %reduce_sum3A_228 [1] : vector<128x4096xf32> to vector<128xf32>
    %broadcast_in_dim3A_230 = vector.shape_cast %reduce_sum3A_229 : vector<128xf32> to vector<128x1xf32>
    %min3A_231 = arith.constant 2.400000e+01 : f32
    %min3A_232 = vector.broadcast %min3A_231 : f32 to vector<128x4096xf32>
    %min3A_233 = arith.minimumf %add3A_86, %min3A_232 : vector<128x4096xf32>
    %reduce_sum3A_234 = arith.constant dense<0.000000e+00> : vector<128xf32>
    %reduce_sum3A_235 = vector.multi_reduction <add>, %min3A_233, %reduce_sum3A_234 [1] : vector<128x4096xf32> to vector<128xf32>
    %broadcast_in_dim3A_236 = vector.shape_cast %reduce_sum3A_235 : vector<128xf32> to vector<128x1xf32>
    %min3A_237 = arith.constant 2.500000e+01 : f32
    %min3A_238 = vector.broadcast %min3A_237 : f32 to vector<128x4096xf32>
    %min3A_239 = arith.minimumf %add3A_86, %min3A_238 : vector<128x4096xf32>
    %reduce_sum3A_240 = arith.constant dense<0.000000e+00> : vector<128xf32>
    %reduce_sum3A_241 = vector.multi_reduction <add>, %min3A_239, %reduce_sum3A_240 [1] : vector<128x4096xf32> to vector<128xf32>
    %broadcast_in_dim3A_242 = vector.shape_cast %reduce_sum3A_241 : vector<128xf32> to vector<128x1xf32>
    %min3A_243 = arith.constant 2.600000e+01 : f32
    %min3A_244 = vector.broadcast %min3A_243 : f32 to vector<128x4096xf32>
    %min3A_245 = arith.minimumf %add3A_86, %min3A_244 : vector<128x4096xf32>
    %reduce_sum3A_246 = arith.constant dense<0.000000e+00> : vector<128xf32>
    %reduce_sum3A_247 = vector.multi_reduction <add>, %min3A_245, %reduce_sum3A_246 [1] : vector<128x4096xf32> to vector<128xf32>
    %broadcast_in_dim3A_248 = vector.shape_cast %reduce_sum3A_247 : vector<128xf32> to vector<128x1xf32>
    %min3A_249 = arith.constant 2.700000e+01 : f32
    %min3A_250 = vector.broadcast %min3A_249 : f32 to vector<128x4096xf32>
    %min3A_251 = arith.minimumf %add3A_86, %min3A_250 : vector<128x4096xf32>
    %reduce_sum3A_252 = arith.constant dense<0.000000e+00> : vector<128xf32>
    %reduce_sum3A_253 = vector.multi_reduction <add>, %min3A_251, %reduce_sum3A_252 [1] : vector<128x4096xf32> to vector<128xf32>
    %broadcast_in_dim3A_254 = vector.shape_cast %reduce_sum3A_253 : vector<128xf32> to vector<128x1xf32>
    %min3A_255 = arith.constant 2.800000e+01 : f32
    %min3A_256 = vector.broadcast %min3A_255 : f32 to vector<128x4096xf32>
    %min3A_257 = arith.minimumf %add3A_86, %min3A_256 : vector<128x4096xf32>
    %reduce_sum3A_258 = arith.constant dense<0.000000e+00> : vector<128xf32>
    %reduce_sum3A_259 = vector.multi_reduction <add>, %min3A_257, %reduce_sum3A_258 [1] : vector<128x4096xf32> to vector<128xf32>
    %broadcast_in_dim3A_260 = vector.shape_cast %reduce_sum3A_259 : vector<128xf32> to vector<128x1xf32>
    %min3A_261 = arith.constant 2.900000e+01 : f32
    %min3A_262 = vector.broadcast %min3A_261 : f32 to vector<128x4096xf32>
    %min3A_263 = arith.minimumf %add3A_86, %min3A_262 : vector<128x4096xf32>
    %reduce_sum3A_264 = arith.constant dense<0.000000e+00> : vector<128xf32>
    %reduce_sum3A_265 = vector.multi_reduction <add>, %min3A_263, %reduce_sum3A_264 [1] : vector<128x4096xf32> to vector<128xf32>
    %broadcast_in_dim3A_266 = vector.shape_cast %reduce_sum3A_265 : vector<128xf32> to vector<128x1xf32>
    %min3A_267 = arith.constant 3.000000e+01 : f32
    %min3A_268 = vector.broadcast %min3A_267 : f32 to vector<128x4096xf32>
    %min3A_269 = arith.minimumf %add3A_86, %min3A_268 : vector<128x4096xf32>
    %reduce_sum3A_270 = arith.constant dense<0.000000e+00> : vector<128xf32>
    %reduce_sum3A_271 = vector.multi_reduction <add>, %min3A_269, %reduce_sum3A_270 [1] : vector<128x4096xf32> to vector<128xf32>
    %broadcast_in_dim3A_272 = vector.shape_cast %reduce_sum3A_271 : vector<128xf32> to vector<128x1xf32>
    %min3A_273 = arith.constant 3.100000e+01 : f32
    %min3A_274 = vector.broadcast %min3A_273 : f32 to vector<128x4096xf32>
    %min3A_275 = arith.minimumf %add3A_86, %min3A_274 : vector<128x4096xf32>
    %reduce_sum3A_276 = arith.constant dense<0.000000e+00> : vector<128xf32>
    %reduce_sum3A_277 = vector.multi_reduction <add>, %min3A_275, %reduce_sum3A_276 [1] : vector<128x4096xf32> to vector<128xf32>
    %broadcast_in_dim3A_278 = vector.shape_cast %reduce_sum3A_277 : vector<128xf32> to vector<128x1xf32>
    %min3A_279 = arith.constant 3.200000e+01 : f32
    %min3A_280 = vector.broadcast %min3A_279 : f32 to vector<128x4096xf32>
    %min3A_281 = arith.minimumf %add3A_86, %min3A_280 : vector<128x4096xf32>
    %reduce_sum3A_282 = arith.constant dense<0.000000e+00> : vector<128xf32>
    %reduce_sum3A_283 = vector.multi_reduction <add>, %min3A_281, %reduce_sum3A_282 [1] : vector<128x4096xf32> to vector<128xf32>
    %broadcast_in_dim3A_284 = vector.shape_cast %reduce_sum3A_283 : vector<128xf32> to vector<128x1xf32>
    %sub3A_285 = arith.subf %broadcast_in_dim3A_98, %broadcast_in_dim3A_92 : vector<128x1xf32>
    %sub3A_286 = arith.constant 4.096000e+03 : f32
    %sub3A_287 = vector.broadcast %sub3A_286 : f32 to vector<128x1xf32>
    %sub3A_288 = arith.subf %sub3A_287, %sub3A_285 : vector<128x1xf32>
    %sub3A_289 = arith.subf %broadcast_in_dim3A_104, %broadcast_in_dim3A_98 : vector<128x1xf32>
    %sub3A_290 = arith.constant 4.096000e+03 : f32
    %sub3A_291 = vector.broadcast %sub3A_290 : f32 to vector<128x1xf32>
    %sub3A_292 = arith.subf %sub3A_291, %sub3A_289 : vector<128x1xf32>
    %sub3A_293 = arith.subf %broadcast_in_dim3A_110, %broadcast_in_dim3A_104 : vector<128x1xf32>
    %sub3A_294 = arith.constant 4.096000e+03 : f32
    %sub3A_295 = vector.broadcast %sub3A_294 : f32 to vector<128x1xf32>
    %sub3A_296 = arith.subf %sub3A_295, %sub3A_293 : vector<128x1xf32>
    %sub3A_297 = arith.subf %broadcast_in_dim3A_116, %broadcast_in_dim3A_110 : vector<128x1xf32>
    %sub3A_298 = arith.constant 4.096000e+03 : f32
    %sub3A_299 = vector.broadcast %sub3A_298 : f32 to vector<128x1xf32>
    %sub3A_300 = arith.subf %sub3A_299, %sub3A_297 : vector<128x1xf32>
    %sub3A_301 = arith.subf %broadcast_in_dim3A_122, %broadcast_in_dim3A_116 : vector<128x1xf32>
    %sub3A_302 = arith.constant 4.096000e+03 : f32
    %sub3A_303 = vector.broadcast %sub3A_302 : f32 to vector<128x1xf32>
    %sub3A_304 = arith.subf %sub3A_303, %sub3A_301 : vector<128x1xf32>
    %sub3A_305 = arith.subf %broadcast_in_dim3A_128, %broadcast_in_dim3A_122 : vector<128x1xf32>
    %sub3A_306 = arith.constant 4.096000e+03 : f32
    %sub3A_307 = vector.broadcast %sub3A_306 : f32 to vector<128x1xf32>
    %sub3A_308 = arith.subf %sub3A_307, %sub3A_305 : vector<128x1xf32>
    %sub3A_309 = arith.subf %broadcast_in_dim3A_134, %broadcast_in_dim3A_128 : vector<128x1xf32>
    %sub3A_310 = arith.constant 4.096000e+03 : f32
    %sub3A_311 = vector.broadcast %sub3A_310 : f32 to vector<128x1xf32>
    %sub3A_312 = arith.subf %sub3A_311, %sub3A_309 : vector<128x1xf32>
    %sub3A_313 = arith.subf %broadcast_in_dim3A_140, %broadcast_in_dim3A_134 : vector<128x1xf32>
    %sub3A_314 = arith.constant 4.096000e+03 : f32
    %sub3A_315 = vector.broadcast %sub3A_314 : f32 to vector<128x1xf32>
    %sub3A_316 = arith.subf %sub3A_315, %sub3A_313 : vector<128x1xf32>
    %sub3A_317 = arith.subf %broadcast_in_dim3A_146, %broadcast_in_dim3A_140 : vector<128x1xf32>
    %sub3A_318 = arith.constant 4.096000e+03 : f32
    %sub3A_319 = vector.broadcast %sub3A_318 : f32 to vector<128x1xf32>
    %sub3A_320 = arith.subf %sub3A_319, %sub3A_317 : vector<128x1xf32>
    %sub3A_321 = arith.subf %broadcast_in_dim3A_152, %broadcast_in_dim3A_146 : vector<128x1xf32>
    %sub3A_322 = arith.constant 4.096000e+03 : f32
    %sub3A_323 = vector.broadcast %sub3A_322 : f32 to vector<128x1xf32>
    %sub3A_324 = arith.subf %sub3A_323, %sub3A_321 : vector<128x1xf32>
    %sub3A_325 = arith.subf %broadcast_in_dim3A_158, %broadcast_in_dim3A_152 : vector<128x1xf32>
    %sub3A_326 = arith.constant 4.096000e+03 : f32
    %sub3A_327 = vector.broadcast %sub3A_326 : f32 to vector<128x1xf32>
    %sub3A_328 = arith.subf %sub3A_327, %sub3A_325 : vector<128x1xf32>
    %sub3A_329 = arith.subf %broadcast_in_dim3A_164, %broadcast_in_dim3A_158 : vector<128x1xf32>
    %sub3A_330 = arith.constant 4.096000e+03 : f32
    %sub3A_331 = vector.broadcast %sub3A_330 : f32 to vector<128x1xf32>
    %sub3A_332 = arith.subf %sub3A_331, %sub3A_329 : vector<128x1xf32>
    %sub3A_333 = arith.subf %broadcast_in_dim3A_170, %broadcast_in_dim3A_164 : vector<128x1xf32>
    %sub3A_334 = arith.constant 4.096000e+03 : f32
    %sub3A_335 = vector.broadcast %sub3A_334 : f32 to vector<128x1xf32>
    %sub3A_336 = arith.subf %sub3A_335, %sub3A_333 : vector<128x1xf32>
    %sub3A_337 = arith.subf %broadcast_in_dim3A_176, %broadcast_in_dim3A_170 : vector<128x1xf32>
    %sub3A_338 = arith.constant 4.096000e+03 : f32
    %sub3A_339 = vector.broadcast %sub3A_338 : f32 to vector<128x1xf32>
    %sub3A_340 = arith.subf %sub3A_339, %sub3A_337 : vector<128x1xf32>
    %sub3A_341 = arith.subf %broadcast_in_dim3A_182, %broadcast_in_dim3A_176 : vector<128x1xf32>
    %sub3A_342 = arith.constant 4.096000e+03 : f32
    %sub3A_343 = vector.broadcast %sub3A_342 : f32 to vector<128x1xf32>
    %sub3A_344 = arith.subf %sub3A_343, %sub3A_341 : vector<128x1xf32>
    %sub3A_345 = arith.subf %broadcast_in_dim3A_188, %broadcast_in_dim3A_182 : vector<128x1xf32>
    %sub3A_346 = arith.constant 4.096000e+03 : f32
    %sub3A_347 = vector.broadcast %sub3A_346 : f32 to vector<128x1xf32>
    %sub3A_348 = arith.subf %sub3A_347, %sub3A_345 : vector<128x1xf32>
    %sub3A_349 = arith.subf %broadcast_in_dim3A_194, %broadcast_in_dim3A_188 : vector<128x1xf32>
    %sub3A_350 = arith.constant 4.096000e+03 : f32
    %sub3A_351 = vector.broadcast %sub3A_350 : f32 to vector<128x1xf32>
    %sub3A_352 = arith.subf %sub3A_351, %sub3A_349 : vector<128x1xf32>
    %sub3A_353 = arith.subf %broadcast_in_dim3A_200, %broadcast_in_dim3A_194 : vector<128x1xf32>
    %sub3A_354 = arith.constant 4.096000e+03 : f32
    %sub3A_355 = vector.broadcast %sub3A_354 : f32 to vector<128x1xf32>
    %sub3A_356 = arith.subf %sub3A_355, %sub3A_353 : vector<128x1xf32>
    %sub3A_357 = arith.subf %broadcast_in_dim3A_206, %broadcast_in_dim3A_200 : vector<128x1xf32>
    %sub3A_358 = arith.constant 4.096000e+03 : f32
    %sub3A_359 = vector.broadcast %sub3A_358 : f32 to vector<128x1xf32>
    %sub3A_360 = arith.subf %sub3A_359, %sub3A_357 : vector<128x1xf32>
    %sub3A_361 = arith.subf %broadcast_in_dim3A_212, %broadcast_in_dim3A_206 : vector<128x1xf32>
    %sub3A_362 = arith.constant 4.096000e+03 : f32
    %sub3A_363 = vector.broadcast %sub3A_362 : f32 to vector<128x1xf32>
    %sub3A_364 = arith.subf %sub3A_363, %sub3A_361 : vector<128x1xf32>
    %sub3A_365 = arith.subf %broadcast_in_dim3A_218, %broadcast_in_dim3A_212 : vector<128x1xf32>
    %sub3A_366 = arith.constant 4.096000e+03 : f32
    %sub3A_367 = vector.broadcast %sub3A_366 : f32 to vector<128x1xf32>
    %sub3A_368 = arith.subf %sub3A_367, %sub3A_365 : vector<128x1xf32>
    %sub3A_369 = arith.subf %broadcast_in_dim3A_224, %broadcast_in_dim3A_218 : vector<128x1xf32>
    %sub3A_370 = arith.constant 4.096000e+03 : f32
    %sub3A_371 = vector.broadcast %sub3A_370 : f32 to vector<128x1xf32>
    %sub3A_372 = arith.subf %sub3A_371, %sub3A_369 : vector<128x1xf32>
    %sub3A_373 = arith.subf %broadcast_in_dim3A_230, %broadcast_in_dim3A_224 : vector<128x1xf32>
    %sub3A_374 = arith.constant 4.096000e+03 : f32
    %sub3A_375 = vector.broadcast %sub3A_374 : f32 to vector<128x1xf32>
    %sub3A_376 = arith.subf %sub3A_375, %sub3A_373 : vector<128x1xf32>
    %sub3A_377 = arith.subf %broadcast_in_dim3A_236, %broadcast_in_dim3A_230 : vector<128x1xf32>
    %sub3A_378 = arith.constant 4.096000e+03 : f32
    %sub3A_379 = vector.broadcast %sub3A_378 : f32 to vector<128x1xf32>
    %sub3A_380 = arith.subf %sub3A_379, %sub3A_377 : vector<128x1xf32>
    %sub3A_381 = arith.subf %broadcast_in_dim3A_242, %broadcast_in_dim3A_236 : vector<128x1xf32>
    %sub3A_382 = arith.constant 4.096000e+03 : f32
    %sub3A_383 = vector.broadcast %sub3A_382 : f32 to vector<128x1xf32>
    %sub3A_384 = arith.subf %sub3A_383, %sub3A_381 : vector<128x1xf32>
    %sub3A_385 = arith.subf %broadcast_in_dim3A_248, %broadcast_in_dim3A_242 : vector<128x1xf32>
    %sub3A_386 = arith.constant 4.096000e+03 : f32
    %sub3A_387 = vector.broadcast %sub3A_386 : f32 to vector<128x1xf32>
    %sub3A_388 = arith.subf %sub3A_387, %sub3A_385 : vector<128x1xf32>
    %sub3A_389 = arith.subf %broadcast_in_dim3A_254, %broadcast_in_dim3A_248 : vector<128x1xf32>
    %sub3A_390 = arith.constant 4.096000e+03 : f32
    %sub3A_391 = vector.broadcast %sub3A_390 : f32 to vector<128x1xf32>
    %sub3A_392 = arith.subf %sub3A_391, %sub3A_389 : vector<128x1xf32>
    %sub3A_393 = arith.subf %broadcast_in_dim3A_260, %broadcast_in_dim3A_254 : vector<128x1xf32>
    %sub3A_394 = arith.constant 4.096000e+03 : f32
    %sub3A_395 = vector.broadcast %sub3A_394 : f32 to vector<128x1xf32>
    %sub3A_396 = arith.subf %sub3A_395, %sub3A_393 : vector<128x1xf32>
    %sub3A_397 = arith.subf %broadcast_in_dim3A_266, %broadcast_in_dim3A_260 : vector<128x1xf32>
    %sub3A_398 = arith.constant 4.096000e+03 : f32
    %sub3A_399 = vector.broadcast %sub3A_398 : f32 to vector<128x1xf32>
    %sub3A_400 = arith.subf %sub3A_399, %sub3A_397 : vector<128x1xf32>
    %sub3A_401 = arith.subf %broadcast_in_dim3A_272, %broadcast_in_dim3A_266 : vector<128x1xf32>
    %sub3A_402 = arith.constant 4.096000e+03 : f32
    %sub3A_403 = vector.broadcast %sub3A_402 : f32 to vector<128x1xf32>
    %sub3A_404 = arith.subf %sub3A_403, %sub3A_401 : vector<128x1xf32>
    %sub3A_405 = arith.subf %broadcast_in_dim3A_278, %broadcast_in_dim3A_272 : vector<128x1xf32>
    %sub3A_406 = arith.constant 4.096000e+03 : f32
    %sub3A_407 = vector.broadcast %sub3A_406 : f32 to vector<128x1xf32>
    %sub3A_408 = arith.subf %sub3A_407, %sub3A_405 : vector<128x1xf32>
    %sub3A_409 = arith.subf %broadcast_in_dim3A_284, %broadcast_in_dim3A_278 : vector<128x1xf32>
    %sub3A_410 = arith.constant 4.096000e+03 : f32
    %sub3A_411 = vector.broadcast %sub3A_410 : f32 to vector<128x1xf32>
    %sub3A_412 = arith.subf %sub3A_411, %sub3A_409 : vector<128x1xf32>
    %concatenate3A_413 = tpu.concatenate %sub3A_288, %sub3A_292, %sub3A_296, %sub3A_300, %sub3A_304, %sub3A_308, %sub3A_312, %sub3A_316, %sub3A_320, %sub3A_324, %sub3A_328, %sub3A_332, %sub3A_336, %sub3A_340, %sub3A_344, %sub3A_348, %sub3A_352, %sub3A_356, %sub3A_360, %sub3A_364, %sub3A_368, %sub3A_372, %sub3A_376, %sub3A_380, %sub3A_384, %sub3A_388, %sub3A_392, %sub3A_396, %sub3A_400, %sub3A_404, %sub3A_408, %sub3A_412 in 1 : vector<128x1xf32>, vector<128x1xf32>, vector<128x1xf32>, vector<128x1xf32>, vector<128x1xf32>, vector<128x1xf32>, vector<128x1xf32>, vector<128x1xf32>, vector<128x1xf32>, vector<128x1xf32>, vector<128x1xf32>, vector<128x1xf32>, vector<128x1xf32>, vector<128x1xf32>, vector<128x1xf32>, vector<128x1xf32>, vector<128x1xf32>, vector<128x1xf32>, vector<128x1xf32>, vector<128x1xf32>, vector<128x1xf32>, vector<128x1xf32>, vector<128x1xf32>, vector<128x1xf32>, vector<128x1xf32>, vector<128x1xf32>, vector<128x1xf32>, vector<128x1xf32>, vector<128x1xf32>, vector<128x1xf32>, vector<128x1xf32>, vector<128x1xf32> -> vector<128x32xf32>
    %iota3A = tpu.iota {dimensions = array<i32: 1>} : vector<128x32xi32>
    %convert_element_type3A = arith.fptosi %slice3A_87 : vector<128x1xf32> to vector<128x1xi32>
    %lt3A = vector.broadcast %convert_element_type3A : vector<128x1xi32> to vector<128x32xi32>
    %lt3A_414 = arith.cmpi slt, %iota3A, %lt3A : vector<128x32xi32>
    %broadcast_in_dim3A_415 = vector.shape_cast %sub3A_288 : vector<128x1xf32> to vector<128x1xf32>
    %broadcast_in_dim3A_416 = vector.broadcast %broadcast_in_dim3A_415 : vector<128x1xf32> to vector<128x32xf32>
    %select_n3A_417 = arith.select %lt3A_414, %concatenate3A_413, %broadcast_in_dim3A_416 : vector<128x32xi1>, vector<128x32xf32>
    %convert_element_type3A_418 = arith.fptosi %select_n3A_417 : vector<128x32xf32> to vector<128x32xi32>
    %mul3A_419 = arith.constant 4096 : i32
    %mul3A_420 = arith.muli %arg0, %mul3A_419 : i32
    %add3A_421 = vector.broadcast %mul3A_420 : i32 to vector<128x32xi32>
    %add3A_422 = arith.addi %convert_element_type3A_418, %add3A_421 : vector<128x32xi32>
    %broadcast_in_dim3A_423 = vector.shape_cast %add3A_422 : vector<128x32xi32> to vector<1x128x32xi32>
    %swap3A = arith.constant 0 : index
    %swap3A_424 = arith.constant 0 : index
    %swap3A_425 = arith.constant 0 : index
    %swap3A_426 = vector.load %arg4[%swap3A, %swap3A_424, %swap3A_425] : memref<1x128x32xi32, #tpu.memory_space<vmem>>, vector<1x128x32xi32>
    tpu.vector_store %arg4[%swap3A, %swap3A_424, %swap3A_425], %broadcast_in_dim3A_423 {strides = array<i32>} : memref<1x128x32xi32, #tpu.memory_space<vmem>>, vector<1x128x32xi32>,
    return
  }
  func.func @transform_0(%arg0: i32, %arg1: i32) -> (i32, i32, i32) {
    %c0_i32 = arith.constant 0 : i32
    %c0_i32_0 = arith.constant 0 : i32
    return %arg0, %arg1, %c0_i32 : i32, i32, i32
  }
  func.func @transform_1(%arg0: i32, %arg1: i32) -> (i32, i32, i32) {
    %c0_i32 = arith.constant 0 : i32
    %c0_i32_0 = arith.constant 0 : i32
    %c0_i32_1 = arith.constant 0 : i32
    return %arg0, %c0_i32, %c0_i32_0 : i32, i32, i32
  }
  func.func @transform_2(%arg0: i32, %arg1: i32) -> (i32, i32, i32) {
    %c0_i32 = arith.constant 0 : i32
    %c0_i32_0 = arith.constant 0 : i32
    return %arg0, %arg1, %c0_i32 : i32, i32, i32
  }
}

module attributes {stable_mosaic.version = 14 : i64} {
  func.func @_fps_body(%arg0: memref<8x512xf32, #tpu.memory_space<vmem>>, %arg1: memref<8x512xf32, #tpu.memory_space<vmem>>, %arg2: memref<8x512xf32, #tpu.memory_space<vmem>>, %arg3: memref<8x128xi32, #tpu.memory_space<vmem>>, %arg4: memref<8x128xf32, #tpu.memory_space<vmem>>, %arg5: memref<8x128xf32, #tpu.memory_space<vmem>>, %arg6: memref<8x128xf32, #tpu.memory_space<vmem>>) attributes {dimension_semantics = [], scalar_prefetch = 0 : i64, scratch_operands = 0 : i64, tpu.core_type = #tpu.core_type<tc>} {
    %get3A = arith.constant 0 : index
    %get3A_0 = arith.constant 0 : index
    %get3A_1 = vector.load %arg0[%get3A, %get3A_0] : memref<8x512xf32, #tpu.memory_space<vmem>>, vector<8x512xf32>
    %get3A_2 = arith.constant 0 : index
    %get3A_3 = arith.constant 0 : index
    %get3A_4 = vector.load %arg1[%get3A_2, %get3A_3] : memref<8x512xf32, #tpu.memory_space<vmem>>, vector<8x512xf32>
    %get3A_5 = arith.constant 0 : index
    %get3A_6 = arith.constant 0 : index
    %get3A_7 = vector.load %arg2[%get3A_5, %get3A_6] : memref<8x512xf32, #tpu.memory_space<vmem>>, vector<8x512xf32>
    %iota3A = tpu.iota {dimensions = array<i32: 1>} : vector<8x512xi32>
    %convert_element_type3A = arith.sitofp %iota3A : vector<8x512xi32> to vector<8x512xf32>
    %iota3A_8 = tpu.iota {dimensions = array<i32: 1>} : vector<8x128xi32>
    %convert_element_type3A_9 = arith.sitofp %iota3A_8 : vector<8x128xi32> to vector<8x128xf32>
    %mul3A = arith.constant 0.000000e+00 : f32
    %mul3A_10 = vector.broadcast %mul3A : f32 to vector<8x128xf32>
    %mul3A_11 = arith.mulf %convert_element_type3A_9, %mul3A_10 : vector<8x128xf32>
    %iota3A_12 = tpu.iota {dimensions = array<i32: 0>} : vector<8x128xi32>
    %convert_element_type3A_13 = arith.sitofp %iota3A_12 : vector<8x128xi32> to vector<8x128xf32>
    %mul3A_14 = arith.constant 0.000000e+00 : f32
    %mul3A_15 = vector.broadcast %mul3A_14 : f32 to vector<8x128xf32>
    %mul3A_16 = arith.mulf %convert_element_type3A_13, %mul3A_15 : vector<8x128xf32>
    %add3A = arith.addf %mul3A_11, %mul3A_16 : vector<8x128xf32>
    %mul3A_17 = arith.constant 0.000000e+00 : f32
    %mul3A_18 = vector.broadcast %mul3A_17 : f32 to vector<8x512xf32>
    %mul3A_19 = arith.mulf %convert_element_type3A, %mul3A_18 : vector<8x512xf32>
    %iota3A_20 = tpu.iota {dimensions = array<i32: 0>} : vector<8x512xi32>
    %convert_element_type3A_21 = arith.sitofp %iota3A_20 : vector<8x512xi32> to vector<8x512xf32>
    %mul3A_22 = arith.constant 0.000000e+00 : f32
    %mul3A_23 = vector.broadcast %mul3A_22 : f32 to vector<8x512xf32>
    %mul3A_24 = arith.mulf %convert_element_type3A_21, %mul3A_23 : vector<8x512xf32>
    %add3A_25 = arith.addf %mul3A_19, %mul3A_24 : vector<8x512xf32>
    %add3A_26 = arith.constant 1.000000e+10 : f32
    %add3A_27 = vector.broadcast %add3A_26 : f32 to vector<8x512xf32>
    %add3A_28 = arith.addf %add3A_25, %add3A_27 : vector<8x512xf32>
    %broadcast_in_dim3A = arith.constant 0.000000e+00 : f32
    %broadcast_in_dim3A_29 = vector.broadcast %broadcast_in_dim3A : f32 to vector<8x1xf32>
    %scan3A = arith.constant 0 : i32
    %scan3A_30 = arith.constant 128 : i32
    %scan3A_31 = arith.addi %scan3A, %scan3A_30 : i32
    %scan3A_32 = arith.constant 1 : i32
    %scan3A_33:6 = scf.for %scan3A_47 = %scan3A to %scan3A_31 step %scan3A_32 iter_args(%scan3A_48 = %add3A, %scan3A_49 = %add3A, %scan3A_50 = %add3A, %scan3A_51 = %add3A, %scan3A_52 = %add3A_28, %scan3A_53 = %broadcast_in_dim3A_29) -> (vector<8x128xf32>, vector<8x128xf32>, vector<8x128xf32>, vector<8x128xf32>, vector<8x512xf32>, vector<8x1xf32>)  : i32 {
      %eq3A = vector.broadcast %scan3A_53 : vector<8x1xf32> to vector<8x512xf32>
      %eq3A_54 = arith.cmpf oeq, %convert_element_type3A, %eq3A : vector<8x512xf32>
      %jit3A = arith.constant 0.000000e+00 : f32
      %broadcast_in_dim3A_55 = vector.broadcast %jit3A : f32 to vector<8x512xf32>
      %select_n3A = arith.select %eq3A_54, %get3A_1, %broadcast_in_dim3A_55 : vector<8x512xi1>, vector<8x512xf32>
      %reduce_sum3A = arith.constant dense<0.000000e+00> : vector<8xf32>
      %reduce_sum3A_56 = vector.multi_reduction <add>, %select_n3A, %reduce_sum3A [1] : vector<8x512xf32> to vector<8xf32>
      %broadcast_in_dim3A_57 = vector.shape_cast %reduce_sum3A_56 : vector<8xf32> to vector<8x1xf32>
      %jit3A_58 = arith.constant 0.000000e+00 : f32
      %broadcast_in_dim3A_59 = vector.broadcast %jit3A_58 : f32 to vector<8x512xf32>
      %select_n3A_60 = arith.select %eq3A_54, %get3A_4, %broadcast_in_dim3A_59 : vector<8x512xi1>, vector<8x512xf32>
      %reduce_sum3A_61 = arith.constant dense<0.000000e+00> : vector<8xf32>
      %reduce_sum3A_62 = vector.multi_reduction <add>, %select_n3A_60, %reduce_sum3A_61 [1] : vector<8x512xf32> to vector<8xf32>
      %broadcast_in_dim3A_63 = vector.shape_cast %reduce_sum3A_62 : vector<8xf32> to vector<8x1xf32>
      %jit3A_64 = arith.constant 0.000000e+00 : f32
      %broadcast_in_dim3A_65 = vector.broadcast %jit3A_64 : f32 to vector<8x512xf32>
      %select_n3A_66 = arith.select %eq3A_54, %get3A_7, %broadcast_in_dim3A_65 : vector<8x512xi1>, vector<8x512xf32>
      %reduce_sum3A_67 = arith.constant dense<0.000000e+00> : vector<8xf32>
      %reduce_sum3A_68 = vector.multi_reduction <add>, %select_n3A_66, %reduce_sum3A_67 [1] : vector<8x512xf32> to vector<8xf32>
      %broadcast_in_dim3A_69 = vector.shape_cast %reduce_sum3A_68 : vector<8xf32> to vector<8x1xf32>
      %convert_element_type3A_70 = arith.sitofp %scan3A_47 : i32 to f32
      %eq3A_71 = vector.broadcast %convert_element_type3A_70 : f32 to vector<8x128xf32>
      %eq3A_72 = arith.cmpf oeq, %convert_element_type3A_9, %eq3A_71 : vector<8x128xf32>
      %jit3A_73 = arith.constant 1.000000e+00 : f32
      %jit3A_74 = arith.constant 0.000000e+00 : f32
      %broadcast_in_dim3A_75 = vector.broadcast %jit3A_73 : f32 to vector<8x128xf32>
      %broadcast_in_dim3A_76 = vector.broadcast %jit3A_74 : f32 to vector<8x128xf32>
      %select_n3A_77 = arith.select %eq3A_72, %broadcast_in_dim3A_75, %broadcast_in_dim3A_76 : vector<8x128xi1>, vector<8x128xf32>
      %mul3A_78 = vector.broadcast %scan3A_53 : vector<8x1xf32> to vector<8x128xf32>
      %mul3A_79 = arith.mulf %select_n3A_77, %mul3A_78 : vector<8x128xf32>
      %add3A_80 = arith.addf %scan3A_48, %mul3A_79 : vector<8x128xf32>
      %mul3A_81 = vector.broadcast %broadcast_in_dim3A_57 : vector<8x1xf32> to vector<8x128xf32>
      %mul3A_82 = arith.mulf %select_n3A_77, %mul3A_81 : vector<8x128xf32>
      %add3A_83 = arith.addf %scan3A_49, %mul3A_82 : vector<8x128xf32>
      %mul3A_84 = vector.broadcast %broadcast_in_dim3A_63 : vector<8x1xf32> to vector<8x128xf32>
      %mul3A_85 = arith.mulf %select_n3A_77, %mul3A_84 : vector<8x128xf32>
      %add3A_86 = arith.addf %scan3A_50, %mul3A_85 : vector<8x128xf32>
      %mul3A_87 = vector.broadcast %broadcast_in_dim3A_69 : vector<8x1xf32> to vector<8x128xf32>
      %mul3A_88 = arith.mulf %select_n3A_77, %mul3A_87 : vector<8x128xf32>
      %add3A_89 = arith.addf %scan3A_51, %mul3A_88 : vector<8x128xf32>
      %sub3A = vector.broadcast %broadcast_in_dim3A_57 : vector<8x1xf32> to vector<8x512xf32>
      %sub3A_90 = arith.subf %get3A_1, %sub3A : vector<8x512xf32>
      %sub3A_91 = vector.broadcast %broadcast_in_dim3A_63 : vector<8x1xf32> to vector<8x512xf32>
      %sub3A_92 = arith.subf %get3A_4, %sub3A_91 : vector<8x512xf32>
      %sub3A_93 = vector.broadcast %broadcast_in_dim3A_69 : vector<8x1xf32> to vector<8x512xf32>
      %sub3A_94 = arith.subf %get3A_7, %sub3A_93 : vector<8x512xf32>
      %mul3A_95 = arith.mulf %sub3A_90, %sub3A_90 : vector<8x512xf32>
      %mul3A_96 = arith.mulf %sub3A_92, %sub3A_92 : vector<8x512xf32>
      %add3A_97 = arith.addf %mul3A_95, %mul3A_96 : vector<8x512xf32>
      %mul3A_98 = arith.mulf %sub3A_94, %sub3A_94 : vector<8x512xf32>
      %add3A_99 = arith.addf %add3A_97, %mul3A_98 : vector<8x512xf32>
      %min3A = arith.minimumf %scan3A_52, %add3A_99 : vector<8x512xf32>
      %reduce_max3A = arith.constant dense<0xFF800000> : vector<8xf32>
      %reduce_max3A_100 = vector.multi_reduction <maximumf>, %min3A, %reduce_max3A [1] : vector<8x512xf32> to vector<8xf32>
      %broadcast_in_dim3A_101 = vector.shape_cast %reduce_max3A_100 : vector<8xf32> to vector<8x1xf32>
      %eq3A_102 = vector.broadcast %broadcast_in_dim3A_101 : vector<8x1xf32> to vector<8x512xf32>
      %eq3A_103 = arith.cmpf oeq, %min3A, %eq3A_102 : vector<8x512xf32>
      %jit3A_104 = arith.constant 5.120000e+02 : f32
      %broadcast_in_dim3A_105 = vector.broadcast %jit3A_104 : f32 to vector<8x512xf32>
      %select_n3A_106 = arith.select %eq3A_103, %convert_element_type3A, %broadcast_in_dim3A_105 : vector<8x512xi1>, vector<8x512xf32>
      %reduce_min3A = arith.constant dense<0x7F800000> : vector<8xf32>
      %reduce_min3A_107 = vector.multi_reduction <minimumf>, %select_n3A_106, %reduce_min3A [1] : vector<8x512xf32> to vector<8xf32>
      %broadcast_in_dim3A_108 = vector.shape_cast %reduce_min3A_107 : vector<8xf32> to vector<8x1xf32>
      scf.yield %add3A_80, %add3A_83, %add3A_86, %add3A_89, %min3A, %broadcast_in_dim3A_108 : vector<8x128xf32>, vector<8x128xf32>, vector<8x128xf32>, vector<8x128xf32>, vector<8x512xf32>, vector<8x1xf32>
    }
    %scan3A_34 = arith.constant 128 : i32
    %convert_element_type3A_35 = arith.fptosi %scan3A_33#0 : vector<8x128xf32> to vector<8x128xi32>
    %swap3A = arith.constant 0 : index
    %swap3A_36 = arith.constant 0 : index
    %swap3A_37 = vector.load %arg3[%swap3A, %swap3A_36] : memref<8x128xi32, #tpu.memory_space<vmem>>, vector<8x128xi32>
    tpu.vector_store %arg3[%swap3A, %swap3A_36], %convert_element_type3A_35 {strides = array<i32>} : memref<8x128xi32, #tpu.memory_space<vmem>>, vector<8x128xi32>,
    %swap3A_38 = arith.constant 0 : index
    %swap3A_39 = arith.constant 0 : index
    %swap3A_40 = vector.load %arg4[%swap3A_38, %swap3A_39] : memref<8x128xf32, #tpu.memory_space<vmem>>, vector<8x128xf32>
    tpu.vector_store %arg4[%swap3A_38, %swap3A_39], %scan3A_33#1 {strides = array<i32>} : memref<8x128xf32, #tpu.memory_space<vmem>>, vector<8x128xf32>,
    %swap3A_41 = arith.constant 0 : index
    %swap3A_42 = arith.constant 0 : index
    %swap3A_43 = vector.load %arg5[%swap3A_41, %swap3A_42] : memref<8x128xf32, #tpu.memory_space<vmem>>, vector<8x128xf32>
    tpu.vector_store %arg5[%swap3A_41, %swap3A_42], %scan3A_33#2 {strides = array<i32>} : memref<8x128xf32, #tpu.memory_space<vmem>>, vector<8x128xf32>,
    %swap3A_44 = arith.constant 0 : index
    %swap3A_45 = arith.constant 0 : index
    %swap3A_46 = vector.load %arg6[%swap3A_44, %swap3A_45] : memref<8x128xf32, #tpu.memory_space<vmem>>, vector<8x128xf32>
    tpu.vector_store %arg6[%swap3A_44, %swap3A_45], %scan3A_33#3 {strides = array<i32>} : memref<8x128xf32, #tpu.memory_space<vmem>>, vector<8x128xf32>,
    return
  }
}

module attributes {stable_mosaic.version = 14 : i64} {
  func.func @_ballq_body(%arg0: i32, %arg1: i32, %arg2: memref<1x128x3xf32, #tpu.memory_space<vmem>>, %arg3: memref<1x3x512xf32, #tpu.memory_space<vmem>>, %arg4: memref<1x128x64xi32, #tpu.memory_space<vmem>>) attributes {dimension_semantics = [#tpu.dimension_semantics<arbitrary>, #tpu.dimension_semantics<arbitrary>], iteration_bounds = array<i64: 8, 1>, scalar_prefetch = 0 : i64, scratch_operands = 0 : i64, tpu.core_type = #tpu.core_type<tc>, window_params = [{transform_indices = @transform_0, window_bounds = array<i64: 1, 128, 3>}, {transform_indices = @transform_1, window_bounds = array<i64: 1, 3, 512>}, {transform_indices = @transform_2, window_bounds = array<i64: 1, 128, 64>}]} {
    %get3A = arith.constant 0 : index
    %get3A_0 = arith.constant 0 : index
    %get3A_1 = arith.constant 0 : index
    %get3A_2 = vector.load %arg2[%get3A, %get3A_0, %get3A_1] : memref<1x128x3xf32, #tpu.memory_space<vmem>>, vector<1x128x3xf32>
    %get3A_3 = vector.shape_cast %get3A_2 : vector<1x128x3xf32> to vector<128x3xf32>
    %get3A_4 = arith.constant 0 : index
    %get3A_5 = arith.constant 0 : index
    %get3A_6 = arith.constant 0 : index
    %get3A_7 = vector.load %arg3[%get3A_4, %get3A_5, %get3A_6] : memref<1x3x512xf32, #tpu.memory_space<vmem>>, vector<1x3x512xf32>
    %get3A_8 = vector.shape_cast %get3A_7 : vector<1x3x512xf32> to vector<3x512xf32>
    %slice3A = vector.extract_strided_slice %get3A_3 {offsets = [0, 0], sizes = [128, 1], strides = [1, 1]} : vector<128x3xf32> to vector<128x1xf32>
    %slice3A_9 = vector.extract_strided_slice %get3A_3 {offsets = [0, 1], sizes = [128, 1], strides = [1, 1]} : vector<128x3xf32> to vector<128x1xf32>
    %slice3A_10 = vector.extract_strided_slice %get3A_3 {offsets = [0, 2], sizes = [128, 1], strides = [1, 1]} : vector<128x3xf32> to vector<128x1xf32>
    %mul3A = arith.mulf %slice3A, %slice3A : vector<128x1xf32>
    %mul3A_11 = arith.mulf %slice3A_9, %slice3A_9 : vector<128x1xf32>
    %add3A = arith.addf %mul3A, %mul3A_11 : vector<128x1xf32>
    %mul3A_12 = arith.mulf %slice3A_10, %slice3A_10 : vector<128x1xf32>
    %add3A_13 = arith.addf %add3A, %mul3A_12 : vector<128x1xf32>
    %mul3A_14 = arith.mulf %get3A_8, %get3A_8 : vector<3x512xf32>
    %reduce_sum3A = arith.constant dense<0.000000e+00> : vector<512xf32>
    %reduce_sum3A_15 = vector.multi_reduction <add>, %mul3A_14, %reduce_sum3A [0] : vector<3x512xf32> to vector<512xf32>
    %broadcast_in_dim3A = vector.shape_cast %reduce_sum3A_15 : vector<512xf32> to vector<1x512xf32>
    %dot_general3A = arith.constant dense<0.000000e+00> : vector<128x512xf32>
    %dot_general3A_16 = tpu.matmul %get3A_3, %get3A_8, %dot_general3A {dimension_numbers = #tpu.dot_dimension_numbers<[1], [0], [0], [1], [0, 0, 1, 1], [], []>, transpose_lhs_hint = false} : vector<128x3xf32>, vector<3x512xf32>, vector<128x512xf32> -> vector<128x512xf32>
    %add3A_17 = vector.broadcast %add3A_13 : vector<128x1xf32> to vector<128x512xf32>
    %add3A_18 = vector.broadcast %broadcast_in_dim3A : vector<1x512xf32> to vector<128x512xf32>
    %add3A_19 = arith.addf %add3A_17, %add3A_18 : vector<128x512xf32>
    %mul3A_20 = arith.constant 2.000000e+00 : f32
    %mul3A_21 = vector.broadcast %mul3A_20 : f32 to vector<128x512xf32>
    %mul3A_22 = arith.mulf %mul3A_21, %dot_general3A_16 : vector<128x512xf32>
    %sub3A = arith.subf %add3A_19, %mul3A_22 : vector<128x512xf32>
    %gt3A = arith.constant 1.600000e-01 : f32
    %gt3A_23 = vector.broadcast %gt3A : f32 to vector<128x512xf32>
    %gt3A_24 = arith.cmpf ogt, %sub3A, %gt3A_23 : vector<128x512xf32>
    %jit3A = arith.constant 0.000000e+00 : f32
    %jit3A_25 = arith.constant 1.000000e+00 : f32
    %broadcast_in_dim3A_26 = vector.broadcast %jit3A : f32 to vector<128x512xf32>
    %broadcast_in_dim3A_27 = vector.broadcast %jit3A_25 : f32 to vector<128x512xf32>
    %select_n3A = arith.select %gt3A_24, %broadcast_in_dim3A_26, %broadcast_in_dim3A_27 : vector<128x512xi1>, vector<128x512xf32>
    %broadcast_in_dim3A_28 = arith.constant 0.000000e+00 : f32
    %broadcast_in_dim3A_29 = vector.broadcast %broadcast_in_dim3A_28 : f32 to vector<128x1xf32>
    %slice3A_30 = vector.extract_strided_slice %select_n3A {offsets = [0, 0], sizes = [128, 511], strides = [1, 1]} : vector<128x512xf32> to vector<128x511xf32>
    %concatenate3A = tpu.concatenate %broadcast_in_dim3A_29, %slice3A_30 in 1 : vector<128x1xf32>, vector<128x511xf32> -> vector<128x512xf32>
    %add3A_31 = arith.addf %select_n3A, %concatenate3A : vector<128x512xf32>
    %broadcast_in_dim3A_32 = arith.constant 0.000000e+00 : f32
    %broadcast_in_dim3A_33 = vector.broadcast %broadcast_in_dim3A_32 : f32 to vector<128x2xf32>
    %slice3A_34 = vector.extract_strided_slice %add3A_31 {offsets = [0, 0], sizes = [128, 510], strides = [1, 1]} : vector<128x512xf32> to vector<128x510xf32>
    %concatenate3A_35 = tpu.concatenate %broadcast_in_dim3A_33, %slice3A_34 in 1 : vector<128x2xf32>, vector<128x510xf32> -> vector<128x512xf32>
    %add3A_36 = arith.addf %add3A_31, %concatenate3A_35 : vector<128x512xf32>
    %broadcast_in_dim3A_37 = arith.constant 0.000000e+00 : f32
    %broadcast_in_dim3A_38 = vector.broadcast %broadcast_in_dim3A_37 : f32 to vector<128x4xf32>
    %slice3A_39 = vector.extract_strided_slice %add3A_36 {offsets = [0, 0], sizes = [128, 508], strides = [1, 1]} : vector<128x512xf32> to vector<128x508xf32>
    %concatenate3A_40 = tpu.concatenate %broadcast_in_dim3A_38, %slice3A_39 in 1 : vector<128x4xf32>, vector<128x508xf32> -> vector<128x512xf32>
    %add3A_41 = arith.addf %add3A_36, %concatenate3A_40 : vector<128x512xf32>
    %broadcast_in_dim3A_42 = arith.constant 0.000000e+00 : f32
    %broadcast_in_dim3A_43 = vector.broadcast %broadcast_in_dim3A_42 : f32 to vector<128x8xf32>
    %slice3A_44 = vector.extract_strided_slice %add3A_41 {offsets = [0, 0], sizes = [128, 504], strides = [1, 1]} : vector<128x512xf32> to vector<128x504xf32>
    %concatenate3A_45 = tpu.concatenate %broadcast_in_dim3A_43, %slice3A_44 in 1 : vector<128x8xf32>, vector<128x504xf32> -> vector<128x512xf32>
    %add3A_46 = arith.addf %add3A_41, %concatenate3A_45 : vector<128x512xf32>
    %broadcast_in_dim3A_47 = arith.constant 0.000000e+00 : f32
    %broadcast_in_dim3A_48 = vector.broadcast %broadcast_in_dim3A_47 : f32 to vector<128x16xf32>
    %slice3A_49 = vector.extract_strided_slice %add3A_46 {offsets = [0, 0], sizes = [128, 496], strides = [1, 1]} : vector<128x512xf32> to vector<128x496xf32>
    %concatenate3A_50 = tpu.concatenate %broadcast_in_dim3A_48, %slice3A_49 in 1 : vector<128x16xf32>, vector<128x496xf32> -> vector<128x512xf32>
    %add3A_51 = arith.addf %add3A_46, %concatenate3A_50 : vector<128x512xf32>
    %broadcast_in_dim3A_52 = arith.constant 0.000000e+00 : f32
    %broadcast_in_dim3A_53 = vector.broadcast %broadcast_in_dim3A_52 : f32 to vector<128x32xf32>
    %slice3A_54 = vector.extract_strided_slice %add3A_51 {offsets = [0, 0], sizes = [128, 480], strides = [1, 1]} : vector<128x512xf32> to vector<128x480xf32>
    %concatenate3A_55 = tpu.concatenate %broadcast_in_dim3A_53, %slice3A_54 in 1 : vector<128x32xf32>, vector<128x480xf32> -> vector<128x512xf32>
    %add3A_56 = arith.addf %add3A_51, %concatenate3A_55 : vector<128x512xf32>
    %broadcast_in_dim3A_57 = arith.constant 0.000000e+00 : f32
    %broadcast_in_dim3A_58 = vector.broadcast %broadcast_in_dim3A_57 : f32 to vector<128x64xf32>
    %slice3A_59 = vector.extract_strided_slice %add3A_56 {offsets = [0, 0], sizes = [128, 448], strides = [1, 1]} : vector<128x512xf32> to vector<128x448xf32>
    %concatenate3A_60 = tpu.concatenate %broadcast_in_dim3A_58, %slice3A_59 in 1 : vector<128x64xf32>, vector<128x448xf32> -> vector<128x512xf32>
    %add3A_61 = arith.addf %add3A_56, %concatenate3A_60 : vector<128x512xf32>
    %broadcast_in_dim3A_62 = arith.constant 0.000000e+00 : f32
    %broadcast_in_dim3A_63 = vector.broadcast %broadcast_in_dim3A_62 : f32 to vector<128x128xf32>
    %slice3A_64 = vector.extract_strided_slice %add3A_61 {offsets = [0, 0], sizes = [128, 384], strides = [1, 1]} : vector<128x512xf32> to vector<128x384xf32>
    %concatenate3A_65 = tpu.concatenate %broadcast_in_dim3A_63, %slice3A_64 in 1 : vector<128x128xf32>, vector<128x384xf32> -> vector<128x512xf32>
    %add3A_66 = arith.addf %add3A_61, %concatenate3A_65 : vector<128x512xf32>
    %broadcast_in_dim3A_67 = arith.constant 0.000000e+00 : f32
    %broadcast_in_dim3A_68 = vector.broadcast %broadcast_in_dim3A_67 : f32 to vector<128x256xf32>
    %slice3A_69 = vector.extract_strided_slice %add3A_66 {offsets = [0, 0], sizes = [128, 256], strides = [1, 1]} : vector<128x512xf32> to vector<128x256xf32>
    %concatenate3A_70 = tpu.concatenate %broadcast_in_dim3A_68, %slice3A_69 in 1 : vector<128x256xf32>, vector<128x256xf32> -> vector<128x512xf32>
    %add3A_71 = arith.addf %add3A_66, %concatenate3A_70 : vector<128x512xf32>
    %slice3A_72 = vector.extract_strided_slice %add3A_71 {offsets = [0, 511], sizes = [128, 1], strides = [1, 1]} : vector<128x512xf32> to vector<128x1xf32>
    %min3A = arith.constant 0.000000e+00 : f32
    %min3A_73 = vector.broadcast %min3A : f32 to vector<128x512xf32>
    %min3A_74 = arith.minimumf %add3A_71, %min3A_73 : vector<128x512xf32>
    %reduce_sum3A_75 = arith.constant dense<0.000000e+00> : vector<128xf32>
    %reduce_sum3A_76 = vector.multi_reduction <add>, %min3A_74, %reduce_sum3A_75 [1] : vector<128x512xf32> to vector<128xf32>
    %broadcast_in_dim3A_77 = vector.shape_cast %reduce_sum3A_76 : vector<128xf32> to vector<128x1xf32>
    %min3A_78 = arith.constant 1.000000e+00 : f32
    %min3A_79 = vector.broadcast %min3A_78 : f32 to vector<128x512xf32>
    %min3A_80 = arith.minimumf %add3A_71, %min3A_79 : vector<128x512xf32>
    %reduce_sum3A_81 = arith.constant dense<0.000000e+00> : vector<128xf32>
    %reduce_sum3A_82 = vector.multi_reduction <add>, %min3A_80, %reduce_sum3A_81 [1] : vector<128x512xf32> to vector<128xf32>
    %broadcast_in_dim3A_83 = vector.shape_cast %reduce_sum3A_82 : vector<128xf32> to vector<128x1xf32>
    %min3A_84 = arith.constant 2.000000e+00 : f32
    %min3A_85 = vector.broadcast %min3A_84 : f32 to vector<128x512xf32>
    %min3A_86 = arith.minimumf %add3A_71, %min3A_85 : vector<128x512xf32>
    %reduce_sum3A_87 = arith.constant dense<0.000000e+00> : vector<128xf32>
    %reduce_sum3A_88 = vector.multi_reduction <add>, %min3A_86, %reduce_sum3A_87 [1] : vector<128x512xf32> to vector<128xf32>
    %broadcast_in_dim3A_89 = vector.shape_cast %reduce_sum3A_88 : vector<128xf32> to vector<128x1xf32>
    %min3A_90 = arith.constant 3.000000e+00 : f32
    %min3A_91 = vector.broadcast %min3A_90 : f32 to vector<128x512xf32>
    %min3A_92 = arith.minimumf %add3A_71, %min3A_91 : vector<128x512xf32>
    %reduce_sum3A_93 = arith.constant dense<0.000000e+00> : vector<128xf32>
    %reduce_sum3A_94 = vector.multi_reduction <add>, %min3A_92, %reduce_sum3A_93 [1] : vector<128x512xf32> to vector<128xf32>
    %broadcast_in_dim3A_95 = vector.shape_cast %reduce_sum3A_94 : vector<128xf32> to vector<128x1xf32>
    %min3A_96 = arith.constant 4.000000e+00 : f32
    %min3A_97 = vector.broadcast %min3A_96 : f32 to vector<128x512xf32>
    %min3A_98 = arith.minimumf %add3A_71, %min3A_97 : vector<128x512xf32>
    %reduce_sum3A_99 = arith.constant dense<0.000000e+00> : vector<128xf32>
    %reduce_sum3A_100 = vector.multi_reduction <add>, %min3A_98, %reduce_sum3A_99 [1] : vector<128x512xf32> to vector<128xf32>
    %broadcast_in_dim3A_101 = vector.shape_cast %reduce_sum3A_100 : vector<128xf32> to vector<128x1xf32>
    %min3A_102 = arith.constant 5.000000e+00 : f32
    %min3A_103 = vector.broadcast %min3A_102 : f32 to vector<128x512xf32>
    %min3A_104 = arith.minimumf %add3A_71, %min3A_103 : vector<128x512xf32>
    %reduce_sum3A_105 = arith.constant dense<0.000000e+00> : vector<128xf32>
    %reduce_sum3A_106 = vector.multi_reduction <add>, %min3A_104, %reduce_sum3A_105 [1] : vector<128x512xf32> to vector<128xf32>
    %broadcast_in_dim3A_107 = vector.shape_cast %reduce_sum3A_106 : vector<128xf32> to vector<128x1xf32>
    %min3A_108 = arith.constant 6.000000e+00 : f32
    %min3A_109 = vector.broadcast %min3A_108 : f32 to vector<128x512xf32>
    %min3A_110 = arith.minimumf %add3A_71, %min3A_109 : vector<128x512xf32>
    %reduce_sum3A_111 = arith.constant dense<0.000000e+00> : vector<128xf32>
    %reduce_sum3A_112 = vector.multi_reduction <add>, %min3A_110, %reduce_sum3A_111 [1] : vector<128x512xf32> to vector<128xf32>
    %broadcast_in_dim3A_113 = vector.shape_cast %reduce_sum3A_112 : vector<128xf32> to vector<128x1xf32>
    %min3A_114 = arith.constant 7.000000e+00 : f32
    %min3A_115 = vector.broadcast %min3A_114 : f32 to vector<128x512xf32>
    %min3A_116 = arith.minimumf %add3A_71, %min3A_115 : vector<128x512xf32>
    %reduce_sum3A_117 = arith.constant dense<0.000000e+00> : vector<128xf32>
    %reduce_sum3A_118 = vector.multi_reduction <add>, %min3A_116, %reduce_sum3A_117 [1] : vector<128x512xf32> to vector<128xf32>
    %broadcast_in_dim3A_119 = vector.shape_cast %reduce_sum3A_118 : vector<128xf32> to vector<128x1xf32>
    %min3A_120 = arith.constant 8.000000e+00 : f32
    %min3A_121 = vector.broadcast %min3A_120 : f32 to vector<128x512xf32>
    %min3A_122 = arith.minimumf %add3A_71, %min3A_121 : vector<128x512xf32>
    %reduce_sum3A_123 = arith.constant dense<0.000000e+00> : vector<128xf32>
    %reduce_sum3A_124 = vector.multi_reduction <add>, %min3A_122, %reduce_sum3A_123 [1] : vector<128x512xf32> to vector<128xf32>
    %broadcast_in_dim3A_125 = vector.shape_cast %reduce_sum3A_124 : vector<128xf32> to vector<128x1xf32>
    %min3A_126 = arith.constant 9.000000e+00 : f32
    %min3A_127 = vector.broadcast %min3A_126 : f32 to vector<128x512xf32>
    %min3A_128 = arith.minimumf %add3A_71, %min3A_127 : vector<128x512xf32>
    %reduce_sum3A_129 = arith.constant dense<0.000000e+00> : vector<128xf32>
    %reduce_sum3A_130 = vector.multi_reduction <add>, %min3A_128, %reduce_sum3A_129 [1] : vector<128x512xf32> to vector<128xf32>
    %broadcast_in_dim3A_131 = vector.shape_cast %reduce_sum3A_130 : vector<128xf32> to vector<128x1xf32>
    %min3A_132 = arith.constant 1.000000e+01 : f32
    %min3A_133 = vector.broadcast %min3A_132 : f32 to vector<128x512xf32>
    %min3A_134 = arith.minimumf %add3A_71, %min3A_133 : vector<128x512xf32>
    %reduce_sum3A_135 = arith.constant dense<0.000000e+00> : vector<128xf32>
    %reduce_sum3A_136 = vector.multi_reduction <add>, %min3A_134, %reduce_sum3A_135 [1] : vector<128x512xf32> to vector<128xf32>
    %broadcast_in_dim3A_137 = vector.shape_cast %reduce_sum3A_136 : vector<128xf32> to vector<128x1xf32>
    %min3A_138 = arith.constant 1.100000e+01 : f32
    %min3A_139 = vector.broadcast %min3A_138 : f32 to vector<128x512xf32>
    %min3A_140 = arith.minimumf %add3A_71, %min3A_139 : vector<128x512xf32>
    %reduce_sum3A_141 = arith.constant dense<0.000000e+00> : vector<128xf32>
    %reduce_sum3A_142 = vector.multi_reduction <add>, %min3A_140, %reduce_sum3A_141 [1] : vector<128x512xf32> to vector<128xf32>
    %broadcast_in_dim3A_143 = vector.shape_cast %reduce_sum3A_142 : vector<128xf32> to vector<128x1xf32>
    %min3A_144 = arith.constant 1.200000e+01 : f32
    %min3A_145 = vector.broadcast %min3A_144 : f32 to vector<128x512xf32>
    %min3A_146 = arith.minimumf %add3A_71, %min3A_145 : vector<128x512xf32>
    %reduce_sum3A_147 = arith.constant dense<0.000000e+00> : vector<128xf32>
    %reduce_sum3A_148 = vector.multi_reduction <add>, %min3A_146, %reduce_sum3A_147 [1] : vector<128x512xf32> to vector<128xf32>
    %broadcast_in_dim3A_149 = vector.shape_cast %reduce_sum3A_148 : vector<128xf32> to vector<128x1xf32>
    %min3A_150 = arith.constant 1.300000e+01 : f32
    %min3A_151 = vector.broadcast %min3A_150 : f32 to vector<128x512xf32>
    %min3A_152 = arith.minimumf %add3A_71, %min3A_151 : vector<128x512xf32>
    %reduce_sum3A_153 = arith.constant dense<0.000000e+00> : vector<128xf32>
    %reduce_sum3A_154 = vector.multi_reduction <add>, %min3A_152, %reduce_sum3A_153 [1] : vector<128x512xf32> to vector<128xf32>
    %broadcast_in_dim3A_155 = vector.shape_cast %reduce_sum3A_154 : vector<128xf32> to vector<128x1xf32>
    %min3A_156 = arith.constant 1.400000e+01 : f32
    %min3A_157 = vector.broadcast %min3A_156 : f32 to vector<128x512xf32>
    %min3A_158 = arith.minimumf %add3A_71, %min3A_157 : vector<128x512xf32>
    %reduce_sum3A_159 = arith.constant dense<0.000000e+00> : vector<128xf32>
    %reduce_sum3A_160 = vector.multi_reduction <add>, %min3A_158, %reduce_sum3A_159 [1] : vector<128x512xf32> to vector<128xf32>
    %broadcast_in_dim3A_161 = vector.shape_cast %reduce_sum3A_160 : vector<128xf32> to vector<128x1xf32>
    %min3A_162 = arith.constant 1.500000e+01 : f32
    %min3A_163 = vector.broadcast %min3A_162 : f32 to vector<128x512xf32>
    %min3A_164 = arith.minimumf %add3A_71, %min3A_163 : vector<128x512xf32>
    %reduce_sum3A_165 = arith.constant dense<0.000000e+00> : vector<128xf32>
    %reduce_sum3A_166 = vector.multi_reduction <add>, %min3A_164, %reduce_sum3A_165 [1] : vector<128x512xf32> to vector<128xf32>
    %broadcast_in_dim3A_167 = vector.shape_cast %reduce_sum3A_166 : vector<128xf32> to vector<128x1xf32>
    %min3A_168 = arith.constant 1.600000e+01 : f32
    %min3A_169 = vector.broadcast %min3A_168 : f32 to vector<128x512xf32>
    %min3A_170 = arith.minimumf %add3A_71, %min3A_169 : vector<128x512xf32>
    %reduce_sum3A_171 = arith.constant dense<0.000000e+00> : vector<128xf32>
    %reduce_sum3A_172 = vector.multi_reduction <add>, %min3A_170, %reduce_sum3A_171 [1] : vector<128x512xf32> to vector<128xf32>
    %broadcast_in_dim3A_173 = vector.shape_cast %reduce_sum3A_172 : vector<128xf32> to vector<128x1xf32>
    %min3A_174 = arith.constant 1.700000e+01 : f32
    %min3A_175 = vector.broadcast %min3A_174 : f32 to vector<128x512xf32>
    %min3A_176 = arith.minimumf %add3A_71, %min3A_175 : vector<128x512xf32>
    %reduce_sum3A_177 = arith.constant dense<0.000000e+00> : vector<128xf32>
    %reduce_sum3A_178 = vector.multi_reduction <add>, %min3A_176, %reduce_sum3A_177 [1] : vector<128x512xf32> to vector<128xf32>
    %broadcast_in_dim3A_179 = vector.shape_cast %reduce_sum3A_178 : vector<128xf32> to vector<128x1xf32>
    %min3A_180 = arith.constant 1.800000e+01 : f32
    %min3A_181 = vector.broadcast %min3A_180 : f32 to vector<128x512xf32>
    %min3A_182 = arith.minimumf %add3A_71, %min3A_181 : vector<128x512xf32>
    %reduce_sum3A_183 = arith.constant dense<0.000000e+00> : vector<128xf32>
    %reduce_sum3A_184 = vector.multi_reduction <add>, %min3A_182, %reduce_sum3A_183 [1] : vector<128x512xf32> to vector<128xf32>
    %broadcast_in_dim3A_185 = vector.shape_cast %reduce_sum3A_184 : vector<128xf32> to vector<128x1xf32>
    %min3A_186 = arith.constant 1.900000e+01 : f32
    %min3A_187 = vector.broadcast %min3A_186 : f32 to vector<128x512xf32>
    %min3A_188 = arith.minimumf %add3A_71, %min3A_187 : vector<128x512xf32>
    %reduce_sum3A_189 = arith.constant dense<0.000000e+00> : vector<128xf32>
    %reduce_sum3A_190 = vector.multi_reduction <add>, %min3A_188, %reduce_sum3A_189 [1] : vector<128x512xf32> to vector<128xf32>
    %broadcast_in_dim3A_191 = vector.shape_cast %reduce_sum3A_190 : vector<128xf32> to vector<128x1xf32>
    %min3A_192 = arith.constant 2.000000e+01 : f32
    %min3A_193 = vector.broadcast %min3A_192 : f32 to vector<128x512xf32>
    %min3A_194 = arith.minimumf %add3A_71, %min3A_193 : vector<128x512xf32>
    %reduce_sum3A_195 = arith.constant dense<0.000000e+00> : vector<128xf32>
    %reduce_sum3A_196 = vector.multi_reduction <add>, %min3A_194, %reduce_sum3A_195 [1] : vector<128x512xf32> to vector<128xf32>
    %broadcast_in_dim3A_197 = vector.shape_cast %reduce_sum3A_196 : vector<128xf32> to vector<128x1xf32>
    %min3A_198 = arith.constant 2.100000e+01 : f32
    %min3A_199 = vector.broadcast %min3A_198 : f32 to vector<128x512xf32>
    %min3A_200 = arith.minimumf %add3A_71, %min3A_199 : vector<128x512xf32>
    %reduce_sum3A_201 = arith.constant dense<0.000000e+00> : vector<128xf32>
    %reduce_sum3A_202 = vector.multi_reduction <add>, %min3A_200, %reduce_sum3A_201 [1] : vector<128x512xf32> to vector<128xf32>
    %broadcast_in_dim3A_203 = vector.shape_cast %reduce_sum3A_202 : vector<128xf32> to vector<128x1xf32>
    %min3A_204 = arith.constant 2.200000e+01 : f32
    %min3A_205 = vector.broadcast %min3A_204 : f32 to vector<128x512xf32>
    %min3A_206 = arith.minimumf %add3A_71, %min3A_205 : vector<128x512xf32>
    %reduce_sum3A_207 = arith.constant dense<0.000000e+00> : vector<128xf32>
    %reduce_sum3A_208 = vector.multi_reduction <add>, %min3A_206, %reduce_sum3A_207 [1] : vector<128x512xf32> to vector<128xf32>
    %broadcast_in_dim3A_209 = vector.shape_cast %reduce_sum3A_208 : vector<128xf32> to vector<128x1xf32>
    %min3A_210 = arith.constant 2.300000e+01 : f32
    %min3A_211 = vector.broadcast %min3A_210 : f32 to vector<128x512xf32>
    %min3A_212 = arith.minimumf %add3A_71, %min3A_211 : vector<128x512xf32>
    %reduce_sum3A_213 = arith.constant dense<0.000000e+00> : vector<128xf32>
    %reduce_sum3A_214 = vector.multi_reduction <add>, %min3A_212, %reduce_sum3A_213 [1] : vector<128x512xf32> to vector<128xf32>
    %broadcast_in_dim3A_215 = vector.shape_cast %reduce_sum3A_214 : vector<128xf32> to vector<128x1xf32>
    %min3A_216 = arith.constant 2.400000e+01 : f32
    %min3A_217 = vector.broadcast %min3A_216 : f32 to vector<128x512xf32>
    %min3A_218 = arith.minimumf %add3A_71, %min3A_217 : vector<128x512xf32>
    %reduce_sum3A_219 = arith.constant dense<0.000000e+00> : vector<128xf32>
    %reduce_sum3A_220 = vector.multi_reduction <add>, %min3A_218, %reduce_sum3A_219 [1] : vector<128x512xf32> to vector<128xf32>
    %broadcast_in_dim3A_221 = vector.shape_cast %reduce_sum3A_220 : vector<128xf32> to vector<128x1xf32>
    %min3A_222 = arith.constant 2.500000e+01 : f32
    %min3A_223 = vector.broadcast %min3A_222 : f32 to vector<128x512xf32>
    %min3A_224 = arith.minimumf %add3A_71, %min3A_223 : vector<128x512xf32>
    %reduce_sum3A_225 = arith.constant dense<0.000000e+00> : vector<128xf32>
    %reduce_sum3A_226 = vector.multi_reduction <add>, %min3A_224, %reduce_sum3A_225 [1] : vector<128x512xf32> to vector<128xf32>
    %broadcast_in_dim3A_227 = vector.shape_cast %reduce_sum3A_226 : vector<128xf32> to vector<128x1xf32>
    %min3A_228 = arith.constant 2.600000e+01 : f32
    %min3A_229 = vector.broadcast %min3A_228 : f32 to vector<128x512xf32>
    %min3A_230 = arith.minimumf %add3A_71, %min3A_229 : vector<128x512xf32>
    %reduce_sum3A_231 = arith.constant dense<0.000000e+00> : vector<128xf32>
    %reduce_sum3A_232 = vector.multi_reduction <add>, %min3A_230, %reduce_sum3A_231 [1] : vector<128x512xf32> to vector<128xf32>
    %broadcast_in_dim3A_233 = vector.shape_cast %reduce_sum3A_232 : vector<128xf32> to vector<128x1xf32>
    %min3A_234 = arith.constant 2.700000e+01 : f32
    %min3A_235 = vector.broadcast %min3A_234 : f32 to vector<128x512xf32>
    %min3A_236 = arith.minimumf %add3A_71, %min3A_235 : vector<128x512xf32>
    %reduce_sum3A_237 = arith.constant dense<0.000000e+00> : vector<128xf32>
    %reduce_sum3A_238 = vector.multi_reduction <add>, %min3A_236, %reduce_sum3A_237 [1] : vector<128x512xf32> to vector<128xf32>
    %broadcast_in_dim3A_239 = vector.shape_cast %reduce_sum3A_238 : vector<128xf32> to vector<128x1xf32>
    %min3A_240 = arith.constant 2.800000e+01 : f32
    %min3A_241 = vector.broadcast %min3A_240 : f32 to vector<128x512xf32>
    %min3A_242 = arith.minimumf %add3A_71, %min3A_241 : vector<128x512xf32>
    %reduce_sum3A_243 = arith.constant dense<0.000000e+00> : vector<128xf32>
    %reduce_sum3A_244 = vector.multi_reduction <add>, %min3A_242, %reduce_sum3A_243 [1] : vector<128x512xf32> to vector<128xf32>
    %broadcast_in_dim3A_245 = vector.shape_cast %reduce_sum3A_244 : vector<128xf32> to vector<128x1xf32>
    %min3A_246 = arith.constant 2.900000e+01 : f32
    %min3A_247 = vector.broadcast %min3A_246 : f32 to vector<128x512xf32>
    %min3A_248 = arith.minimumf %add3A_71, %min3A_247 : vector<128x512xf32>
    %reduce_sum3A_249 = arith.constant dense<0.000000e+00> : vector<128xf32>
    %reduce_sum3A_250 = vector.multi_reduction <add>, %min3A_248, %reduce_sum3A_249 [1] : vector<128x512xf32> to vector<128xf32>
    %broadcast_in_dim3A_251 = vector.shape_cast %reduce_sum3A_250 : vector<128xf32> to vector<128x1xf32>
    %min3A_252 = arith.constant 3.000000e+01 : f32
    %min3A_253 = vector.broadcast %min3A_252 : f32 to vector<128x512xf32>
    %min3A_254 = arith.minimumf %add3A_71, %min3A_253 : vector<128x512xf32>
    %reduce_sum3A_255 = arith.constant dense<0.000000e+00> : vector<128xf32>
    %reduce_sum3A_256 = vector.multi_reduction <add>, %min3A_254, %reduce_sum3A_255 [1] : vector<128x512xf32> to vector<128xf32>
    %broadcast_in_dim3A_257 = vector.shape_cast %reduce_sum3A_256 : vector<128xf32> to vector<128x1xf32>
    %min3A_258 = arith.constant 3.100000e+01 : f32
    %min3A_259 = vector.broadcast %min3A_258 : f32 to vector<128x512xf32>
    %min3A_260 = arith.minimumf %add3A_71, %min3A_259 : vector<128x512xf32>
    %reduce_sum3A_261 = arith.constant dense<0.000000e+00> : vector<128xf32>
    %reduce_sum3A_262 = vector.multi_reduction <add>, %min3A_260, %reduce_sum3A_261 [1] : vector<128x512xf32> to vector<128xf32>
    %broadcast_in_dim3A_263 = vector.shape_cast %reduce_sum3A_262 : vector<128xf32> to vector<128x1xf32>
    %min3A_264 = arith.constant 3.200000e+01 : f32
    %min3A_265 = vector.broadcast %min3A_264 : f32 to vector<128x512xf32>
    %min3A_266 = arith.minimumf %add3A_71, %min3A_265 : vector<128x512xf32>
    %reduce_sum3A_267 = arith.constant dense<0.000000e+00> : vector<128xf32>
    %reduce_sum3A_268 = vector.multi_reduction <add>, %min3A_266, %reduce_sum3A_267 [1] : vector<128x512xf32> to vector<128xf32>
    %broadcast_in_dim3A_269 = vector.shape_cast %reduce_sum3A_268 : vector<128xf32> to vector<128x1xf32>
    %min3A_270 = arith.constant 3.300000e+01 : f32
    %min3A_271 = vector.broadcast %min3A_270 : f32 to vector<128x512xf32>
    %min3A_272 = arith.minimumf %add3A_71, %min3A_271 : vector<128x512xf32>
    %reduce_sum3A_273 = arith.constant dense<0.000000e+00> : vector<128xf32>
    %reduce_sum3A_274 = vector.multi_reduction <add>, %min3A_272, %reduce_sum3A_273 [1] : vector<128x512xf32> to vector<128xf32>
    %broadcast_in_dim3A_275 = vector.shape_cast %reduce_sum3A_274 : vector<128xf32> to vector<128x1xf32>
    %min3A_276 = arith.constant 3.400000e+01 : f32
    %min3A_277 = vector.broadcast %min3A_276 : f32 to vector<128x512xf32>
    %min3A_278 = arith.minimumf %add3A_71, %min3A_277 : vector<128x512xf32>
    %reduce_sum3A_279 = arith.constant dense<0.000000e+00> : vector<128xf32>
    %reduce_sum3A_280 = vector.multi_reduction <add>, %min3A_278, %reduce_sum3A_279 [1] : vector<128x512xf32> to vector<128xf32>
    %broadcast_in_dim3A_281 = vector.shape_cast %reduce_sum3A_280 : vector<128xf32> to vector<128x1xf32>
    %min3A_282 = arith.constant 3.500000e+01 : f32
    %min3A_283 = vector.broadcast %min3A_282 : f32 to vector<128x512xf32>
    %min3A_284 = arith.minimumf %add3A_71, %min3A_283 : vector<128x512xf32>
    %reduce_sum3A_285 = arith.constant dense<0.000000e+00> : vector<128xf32>
    %reduce_sum3A_286 = vector.multi_reduction <add>, %min3A_284, %reduce_sum3A_285 [1] : vector<128x512xf32> to vector<128xf32>
    %broadcast_in_dim3A_287 = vector.shape_cast %reduce_sum3A_286 : vector<128xf32> to vector<128x1xf32>
    %min3A_288 = arith.constant 3.600000e+01 : f32
    %min3A_289 = vector.broadcast %min3A_288 : f32 to vector<128x512xf32>
    %min3A_290 = arith.minimumf %add3A_71, %min3A_289 : vector<128x512xf32>
    %reduce_sum3A_291 = arith.constant dense<0.000000e+00> : vector<128xf32>
    %reduce_sum3A_292 = vector.multi_reduction <add>, %min3A_290, %reduce_sum3A_291 [1] : vector<128x512xf32> to vector<128xf32>
    %broadcast_in_dim3A_293 = vector.shape_cast %reduce_sum3A_292 : vector<128xf32> to vector<128x1xf32>
    %min3A_294 = arith.constant 3.700000e+01 : f32
    %min3A_295 = vector.broadcast %min3A_294 : f32 to vector<128x512xf32>
    %min3A_296 = arith.minimumf %add3A_71, %min3A_295 : vector<128x512xf32>
    %reduce_sum3A_297 = arith.constant dense<0.000000e+00> : vector<128xf32>
    %reduce_sum3A_298 = vector.multi_reduction <add>, %min3A_296, %reduce_sum3A_297 [1] : vector<128x512xf32> to vector<128xf32>
    %broadcast_in_dim3A_299 = vector.shape_cast %reduce_sum3A_298 : vector<128xf32> to vector<128x1xf32>
    %min3A_300 = arith.constant 3.800000e+01 : f32
    %min3A_301 = vector.broadcast %min3A_300 : f32 to vector<128x512xf32>
    %min3A_302 = arith.minimumf %add3A_71, %min3A_301 : vector<128x512xf32>
    %reduce_sum3A_303 = arith.constant dense<0.000000e+00> : vector<128xf32>
    %reduce_sum3A_304 = vector.multi_reduction <add>, %min3A_302, %reduce_sum3A_303 [1] : vector<128x512xf32> to vector<128xf32>
    %broadcast_in_dim3A_305 = vector.shape_cast %reduce_sum3A_304 : vector<128xf32> to vector<128x1xf32>
    %min3A_306 = arith.constant 3.900000e+01 : f32
    %min3A_307 = vector.broadcast %min3A_306 : f32 to vector<128x512xf32>
    %min3A_308 = arith.minimumf %add3A_71, %min3A_307 : vector<128x512xf32>
    %reduce_sum3A_309 = arith.constant dense<0.000000e+00> : vector<128xf32>
    %reduce_sum3A_310 = vector.multi_reduction <add>, %min3A_308, %reduce_sum3A_309 [1] : vector<128x512xf32> to vector<128xf32>
    %broadcast_in_dim3A_311 = vector.shape_cast %reduce_sum3A_310 : vector<128xf32> to vector<128x1xf32>
    %min3A_312 = arith.constant 4.000000e+01 : f32
    %min3A_313 = vector.broadcast %min3A_312 : f32 to vector<128x512xf32>
    %min3A_314 = arith.minimumf %add3A_71, %min3A_313 : vector<128x512xf32>
    %reduce_sum3A_315 = arith.constant dense<0.000000e+00> : vector<128xf32>
    %reduce_sum3A_316 = vector.multi_reduction <add>, %min3A_314, %reduce_sum3A_315 [1] : vector<128x512xf32> to vector<128xf32>
    %broadcast_in_dim3A_317 = vector.shape_cast %reduce_sum3A_316 : vector<128xf32> to vector<128x1xf32>
    %min3A_318 = arith.constant 4.100000e+01 : f32
    %min3A_319 = vector.broadcast %min3A_318 : f32 to vector<128x512xf32>
    %min3A_320 = arith.minimumf %add3A_71, %min3A_319 : vector<128x512xf32>
    %reduce_sum3A_321 = arith.constant dense<0.000000e+00> : vector<128xf32>
    %reduce_sum3A_322 = vector.multi_reduction <add>, %min3A_320, %reduce_sum3A_321 [1] : vector<128x512xf32> to vector<128xf32>
    %broadcast_in_dim3A_323 = vector.shape_cast %reduce_sum3A_322 : vector<128xf32> to vector<128x1xf32>
    %min3A_324 = arith.constant 4.200000e+01 : f32
    %min3A_325 = vector.broadcast %min3A_324 : f32 to vector<128x512xf32>
    %min3A_326 = arith.minimumf %add3A_71, %min3A_325 : vector<128x512xf32>
    %reduce_sum3A_327 = arith.constant dense<0.000000e+00> : vector<128xf32>
    %reduce_sum3A_328 = vector.multi_reduction <add>, %min3A_326, %reduce_sum3A_327 [1] : vector<128x512xf32> to vector<128xf32>
    %broadcast_in_dim3A_329 = vector.shape_cast %reduce_sum3A_328 : vector<128xf32> to vector<128x1xf32>
    %min3A_330 = arith.constant 4.300000e+01 : f32
    %min3A_331 = vector.broadcast %min3A_330 : f32 to vector<128x512xf32>
    %min3A_332 = arith.minimumf %add3A_71, %min3A_331 : vector<128x512xf32>
    %reduce_sum3A_333 = arith.constant dense<0.000000e+00> : vector<128xf32>
    %reduce_sum3A_334 = vector.multi_reduction <add>, %min3A_332, %reduce_sum3A_333 [1] : vector<128x512xf32> to vector<128xf32>
    %broadcast_in_dim3A_335 = vector.shape_cast %reduce_sum3A_334 : vector<128xf32> to vector<128x1xf32>
    %min3A_336 = arith.constant 4.400000e+01 : f32
    %min3A_337 = vector.broadcast %min3A_336 : f32 to vector<128x512xf32>
    %min3A_338 = arith.minimumf %add3A_71, %min3A_337 : vector<128x512xf32>
    %reduce_sum3A_339 = arith.constant dense<0.000000e+00> : vector<128xf32>
    %reduce_sum3A_340 = vector.multi_reduction <add>, %min3A_338, %reduce_sum3A_339 [1] : vector<128x512xf32> to vector<128xf32>
    %broadcast_in_dim3A_341 = vector.shape_cast %reduce_sum3A_340 : vector<128xf32> to vector<128x1xf32>
    %min3A_342 = arith.constant 4.500000e+01 : f32
    %min3A_343 = vector.broadcast %min3A_342 : f32 to vector<128x512xf32>
    %min3A_344 = arith.minimumf %add3A_71, %min3A_343 : vector<128x512xf32>
    %reduce_sum3A_345 = arith.constant dense<0.000000e+00> : vector<128xf32>
    %reduce_sum3A_346 = vector.multi_reduction <add>, %min3A_344, %reduce_sum3A_345 [1] : vector<128x512xf32> to vector<128xf32>
    %broadcast_in_dim3A_347 = vector.shape_cast %reduce_sum3A_346 : vector<128xf32> to vector<128x1xf32>
    %min3A_348 = arith.constant 4.600000e+01 : f32
    %min3A_349 = vector.broadcast %min3A_348 : f32 to vector<128x512xf32>
    %min3A_350 = arith.minimumf %add3A_71, %min3A_349 : vector<128x512xf32>
    %reduce_sum3A_351 = arith.constant dense<0.000000e+00> : vector<128xf32>
    %reduce_sum3A_352 = vector.multi_reduction <add>, %min3A_350, %reduce_sum3A_351 [1] : vector<128x512xf32> to vector<128xf32>
    %broadcast_in_dim3A_353 = vector.shape_cast %reduce_sum3A_352 : vector<128xf32> to vector<128x1xf32>
    %min3A_354 = arith.constant 4.700000e+01 : f32
    %min3A_355 = vector.broadcast %min3A_354 : f32 to vector<128x512xf32>
    %min3A_356 = arith.minimumf %add3A_71, %min3A_355 : vector<128x512xf32>
    %reduce_sum3A_357 = arith.constant dense<0.000000e+00> : vector<128xf32>
    %reduce_sum3A_358 = vector.multi_reduction <add>, %min3A_356, %reduce_sum3A_357 [1] : vector<128x512xf32> to vector<128xf32>
    %broadcast_in_dim3A_359 = vector.shape_cast %reduce_sum3A_358 : vector<128xf32> to vector<128x1xf32>
    %min3A_360 = arith.constant 4.800000e+01 : f32
    %min3A_361 = vector.broadcast %min3A_360 : f32 to vector<128x512xf32>
    %min3A_362 = arith.minimumf %add3A_71, %min3A_361 : vector<128x512xf32>
    %reduce_sum3A_363 = arith.constant dense<0.000000e+00> : vector<128xf32>
    %reduce_sum3A_364 = vector.multi_reduction <add>, %min3A_362, %reduce_sum3A_363 [1] : vector<128x512xf32> to vector<128xf32>
    %broadcast_in_dim3A_365 = vector.shape_cast %reduce_sum3A_364 : vector<128xf32> to vector<128x1xf32>
    %min3A_366 = arith.constant 4.900000e+01 : f32
    %min3A_367 = vector.broadcast %min3A_366 : f32 to vector<128x512xf32>
    %min3A_368 = arith.minimumf %add3A_71, %min3A_367 : vector<128x512xf32>
    %reduce_sum3A_369 = arith.constant dense<0.000000e+00> : vector<128xf32>
    %reduce_sum3A_370 = vector.multi_reduction <add>, %min3A_368, %reduce_sum3A_369 [1] : vector<128x512xf32> to vector<128xf32>
    %broadcast_in_dim3A_371 = vector.shape_cast %reduce_sum3A_370 : vector<128xf32> to vector<128x1xf32>
    %min3A_372 = arith.constant 5.000000e+01 : f32
    %min3A_373 = vector.broadcast %min3A_372 : f32 to vector<128x512xf32>
    %min3A_374 = arith.minimumf %add3A_71, %min3A_373 : vector<128x512xf32>
    %reduce_sum3A_375 = arith.constant dense<0.000000e+00> : vector<128xf32>
    %reduce_sum3A_376 = vector.multi_reduction <add>, %min3A_374, %reduce_sum3A_375 [1] : vector<128x512xf32> to vector<128xf32>
    %broadcast_in_dim3A_377 = vector.shape_cast %reduce_sum3A_376 : vector<128xf32> to vector<128x1xf32>
    %min3A_378 = arith.constant 5.100000e+01 : f32
    %min3A_379 = vector.broadcast %min3A_378 : f32 to vector<128x512xf32>
    %min3A_380 = arith.minimumf %add3A_71, %min3A_379 : vector<128x512xf32>
    %reduce_sum3A_381 = arith.constant dense<0.000000e+00> : vector<128xf32>
    %reduce_sum3A_382 = vector.multi_reduction <add>, %min3A_380, %reduce_sum3A_381 [1] : vector<128x512xf32> to vector<128xf32>
    %broadcast_in_dim3A_383 = vector.shape_cast %reduce_sum3A_382 : vector<128xf32> to vector<128x1xf32>
    %min3A_384 = arith.constant 5.200000e+01 : f32
    %min3A_385 = vector.broadcast %min3A_384 : f32 to vector<128x512xf32>
    %min3A_386 = arith.minimumf %add3A_71, %min3A_385 : vector<128x512xf32>
    %reduce_sum3A_387 = arith.constant dense<0.000000e+00> : vector<128xf32>
    %reduce_sum3A_388 = vector.multi_reduction <add>, %min3A_386, %reduce_sum3A_387 [1] : vector<128x512xf32> to vector<128xf32>
    %broadcast_in_dim3A_389 = vector.shape_cast %reduce_sum3A_388 : vector<128xf32> to vector<128x1xf32>
    %min3A_390 = arith.constant 5.300000e+01 : f32
    %min3A_391 = vector.broadcast %min3A_390 : f32 to vector<128x512xf32>
    %min3A_392 = arith.minimumf %add3A_71, %min3A_391 : vector<128x512xf32>
    %reduce_sum3A_393 = arith.constant dense<0.000000e+00> : vector<128xf32>
    %reduce_sum3A_394 = vector.multi_reduction <add>, %min3A_392, %reduce_sum3A_393 [1] : vector<128x512xf32> to vector<128xf32>
    %broadcast_in_dim3A_395 = vector.shape_cast %reduce_sum3A_394 : vector<128xf32> to vector<128x1xf32>
    %min3A_396 = arith.constant 5.400000e+01 : f32
    %min3A_397 = vector.broadcast %min3A_396 : f32 to vector<128x512xf32>
    %min3A_398 = arith.minimumf %add3A_71, %min3A_397 : vector<128x512xf32>
    %reduce_sum3A_399 = arith.constant dense<0.000000e+00> : vector<128xf32>
    %reduce_sum3A_400 = vector.multi_reduction <add>, %min3A_398, %reduce_sum3A_399 [1] : vector<128x512xf32> to vector<128xf32>
    %broadcast_in_dim3A_401 = vector.shape_cast %reduce_sum3A_400 : vector<128xf32> to vector<128x1xf32>
    %min3A_402 = arith.constant 5.500000e+01 : f32
    %min3A_403 = vector.broadcast %min3A_402 : f32 to vector<128x512xf32>
    %min3A_404 = arith.minimumf %add3A_71, %min3A_403 : vector<128x512xf32>
    %reduce_sum3A_405 = arith.constant dense<0.000000e+00> : vector<128xf32>
    %reduce_sum3A_406 = vector.multi_reduction <add>, %min3A_404, %reduce_sum3A_405 [1] : vector<128x512xf32> to vector<128xf32>
    %broadcast_in_dim3A_407 = vector.shape_cast %reduce_sum3A_406 : vector<128xf32> to vector<128x1xf32>
    %min3A_408 = arith.constant 5.600000e+01 : f32
    %min3A_409 = vector.broadcast %min3A_408 : f32 to vector<128x512xf32>
    %min3A_410 = arith.minimumf %add3A_71, %min3A_409 : vector<128x512xf32>
    %reduce_sum3A_411 = arith.constant dense<0.000000e+00> : vector<128xf32>
    %reduce_sum3A_412 = vector.multi_reduction <add>, %min3A_410, %reduce_sum3A_411 [1] : vector<128x512xf32> to vector<128xf32>
    %broadcast_in_dim3A_413 = vector.shape_cast %reduce_sum3A_412 : vector<128xf32> to vector<128x1xf32>
    %min3A_414 = arith.constant 5.700000e+01 : f32
    %min3A_415 = vector.broadcast %min3A_414 : f32 to vector<128x512xf32>
    %min3A_416 = arith.minimumf %add3A_71, %min3A_415 : vector<128x512xf32>
    %reduce_sum3A_417 = arith.constant dense<0.000000e+00> : vector<128xf32>
    %reduce_sum3A_418 = vector.multi_reduction <add>, %min3A_416, %reduce_sum3A_417 [1] : vector<128x512xf32> to vector<128xf32>
    %broadcast_in_dim3A_419 = vector.shape_cast %reduce_sum3A_418 : vector<128xf32> to vector<128x1xf32>
    %min3A_420 = arith.constant 5.800000e+01 : f32
    %min3A_421 = vector.broadcast %min3A_420 : f32 to vector<128x512xf32>
    %min3A_422 = arith.minimumf %add3A_71, %min3A_421 : vector<128x512xf32>
    %reduce_sum3A_423 = arith.constant dense<0.000000e+00> : vector<128xf32>
    %reduce_sum3A_424 = vector.multi_reduction <add>, %min3A_422, %reduce_sum3A_423 [1] : vector<128x512xf32> to vector<128xf32>
    %broadcast_in_dim3A_425 = vector.shape_cast %reduce_sum3A_424 : vector<128xf32> to vector<128x1xf32>
    %min3A_426 = arith.constant 5.900000e+01 : f32
    %min3A_427 = vector.broadcast %min3A_426 : f32 to vector<128x512xf32>
    %min3A_428 = arith.minimumf %add3A_71, %min3A_427 : vector<128x512xf32>
    %reduce_sum3A_429 = arith.constant dense<0.000000e+00> : vector<128xf32>
    %reduce_sum3A_430 = vector.multi_reduction <add>, %min3A_428, %reduce_sum3A_429 [1] : vector<128x512xf32> to vector<128xf32>
    %broadcast_in_dim3A_431 = vector.shape_cast %reduce_sum3A_430 : vector<128xf32> to vector<128x1xf32>
    %min3A_432 = arith.constant 6.000000e+01 : f32
    %min3A_433 = vector.broadcast %min3A_432 : f32 to vector<128x512xf32>
    %min3A_434 = arith.minimumf %add3A_71, %min3A_433 : vector<128x512xf32>
    %reduce_sum3A_435 = arith.constant dense<0.000000e+00> : vector<128xf32>
    %reduce_sum3A_436 = vector.multi_reduction <add>, %min3A_434, %reduce_sum3A_435 [1] : vector<128x512xf32> to vector<128xf32>
    %broadcast_in_dim3A_437 = vector.shape_cast %reduce_sum3A_436 : vector<128xf32> to vector<128x1xf32>
    %min3A_438 = arith.constant 6.100000e+01 : f32
    %min3A_439 = vector.broadcast %min3A_438 : f32 to vector<128x512xf32>
    %min3A_440 = arith.minimumf %add3A_71, %min3A_439 : vector<128x512xf32>
    %reduce_sum3A_441 = arith.constant dense<0.000000e+00> : vector<128xf32>
    %reduce_sum3A_442 = vector.multi_reduction <add>, %min3A_440, %reduce_sum3A_441 [1] : vector<128x512xf32> to vector<128xf32>
    %broadcast_in_dim3A_443 = vector.shape_cast %reduce_sum3A_442 : vector<128xf32> to vector<128x1xf32>
    %min3A_444 = arith.constant 6.200000e+01 : f32
    %min3A_445 = vector.broadcast %min3A_444 : f32 to vector<128x512xf32>
    %min3A_446 = arith.minimumf %add3A_71, %min3A_445 : vector<128x512xf32>
    %reduce_sum3A_447 = arith.constant dense<0.000000e+00> : vector<128xf32>
    %reduce_sum3A_448 = vector.multi_reduction <add>, %min3A_446, %reduce_sum3A_447 [1] : vector<128x512xf32> to vector<128xf32>
    %broadcast_in_dim3A_449 = vector.shape_cast %reduce_sum3A_448 : vector<128xf32> to vector<128x1xf32>
    %min3A_450 = arith.constant 6.300000e+01 : f32
    %min3A_451 = vector.broadcast %min3A_450 : f32 to vector<128x512xf32>
    %min3A_452 = arith.minimumf %add3A_71, %min3A_451 : vector<128x512xf32>
    %reduce_sum3A_453 = arith.constant dense<0.000000e+00> : vector<128xf32>
    %reduce_sum3A_454 = vector.multi_reduction <add>, %min3A_452, %reduce_sum3A_453 [1] : vector<128x512xf32> to vector<128xf32>
    %broadcast_in_dim3A_455 = vector.shape_cast %reduce_sum3A_454 : vector<128xf32> to vector<128x1xf32>
    %min3A_456 = arith.constant 6.400000e+01 : f32
    %min3A_457 = vector.broadcast %min3A_456 : f32 to vector<128x512xf32>
    %min3A_458 = arith.minimumf %add3A_71, %min3A_457 : vector<128x512xf32>
    %reduce_sum3A_459 = arith.constant dense<0.000000e+00> : vector<128xf32>
    %reduce_sum3A_460 = vector.multi_reduction <add>, %min3A_458, %reduce_sum3A_459 [1] : vector<128x512xf32> to vector<128xf32>
    %broadcast_in_dim3A_461 = vector.shape_cast %reduce_sum3A_460 : vector<128xf32> to vector<128x1xf32>
    %sub3A_462 = arith.subf %broadcast_in_dim3A_83, %broadcast_in_dim3A_77 : vector<128x1xf32>
    %sub3A_463 = arith.constant 5.120000e+02 : f32
    %sub3A_464 = vector.broadcast %sub3A_463 : f32 to vector<128x1xf32>
    %sub3A_465 = arith.subf %sub3A_464, %sub3A_462 : vector<128x1xf32>
    %sub3A_466 = arith.subf %broadcast_in_dim3A_89, %broadcast_in_dim3A_83 : vector<128x1xf32>
    %sub3A_467 = arith.constant 5.120000e+02 : f32
    %sub3A_468 = vector.broadcast %sub3A_467 : f32 to vector<128x1xf32>
    %sub3A_469 = arith.subf %sub3A_468, %sub3A_466 : vector<128x1xf32>
    %sub3A_470 = arith.subf %broadcast_in_dim3A_95, %broadcast_in_dim3A_89 : vector<128x1xf32>
    %sub3A_471 = arith.constant 5.120000e+02 : f32
    %sub3A_472 = vector.broadcast %sub3A_471 : f32 to vector<128x1xf32>
    %sub3A_473 = arith.subf %sub3A_472, %sub3A_470 : vector<128x1xf32>
    %sub3A_474 = arith.subf %broadcast_in_dim3A_101, %broadcast_in_dim3A_95 : vector<128x1xf32>
    %sub3A_475 = arith.constant 5.120000e+02 : f32
    %sub3A_476 = vector.broadcast %sub3A_475 : f32 to vector<128x1xf32>
    %sub3A_477 = arith.subf %sub3A_476, %sub3A_474 : vector<128x1xf32>
    %sub3A_478 = arith.subf %broadcast_in_dim3A_107, %broadcast_in_dim3A_101 : vector<128x1xf32>
    %sub3A_479 = arith.constant 5.120000e+02 : f32
    %sub3A_480 = vector.broadcast %sub3A_479 : f32 to vector<128x1xf32>
    %sub3A_481 = arith.subf %sub3A_480, %sub3A_478 : vector<128x1xf32>
    %sub3A_482 = arith.subf %broadcast_in_dim3A_113, %broadcast_in_dim3A_107 : vector<128x1xf32>
    %sub3A_483 = arith.constant 5.120000e+02 : f32
    %sub3A_484 = vector.broadcast %sub3A_483 : f32 to vector<128x1xf32>
    %sub3A_485 = arith.subf %sub3A_484, %sub3A_482 : vector<128x1xf32>
    %sub3A_486 = arith.subf %broadcast_in_dim3A_119, %broadcast_in_dim3A_113 : vector<128x1xf32>
    %sub3A_487 = arith.constant 5.120000e+02 : f32
    %sub3A_488 = vector.broadcast %sub3A_487 : f32 to vector<128x1xf32>
    %sub3A_489 = arith.subf %sub3A_488, %sub3A_486 : vector<128x1xf32>
    %sub3A_490 = arith.subf %broadcast_in_dim3A_125, %broadcast_in_dim3A_119 : vector<128x1xf32>
    %sub3A_491 = arith.constant 5.120000e+02 : f32
    %sub3A_492 = vector.broadcast %sub3A_491 : f32 to vector<128x1xf32>
    %sub3A_493 = arith.subf %sub3A_492, %sub3A_490 : vector<128x1xf32>
    %sub3A_494 = arith.subf %broadcast_in_dim3A_131, %broadcast_in_dim3A_125 : vector<128x1xf32>
    %sub3A_495 = arith.constant 5.120000e+02 : f32
    %sub3A_496 = vector.broadcast %sub3A_495 : f32 to vector<128x1xf32>
    %sub3A_497 = arith.subf %sub3A_496, %sub3A_494 : vector<128x1xf32>
    %sub3A_498 = arith.subf %broadcast_in_dim3A_137, %broadcast_in_dim3A_131 : vector<128x1xf32>
    %sub3A_499 = arith.constant 5.120000e+02 : f32
    %sub3A_500 = vector.broadcast %sub3A_499 : f32 to vector<128x1xf32>
    %sub3A_501 = arith.subf %sub3A_500, %sub3A_498 : vector<128x1xf32>
    %sub3A_502 = arith.subf %broadcast_in_dim3A_143, %broadcast_in_dim3A_137 : vector<128x1xf32>
    %sub3A_503 = arith.constant 5.120000e+02 : f32
    %sub3A_504 = vector.broadcast %sub3A_503 : f32 to vector<128x1xf32>
    %sub3A_505 = arith.subf %sub3A_504, %sub3A_502 : vector<128x1xf32>
    %sub3A_506 = arith.subf %broadcast_in_dim3A_149, %broadcast_in_dim3A_143 : vector<128x1xf32>
    %sub3A_507 = arith.constant 5.120000e+02 : f32
    %sub3A_508 = vector.broadcast %sub3A_507 : f32 to vector<128x1xf32>
    %sub3A_509 = arith.subf %sub3A_508, %sub3A_506 : vector<128x1xf32>
    %sub3A_510 = arith.subf %broadcast_in_dim3A_155, %broadcast_in_dim3A_149 : vector<128x1xf32>
    %sub3A_511 = arith.constant 5.120000e+02 : f32
    %sub3A_512 = vector.broadcast %sub3A_511 : f32 to vector<128x1xf32>
    %sub3A_513 = arith.subf %sub3A_512, %sub3A_510 : vector<128x1xf32>
    %sub3A_514 = arith.subf %broadcast_in_dim3A_161, %broadcast_in_dim3A_155 : vector<128x1xf32>
    %sub3A_515 = arith.constant 5.120000e+02 : f32
    %sub3A_516 = vector.broadcast %sub3A_515 : f32 to vector<128x1xf32>
    %sub3A_517 = arith.subf %sub3A_516, %sub3A_514 : vector<128x1xf32>
    %sub3A_518 = arith.subf %broadcast_in_dim3A_167, %broadcast_in_dim3A_161 : vector<128x1xf32>
    %sub3A_519 = arith.constant 5.120000e+02 : f32
    %sub3A_520 = vector.broadcast %sub3A_519 : f32 to vector<128x1xf32>
    %sub3A_521 = arith.subf %sub3A_520, %sub3A_518 : vector<128x1xf32>
    %sub3A_522 = arith.subf %broadcast_in_dim3A_173, %broadcast_in_dim3A_167 : vector<128x1xf32>
    %sub3A_523 = arith.constant 5.120000e+02 : f32
    %sub3A_524 = vector.broadcast %sub3A_523 : f32 to vector<128x1xf32>
    %sub3A_525 = arith.subf %sub3A_524, %sub3A_522 : vector<128x1xf32>
    %sub3A_526 = arith.subf %broadcast_in_dim3A_179, %broadcast_in_dim3A_173 : vector<128x1xf32>
    %sub3A_527 = arith.constant 5.120000e+02 : f32
    %sub3A_528 = vector.broadcast %sub3A_527 : f32 to vector<128x1xf32>
    %sub3A_529 = arith.subf %sub3A_528, %sub3A_526 : vector<128x1xf32>
    %sub3A_530 = arith.subf %broadcast_in_dim3A_185, %broadcast_in_dim3A_179 : vector<128x1xf32>
    %sub3A_531 = arith.constant 5.120000e+02 : f32
    %sub3A_532 = vector.broadcast %sub3A_531 : f32 to vector<128x1xf32>
    %sub3A_533 = arith.subf %sub3A_532, %sub3A_530 : vector<128x1xf32>
    %sub3A_534 = arith.subf %broadcast_in_dim3A_191, %broadcast_in_dim3A_185 : vector<128x1xf32>
    %sub3A_535 = arith.constant 5.120000e+02 : f32
    %sub3A_536 = vector.broadcast %sub3A_535 : f32 to vector<128x1xf32>
    %sub3A_537 = arith.subf %sub3A_536, %sub3A_534 : vector<128x1xf32>
    %sub3A_538 = arith.subf %broadcast_in_dim3A_197, %broadcast_in_dim3A_191 : vector<128x1xf32>
    %sub3A_539 = arith.constant 5.120000e+02 : f32
    %sub3A_540 = vector.broadcast %sub3A_539 : f32 to vector<128x1xf32>
    %sub3A_541 = arith.subf %sub3A_540, %sub3A_538 : vector<128x1xf32>
    %sub3A_542 = arith.subf %broadcast_in_dim3A_203, %broadcast_in_dim3A_197 : vector<128x1xf32>
    %sub3A_543 = arith.constant 5.120000e+02 : f32
    %sub3A_544 = vector.broadcast %sub3A_543 : f32 to vector<128x1xf32>
    %sub3A_545 = arith.subf %sub3A_544, %sub3A_542 : vector<128x1xf32>
    %sub3A_546 = arith.subf %broadcast_in_dim3A_209, %broadcast_in_dim3A_203 : vector<128x1xf32>
    %sub3A_547 = arith.constant 5.120000e+02 : f32
    %sub3A_548 = vector.broadcast %sub3A_547 : f32 to vector<128x1xf32>
    %sub3A_549 = arith.subf %sub3A_548, %sub3A_546 : vector<128x1xf32>
    %sub3A_550 = arith.subf %broadcast_in_dim3A_215, %broadcast_in_dim3A_209 : vector<128x1xf32>
    %sub3A_551 = arith.constant 5.120000e+02 : f32
    %sub3A_552 = vector.broadcast %sub3A_551 : f32 to vector<128x1xf32>
    %sub3A_553 = arith.subf %sub3A_552, %sub3A_550 : vector<128x1xf32>
    %sub3A_554 = arith.subf %broadcast_in_dim3A_221, %broadcast_in_dim3A_215 : vector<128x1xf32>
    %sub3A_555 = arith.constant 5.120000e+02 : f32
    %sub3A_556 = vector.broadcast %sub3A_555 : f32 to vector<128x1xf32>
    %sub3A_557 = arith.subf %sub3A_556, %sub3A_554 : vector<128x1xf32>
    %sub3A_558 = arith.subf %broadcast_in_dim3A_227, %broadcast_in_dim3A_221 : vector<128x1xf32>
    %sub3A_559 = arith.constant 5.120000e+02 : f32
    %sub3A_560 = vector.broadcast %sub3A_559 : f32 to vector<128x1xf32>
    %sub3A_561 = arith.subf %sub3A_560, %sub3A_558 : vector<128x1xf32>
    %sub3A_562 = arith.subf %broadcast_in_dim3A_233, %broadcast_in_dim3A_227 : vector<128x1xf32>
    %sub3A_563 = arith.constant 5.120000e+02 : f32
    %sub3A_564 = vector.broadcast %sub3A_563 : f32 to vector<128x1xf32>
    %sub3A_565 = arith.subf %sub3A_564, %sub3A_562 : vector<128x1xf32>
    %sub3A_566 = arith.subf %broadcast_in_dim3A_239, %broadcast_in_dim3A_233 : vector<128x1xf32>
    %sub3A_567 = arith.constant 5.120000e+02 : f32
    %sub3A_568 = vector.broadcast %sub3A_567 : f32 to vector<128x1xf32>
    %sub3A_569 = arith.subf %sub3A_568, %sub3A_566 : vector<128x1xf32>
    %sub3A_570 = arith.subf %broadcast_in_dim3A_245, %broadcast_in_dim3A_239 : vector<128x1xf32>
    %sub3A_571 = arith.constant 5.120000e+02 : f32
    %sub3A_572 = vector.broadcast %sub3A_571 : f32 to vector<128x1xf32>
    %sub3A_573 = arith.subf %sub3A_572, %sub3A_570 : vector<128x1xf32>
    %sub3A_574 = arith.subf %broadcast_in_dim3A_251, %broadcast_in_dim3A_245 : vector<128x1xf32>
    %sub3A_575 = arith.constant 5.120000e+02 : f32
    %sub3A_576 = vector.broadcast %sub3A_575 : f32 to vector<128x1xf32>
    %sub3A_577 = arith.subf %sub3A_576, %sub3A_574 : vector<128x1xf32>
    %sub3A_578 = arith.subf %broadcast_in_dim3A_257, %broadcast_in_dim3A_251 : vector<128x1xf32>
    %sub3A_579 = arith.constant 5.120000e+02 : f32
    %sub3A_580 = vector.broadcast %sub3A_579 : f32 to vector<128x1xf32>
    %sub3A_581 = arith.subf %sub3A_580, %sub3A_578 : vector<128x1xf32>
    %sub3A_582 = arith.subf %broadcast_in_dim3A_263, %broadcast_in_dim3A_257 : vector<128x1xf32>
    %sub3A_583 = arith.constant 5.120000e+02 : f32
    %sub3A_584 = vector.broadcast %sub3A_583 : f32 to vector<128x1xf32>
    %sub3A_585 = arith.subf %sub3A_584, %sub3A_582 : vector<128x1xf32>
    %sub3A_586 = arith.subf %broadcast_in_dim3A_269, %broadcast_in_dim3A_263 : vector<128x1xf32>
    %sub3A_587 = arith.constant 5.120000e+02 : f32
    %sub3A_588 = vector.broadcast %sub3A_587 : f32 to vector<128x1xf32>
    %sub3A_589 = arith.subf %sub3A_588, %sub3A_586 : vector<128x1xf32>
    %sub3A_590 = arith.subf %broadcast_in_dim3A_275, %broadcast_in_dim3A_269 : vector<128x1xf32>
    %sub3A_591 = arith.constant 5.120000e+02 : f32
    %sub3A_592 = vector.broadcast %sub3A_591 : f32 to vector<128x1xf32>
    %sub3A_593 = arith.subf %sub3A_592, %sub3A_590 : vector<128x1xf32>
    %sub3A_594 = arith.subf %broadcast_in_dim3A_281, %broadcast_in_dim3A_275 : vector<128x1xf32>
    %sub3A_595 = arith.constant 5.120000e+02 : f32
    %sub3A_596 = vector.broadcast %sub3A_595 : f32 to vector<128x1xf32>
    %sub3A_597 = arith.subf %sub3A_596, %sub3A_594 : vector<128x1xf32>
    %sub3A_598 = arith.subf %broadcast_in_dim3A_287, %broadcast_in_dim3A_281 : vector<128x1xf32>
    %sub3A_599 = arith.constant 5.120000e+02 : f32
    %sub3A_600 = vector.broadcast %sub3A_599 : f32 to vector<128x1xf32>
    %sub3A_601 = arith.subf %sub3A_600, %sub3A_598 : vector<128x1xf32>
    %sub3A_602 = arith.subf %broadcast_in_dim3A_293, %broadcast_in_dim3A_287 : vector<128x1xf32>
    %sub3A_603 = arith.constant 5.120000e+02 : f32
    %sub3A_604 = vector.broadcast %sub3A_603 : f32 to vector<128x1xf32>
    %sub3A_605 = arith.subf %sub3A_604, %sub3A_602 : vector<128x1xf32>
    %sub3A_606 = arith.subf %broadcast_in_dim3A_299, %broadcast_in_dim3A_293 : vector<128x1xf32>
    %sub3A_607 = arith.constant 5.120000e+02 : f32
    %sub3A_608 = vector.broadcast %sub3A_607 : f32 to vector<128x1xf32>
    %sub3A_609 = arith.subf %sub3A_608, %sub3A_606 : vector<128x1xf32>
    %sub3A_610 = arith.subf %broadcast_in_dim3A_305, %broadcast_in_dim3A_299 : vector<128x1xf32>
    %sub3A_611 = arith.constant 5.120000e+02 : f32
    %sub3A_612 = vector.broadcast %sub3A_611 : f32 to vector<128x1xf32>
    %sub3A_613 = arith.subf %sub3A_612, %sub3A_610 : vector<128x1xf32>
    %sub3A_614 = arith.subf %broadcast_in_dim3A_311, %broadcast_in_dim3A_305 : vector<128x1xf32>
    %sub3A_615 = arith.constant 5.120000e+02 : f32
    %sub3A_616 = vector.broadcast %sub3A_615 : f32 to vector<128x1xf32>
    %sub3A_617 = arith.subf %sub3A_616, %sub3A_614 : vector<128x1xf32>
    %sub3A_618 = arith.subf %broadcast_in_dim3A_317, %broadcast_in_dim3A_311 : vector<128x1xf32>
    %sub3A_619 = arith.constant 5.120000e+02 : f32
    %sub3A_620 = vector.broadcast %sub3A_619 : f32 to vector<128x1xf32>
    %sub3A_621 = arith.subf %sub3A_620, %sub3A_618 : vector<128x1xf32>
    %sub3A_622 = arith.subf %broadcast_in_dim3A_323, %broadcast_in_dim3A_317 : vector<128x1xf32>
    %sub3A_623 = arith.constant 5.120000e+02 : f32
    %sub3A_624 = vector.broadcast %sub3A_623 : f32 to vector<128x1xf32>
    %sub3A_625 = arith.subf %sub3A_624, %sub3A_622 : vector<128x1xf32>
    %sub3A_626 = arith.subf %broadcast_in_dim3A_329, %broadcast_in_dim3A_323 : vector<128x1xf32>
    %sub3A_627 = arith.constant 5.120000e+02 : f32
    %sub3A_628 = vector.broadcast %sub3A_627 : f32 to vector<128x1xf32>
    %sub3A_629 = arith.subf %sub3A_628, %sub3A_626 : vector<128x1xf32>
    %sub3A_630 = arith.subf %broadcast_in_dim3A_335, %broadcast_in_dim3A_329 : vector<128x1xf32>
    %sub3A_631 = arith.constant 5.120000e+02 : f32
    %sub3A_632 = vector.broadcast %sub3A_631 : f32 to vector<128x1xf32>
    %sub3A_633 = arith.subf %sub3A_632, %sub3A_630 : vector<128x1xf32>
    %sub3A_634 = arith.subf %broadcast_in_dim3A_341, %broadcast_in_dim3A_335 : vector<128x1xf32>
    %sub3A_635 = arith.constant 5.120000e+02 : f32
    %sub3A_636 = vector.broadcast %sub3A_635 : f32 to vector<128x1xf32>
    %sub3A_637 = arith.subf %sub3A_636, %sub3A_634 : vector<128x1xf32>
    %sub3A_638 = arith.subf %broadcast_in_dim3A_347, %broadcast_in_dim3A_341 : vector<128x1xf32>
    %sub3A_639 = arith.constant 5.120000e+02 : f32
    %sub3A_640 = vector.broadcast %sub3A_639 : f32 to vector<128x1xf32>
    %sub3A_641 = arith.subf %sub3A_640, %sub3A_638 : vector<128x1xf32>
    %sub3A_642 = arith.subf %broadcast_in_dim3A_353, %broadcast_in_dim3A_347 : vector<128x1xf32>
    %sub3A_643 = arith.constant 5.120000e+02 : f32
    %sub3A_644 = vector.broadcast %sub3A_643 : f32 to vector<128x1xf32>
    %sub3A_645 = arith.subf %sub3A_644, %sub3A_642 : vector<128x1xf32>
    %sub3A_646 = arith.subf %broadcast_in_dim3A_359, %broadcast_in_dim3A_353 : vector<128x1xf32>
    %sub3A_647 = arith.constant 5.120000e+02 : f32
    %sub3A_648 = vector.broadcast %sub3A_647 : f32 to vector<128x1xf32>
    %sub3A_649 = arith.subf %sub3A_648, %sub3A_646 : vector<128x1xf32>
    %sub3A_650 = arith.subf %broadcast_in_dim3A_365, %broadcast_in_dim3A_359 : vector<128x1xf32>
    %sub3A_651 = arith.constant 5.120000e+02 : f32
    %sub3A_652 = vector.broadcast %sub3A_651 : f32 to vector<128x1xf32>
    %sub3A_653 = arith.subf %sub3A_652, %sub3A_650 : vector<128x1xf32>
    %sub3A_654 = arith.subf %broadcast_in_dim3A_371, %broadcast_in_dim3A_365 : vector<128x1xf32>
    %sub3A_655 = arith.constant 5.120000e+02 : f32
    %sub3A_656 = vector.broadcast %sub3A_655 : f32 to vector<128x1xf32>
    %sub3A_657 = arith.subf %sub3A_656, %sub3A_654 : vector<128x1xf32>
    %sub3A_658 = arith.subf %broadcast_in_dim3A_377, %broadcast_in_dim3A_371 : vector<128x1xf32>
    %sub3A_659 = arith.constant 5.120000e+02 : f32
    %sub3A_660 = vector.broadcast %sub3A_659 : f32 to vector<128x1xf32>
    %sub3A_661 = arith.subf %sub3A_660, %sub3A_658 : vector<128x1xf32>
    %sub3A_662 = arith.subf %broadcast_in_dim3A_383, %broadcast_in_dim3A_377 : vector<128x1xf32>
    %sub3A_663 = arith.constant 5.120000e+02 : f32
    %sub3A_664 = vector.broadcast %sub3A_663 : f32 to vector<128x1xf32>
    %sub3A_665 = arith.subf %sub3A_664, %sub3A_662 : vector<128x1xf32>
    %sub3A_666 = arith.subf %broadcast_in_dim3A_389, %broadcast_in_dim3A_383 : vector<128x1xf32>
    %sub3A_667 = arith.constant 5.120000e+02 : f32
    %sub3A_668 = vector.broadcast %sub3A_667 : f32 to vector<128x1xf32>
    %sub3A_669 = arith.subf %sub3A_668, %sub3A_666 : vector<128x1xf32>
    %sub3A_670 = arith.subf %broadcast_in_dim3A_395, %broadcast_in_dim3A_389 : vector<128x1xf32>
    %sub3A_671 = arith.constant 5.120000e+02 : f32
    %sub3A_672 = vector.broadcast %sub3A_671 : f32 to vector<128x1xf32>
    %sub3A_673 = arith.subf %sub3A_672, %sub3A_670 : vector<128x1xf32>
    %sub3A_674 = arith.subf %broadcast_in_dim3A_401, %broadcast_in_dim3A_395 : vector<128x1xf32>
    %sub3A_675 = arith.constant 5.120000e+02 : f32
    %sub3A_676 = vector.broadcast %sub3A_675 : f32 to vector<128x1xf32>
    %sub3A_677 = arith.subf %sub3A_676, %sub3A_674 : vector<128x1xf32>
    %sub3A_678 = arith.subf %broadcast_in_dim3A_407, %broadcast_in_dim3A_401 : vector<128x1xf32>
    %sub3A_679 = arith.constant 5.120000e+02 : f32
    %sub3A_680 = vector.broadcast %sub3A_679 : f32 to vector<128x1xf32>
    %sub3A_681 = arith.subf %sub3A_680, %sub3A_678 : vector<128x1xf32>
    %sub3A_682 = arith.subf %broadcast_in_dim3A_413, %broadcast_in_dim3A_407 : vector<128x1xf32>
    %sub3A_683 = arith.constant 5.120000e+02 : f32
    %sub3A_684 = vector.broadcast %sub3A_683 : f32 to vector<128x1xf32>
    %sub3A_685 = arith.subf %sub3A_684, %sub3A_682 : vector<128x1xf32>
    %sub3A_686 = arith.subf %broadcast_in_dim3A_419, %broadcast_in_dim3A_413 : vector<128x1xf32>
    %sub3A_687 = arith.constant 5.120000e+02 : f32
    %sub3A_688 = vector.broadcast %sub3A_687 : f32 to vector<128x1xf32>
    %sub3A_689 = arith.subf %sub3A_688, %sub3A_686 : vector<128x1xf32>
    %sub3A_690 = arith.subf %broadcast_in_dim3A_425, %broadcast_in_dim3A_419 : vector<128x1xf32>
    %sub3A_691 = arith.constant 5.120000e+02 : f32
    %sub3A_692 = vector.broadcast %sub3A_691 : f32 to vector<128x1xf32>
    %sub3A_693 = arith.subf %sub3A_692, %sub3A_690 : vector<128x1xf32>
    %sub3A_694 = arith.subf %broadcast_in_dim3A_431, %broadcast_in_dim3A_425 : vector<128x1xf32>
    %sub3A_695 = arith.constant 5.120000e+02 : f32
    %sub3A_696 = vector.broadcast %sub3A_695 : f32 to vector<128x1xf32>
    %sub3A_697 = arith.subf %sub3A_696, %sub3A_694 : vector<128x1xf32>
    %sub3A_698 = arith.subf %broadcast_in_dim3A_437, %broadcast_in_dim3A_431 : vector<128x1xf32>
    %sub3A_699 = arith.constant 5.120000e+02 : f32
    %sub3A_700 = vector.broadcast %sub3A_699 : f32 to vector<128x1xf32>
    %sub3A_701 = arith.subf %sub3A_700, %sub3A_698 : vector<128x1xf32>
    %sub3A_702 = arith.subf %broadcast_in_dim3A_443, %broadcast_in_dim3A_437 : vector<128x1xf32>
    %sub3A_703 = arith.constant 5.120000e+02 : f32
    %sub3A_704 = vector.broadcast %sub3A_703 : f32 to vector<128x1xf32>
    %sub3A_705 = arith.subf %sub3A_704, %sub3A_702 : vector<128x1xf32>
    %sub3A_706 = arith.subf %broadcast_in_dim3A_449, %broadcast_in_dim3A_443 : vector<128x1xf32>
    %sub3A_707 = arith.constant 5.120000e+02 : f32
    %sub3A_708 = vector.broadcast %sub3A_707 : f32 to vector<128x1xf32>
    %sub3A_709 = arith.subf %sub3A_708, %sub3A_706 : vector<128x1xf32>
    %sub3A_710 = arith.subf %broadcast_in_dim3A_455, %broadcast_in_dim3A_449 : vector<128x1xf32>
    %sub3A_711 = arith.constant 5.120000e+02 : f32
    %sub3A_712 = vector.broadcast %sub3A_711 : f32 to vector<128x1xf32>
    %sub3A_713 = arith.subf %sub3A_712, %sub3A_710 : vector<128x1xf32>
    %sub3A_714 = arith.subf %broadcast_in_dim3A_461, %broadcast_in_dim3A_455 : vector<128x1xf32>
    %sub3A_715 = arith.constant 5.120000e+02 : f32
    %sub3A_716 = vector.broadcast %sub3A_715 : f32 to vector<128x1xf32>
    %sub3A_717 = arith.subf %sub3A_716, %sub3A_714 : vector<128x1xf32>
    %concatenate3A_718 = tpu.concatenate %sub3A_465, %sub3A_469, %sub3A_473, %sub3A_477, %sub3A_481, %sub3A_485, %sub3A_489, %sub3A_493, %sub3A_497, %sub3A_501, %sub3A_505, %sub3A_509, %sub3A_513, %sub3A_517, %sub3A_521, %sub3A_525, %sub3A_529, %sub3A_533, %sub3A_537, %sub3A_541, %sub3A_545, %sub3A_549, %sub3A_553, %sub3A_557, %sub3A_561, %sub3A_565, %sub3A_569, %sub3A_573, %sub3A_577, %sub3A_581, %sub3A_585, %sub3A_589, %sub3A_593, %sub3A_597, %sub3A_601, %sub3A_605, %sub3A_609, %sub3A_613, %sub3A_617, %sub3A_621, %sub3A_625, %sub3A_629, %sub3A_633, %sub3A_637, %sub3A_641, %sub3A_645, %sub3A_649, %sub3A_653, %sub3A_657, %sub3A_661, %sub3A_665, %sub3A_669, %sub3A_673, %sub3A_677, %sub3A_681, %sub3A_685, %sub3A_689, %sub3A_693, %sub3A_697, %sub3A_701, %sub3A_705, %sub3A_709, %sub3A_713, %sub3A_717 in 1 : vector<128x1xf32>, vector<128x1xf32>, vector<128x1xf32>, vector<128x1xf32>, vector<128x1xf32>, vector<128x1xf32>, vector<128x1xf32>, vector<128x1xf32>, vector<128x1xf32>, vector<128x1xf32>, vector<128x1xf32>, vector<128x1xf32>, vector<128x1xf32>, vector<128x1xf32>, vector<128x1xf32>, vector<128x1xf32>, vector<128x1xf32>, vector<128x1xf32>, vector<128x1xf32>, vector<128x1xf32>, vector<128x1xf32>, vector<128x1xf32>, vector<128x1xf32>, vector<128x1xf32>, vector<128x1xf32>, vector<128x1xf32>, vector<128x1xf32>, vector<128x1xf32>, vector<128x1xf32>, vector<128x1xf32>, vector<128x1xf32>, vector<128x1xf32>, vector<128x1xf32>, vector<128x1xf32>, vector<128x1xf32>, vector<128x1xf32>, vector<128x1xf32>, vector<128x1xf32>, vector<128x1xf32>, vector<128x1xf32>, vector<128x1xf32>, vector<128x1xf32>, vector<128x1xf32>, vector<128x1xf32>, vector<128x1xf32>, vector<128x1xf32>, vector<128x1xf32>, vector<128x1xf32>, vector<128x1xf32>, vector<128x1xf32>, vector<128x1xf32>, vector<128x1xf32>, vector<128x1xf32>, vector<128x1xf32>, vector<128x1xf32>, vector<128x1xf32>, vector<128x1xf32>, vector<128x1xf32>, vector<128x1xf32>, vector<128x1xf32>, vector<128x1xf32>, vector<128x1xf32>, vector<128x1xf32>, vector<128x1xf32> -> vector<128x64xf32>
    %iota3A = tpu.iota {dimensions = array<i32: 1>} : vector<128x64xi32>
    %convert_element_type3A = arith.fptosi %slice3A_72 : vector<128x1xf32> to vector<128x1xi32>
    %lt3A = vector.broadcast %convert_element_type3A : vector<128x1xi32> to vector<128x64xi32>
    %lt3A_719 = arith.cmpi slt, %iota3A, %lt3A : vector<128x64xi32>
    %broadcast_in_dim3A_720 = vector.shape_cast %sub3A_465 : vector<128x1xf32> to vector<128x1xf32>
    %broadcast_in_dim3A_721 = vector.broadcast %broadcast_in_dim3A_720 : vector<128x1xf32> to vector<128x64xf32>
    %select_n3A_722 = arith.select %lt3A_719, %concatenate3A_718, %broadcast_in_dim3A_721 : vector<128x64xi1>, vector<128x64xf32>
    %convert_element_type3A_723 = arith.fptosi %select_n3A_722 : vector<128x64xf32> to vector<128x64xi32>
    %mul3A_724 = arith.constant 512 : i32
    %mul3A_725 = arith.muli %arg0, %mul3A_724 : i32
    %add3A_726 = vector.broadcast %mul3A_725 : i32 to vector<128x64xi32>
    %add3A_727 = arith.addi %convert_element_type3A_723, %add3A_726 : vector<128x64xi32>
    %broadcast_in_dim3A_728 = vector.shape_cast %add3A_727 : vector<128x64xi32> to vector<1x128x64xi32>
    %swap3A = arith.constant 0 : index
    %swap3A_729 = arith.constant 0 : index
    %swap3A_730 = arith.constant 0 : index
    %swap3A_731 = vector.load %arg4[%swap3A, %swap3A_729, %swap3A_730] : memref<1x128x64xi32, #tpu.memory_space<vmem>>, vector<1x128x64xi32>
    tpu.vector_store %arg4[%swap3A, %swap3A_729, %swap3A_730], %broadcast_in_dim3A_728 {strides = array<i32>} : memref<1x128x64xi32, #tpu.memory_space<vmem>>, vector<1x128x64xi32>,
    return
  }
  func.func @transform_0(%arg0: i32, %arg1: i32) -> (i32, i32, i32) {
    %c0_i32 = arith.constant 0 : i32
    %c0_i32_0 = arith.constant 0 : i32
    return %arg0, %arg1, %c0_i32 : i32, i32, i32
  }
  func.func @transform_1(%arg0: i32, %arg1: i32) -> (i32, i32, i32) {
    %c0_i32 = arith.constant 0 : i32
    %c0_i32_0 = arith.constant 0 : i32
    %c0_i32_1 = arith.constant 0 : i32
    return %arg0, %c0_i32, %c0_i32_0 : i32, i32, i32
  }
  func.func @transform_2(%arg0: i32, %arg1: i32) -> (i32, i32, i32) {
    %c0_i32 = arith.constant 0 : i32
    %c0_i32_0 = arith.constant 0 : i32
    return %arg0, %arg1, %c0_i32 : i32, i32, i32
  }
}

module attributes {stable_mosaic.version = 14 : i64} {
  func.func @_mlp_pool_body(%arg0: i32, %arg1: i32, %arg2: memref<2048x16xf32, #tpu.memory_space<vmem>>, %arg3: memref<1x64x3xf32, #tpu.memory_space<vmem>>, %arg4: memref<3x64xf32, #tpu.memory_space<vmem>>, %arg5: memref<16x64xf32, #tpu.memory_space<vmem>>, %arg6: memref<1x64xf32, #tpu.memory_space<vmem>>, %arg7: memref<64x128xf32, #tpu.memory_space<vmem>>, %arg8: memref<1x128xf32, #tpu.memory_space<vmem>>, %arg9: memref<128x256xf32, #tpu.memory_space<vmem>>, %arg10: memref<1x256xf32, #tpu.memory_space<vmem>>, %arg11: memref<1x64x256xf32, #tpu.memory_space<vmem>>) attributes {dimension_semantics = [#tpu.dimension_semantics<arbitrary>, #tpu.dimension_semantics<arbitrary>], iteration_bounds = array<i64: 8, 8>, scalar_prefetch = 0 : i64, scratch_operands = 0 : i64, tpu.core_type = #tpu.core_type<tc>, window_params = [{transform_indices = @transform_0, window_bounds = array<i64: 2048, 16>}, {transform_indices = @transform_1, window_bounds = array<i64: 1, 64, 3>}, {pipeline_mode = #tpu.pipeline_mode<synchronous>, transform_indices = @transform_2, window_bounds = array<i64: 3, 64>}, {pipeline_mode = #tpu.pipeline_mode<synchronous>, transform_indices = @transform_3, window_bounds = array<i64: 16, 64>}, {pipeline_mode = #tpu.pipeline_mode<synchronous>, transform_indices = @transform_4, window_bounds = array<i64: 1, 64>}, {pipeline_mode = #tpu.pipeline_mode<synchronous>, transform_indices = @transform_5, window_bounds = array<i64: 64, 128>}, {pipeline_mode = #tpu.pipeline_mode<synchronous>, transform_indices = @transform_6, window_bounds = array<i64: 1, 128>}, {pipeline_mode = #tpu.pipeline_mode<synchronous>, transform_indices = @transform_7, window_bounds = array<i64: 128, 256>}, {pipeline_mode = #tpu.pipeline_mode<synchronous>, transform_indices = @transform_8, window_bounds = array<i64: 1, 256>}, {transform_indices = @transform_9, window_bounds = array<i64: 1, 64, 256>}]} {
    %get3A = arith.constant 0 : index
    %get3A_0 = arith.constant 0 : index
    %get3A_1 = vector.load %arg2[%get3A, %get3A_0] : memref<2048x16xf32, #tpu.memory_space<vmem>>, vector<2048x16xf32>
    %get3A_2 = arith.constant 0 : index
    %get3A_3 = arith.constant 0 : index
    %get3A_4 = arith.constant 0 : index
    %get3A_5 = vector.load %arg3[%get3A_2, %get3A_3, %get3A_4] : memref<1x64x3xf32, #tpu.memory_space<vmem>>, vector<1x64x3xf32>
    %get3A_6 = vector.shape_cast %get3A_5 : vector<1x64x3xf32> to vector<64x3xf32>
    %get3A_7 = arith.constant 0 : index
    %get3A_8 = arith.constant 0 : index
    %get3A_9 = vector.load %arg4[%get3A_7, %get3A_8] : memref<3x64xf32, #tpu.memory_space<vmem>>, vector<3x64xf32>
    %dot_general3A = arith.constant dense<0.000000e+00> : vector<64x64xf32>
    %dot_general3A_10 = tpu.matmul %get3A_6, %get3A_9, %dot_general3A {dimension_numbers = #tpu.dot_dimension_numbers<[1], [0], [0], [1], [0, 0, 1, 1], [], []>, transpose_lhs_hint = false} : vector<64x3xf32>, vector<3x64xf32>, vector<64x64xf32> -> vector<64x64xf32>
    %broadcast_in_dim3A = vector.shape_cast %dot_general3A_10 : vector<64x64xf32> to vector<64x1x64xf32>
    %broadcast_in_dim3A_11 = vector.shape_cast %broadcast_in_dim3A : vector<64x1x64xf32> to vector<64x1x64xf32>
    %broadcast_in_dim3A_12 = vector.broadcast %broadcast_in_dim3A_11 : vector<64x1x64xf32> to vector<64x32x64xf32>
    %reshape3A = vector.shape_cast %broadcast_in_dim3A_12 : vector<64x32x64xf32> to vector<2048x64xf32>
    %get3A_13 = arith.constant 0 : index
    %get3A_14 = arith.constant 0 : index
    %get3A_15 = vector.load %arg5[%get3A_13, %get3A_14] : memref<16x64xf32, #tpu.memory_space<vmem>>, vector<16x64xf32>
    %dot_general3A_16 = arith.constant dense<0.000000e+00> : vector<2048x64xf32>
    %dot_general3A_17 = tpu.matmul %get3A_1, %get3A_15, %dot_general3A_16 {dimension_numbers = #tpu.dot_dimension_numbers<[1], [0], [0], [1], [0, 0, 1, 1], [], []>, transpose_lhs_hint = false} : vector<2048x16xf32>, vector<16x64xf32>, vector<2048x64xf32> -> vector<2048x64xf32>
    %sub3A = arith.subf %dot_general3A_17, %reshape3A : vector<2048x64xf32>
    %get3A_18 = arith.constant 0 : index
    %get3A_19 = arith.constant 0 : index
    %get3A_20 = vector.load %arg6[%get3A_18, %get3A_19] : memref<1x64xf32, #tpu.memory_space<vmem>>, vector<1x64xf32>
    %add3A = vector.broadcast %get3A_20 : vector<1x64xf32> to vector<2048x64xf32>
    %add3A_21 = arith.addf %sub3A, %add3A : vector<2048x64xf32>
    %max3A = arith.constant 0.000000e+00 : f32
    %max3A_22 = vector.broadcast %max3A : f32 to vector<2048x64xf32>
    %max3A_23 = arith.maximumf %add3A_21, %max3A_22 : vector<2048x64xf32>
    %get3A_24 = arith.constant 0 : index
    %get3A_25 = arith.constant 0 : index
    %get3A_26 = vector.load %arg7[%get3A_24, %get3A_25] : memref<64x128xf32, #tpu.memory_space<vmem>>, vector<64x128xf32>
    %dot_general3A_27 = arith.constant dense<0.000000e+00> : vector<2048x128xf32>
    %dot_general3A_28 = tpu.matmul %max3A_23, %get3A_26, %dot_general3A_27 {dimension_numbers = #tpu.dot_dimension_numbers<[1], [0], [0], [1], [0, 0, 1, 1], [], []>, transpose_lhs_hint = false} : vector<2048x64xf32>, vector<64x128xf32>, vector<2048x128xf32> -> vector<2048x128xf32>
    %get3A_29 = arith.constant 0 : index
    %get3A_30 = arith.constant 0 : index
    %get3A_31 = vector.load %arg8[%get3A_29, %get3A_30] : memref<1x128xf32, #tpu.memory_space<vmem>>, vector<1x128xf32>
    %add3A_32 = vector.broadcast %get3A_31 : vector<1x128xf32> to vector<2048x128xf32>
    %add3A_33 = arith.addf %dot_general3A_28, %add3A_32 : vector<2048x128xf32>
    %max3A_34 = arith.constant 0.000000e+00 : f32
    %max3A_35 = vector.broadcast %max3A_34 : f32 to vector<2048x128xf32>
    %max3A_36 = arith.maximumf %add3A_33, %max3A_35 : vector<2048x128xf32>
    %get3A_37 = arith.constant 0 : index
    %get3A_38 = arith.constant 0 : index
    %get3A_39 = vector.load %arg9[%get3A_37, %get3A_38] : memref<128x256xf32, #tpu.memory_space<vmem>>, vector<128x256xf32>
    %dot_general3A_40 = arith.constant dense<0.000000e+00> : vector<2048x256xf32>
    %dot_general3A_41 = tpu.matmul %max3A_36, %get3A_39, %dot_general3A_40 {dimension_numbers = #tpu.dot_dimension_numbers<[1], [0], [0], [1], [0, 0, 1, 1], [], []>, transpose_lhs_hint = false} : vector<2048x128xf32>, vector<128x256xf32>, vector<2048x256xf32> -> vector<2048x256xf32>
    %get3A_42 = arith.constant 0 : index
    %get3A_43 = arith.constant 0 : index
    %get3A_44 = vector.load %arg10[%get3A_42, %get3A_43] : memref<1x256xf32, #tpu.memory_space<vmem>>, vector<1x256xf32>
    %add3A_45 = vector.broadcast %get3A_44 : vector<1x256xf32> to vector<2048x256xf32>
    %add3A_46 = arith.addf %dot_general3A_41, %add3A_45 : vector<2048x256xf32>
    %max3A_47 = arith.constant 0.000000e+00 : f32
    %max3A_48 = vector.broadcast %max3A_47 : f32 to vector<2048x256xf32>
    %max3A_49 = arith.maximumf %add3A_46, %max3A_48 : vector<2048x256xf32>
    %reshape3A_50 = vector.shape_cast %max3A_49 : vector<2048x256xf32> to vector<64x32x256xf32>
    %reduce_max3A = arith.constant dense<0xFF800000> : vector<64x256xf32>
    %reduce_max3A_51 = vector.multi_reduction <maximumf>, %reshape3A_50, %reduce_max3A [1] : vector<64x32x256xf32> to vector<64x256xf32>
    %broadcast_in_dim3A_52 = vector.shape_cast %reduce_max3A_51 : vector<64x256xf32> to vector<1x64x256xf32>
    %swap3A = arith.constant 0 : index
    %swap3A_53 = arith.constant 0 : index
    %swap3A_54 = arith.constant 0 : index
    %swap3A_55 = vector.load %arg11[%swap3A, %swap3A_53, %swap3A_54] : memref<1x64x256xf32, #tpu.memory_space<vmem>>, vector<1x64x256xf32>
    tpu.vector_store %arg11[%swap3A, %swap3A_53, %swap3A_54], %broadcast_in_dim3A_52 {strides = array<i32>} : memref<1x64x256xf32, #tpu.memory_space<vmem>>, vector<1x64x256xf32>,
    return
  }
  func.func @transform_0(%arg0: i32, %arg1: i32) -> (i32, i32) {
    %mul3A = arith.constant 8 : i32
    %mul3A_0 = arith.muli %arg0, %mul3A : i32
    %add3A = arith.addi %mul3A_0, %arg1 : i32
    %c0_i32 = arith.constant 0 : i32
    %c0_i32_1 = arith.constant 0 : i32
    return %add3A, %c0_i32 : i32, i32
  }
  func.func @transform_1(%arg0: i32, %arg1: i32) -> (i32, i32, i32) {
    %c0_i32 = arith.constant 0 : i32
    %c0_i32_0 = arith.constant 0 : i32
    return %arg0, %arg1, %c0_i32 : i32, i32, i32
  }
  func.func @transform_2(%arg0: i32, %arg1: i32) -> (i32, i32) {
    %c0_i32 = arith.constant 0 : i32
    %c0_i32_0 = arith.constant 0 : i32
    %c0_i32_1 = arith.constant 0 : i32
    return %c0_i32, %c0_i32_0 : i32, i32
  }
  func.func @transform_3(%arg0: i32, %arg1: i32) -> (i32, i32) {
    %c0_i32 = arith.constant 0 : i32
    %c0_i32_0 = arith.constant 0 : i32
    %c0_i32_1 = arith.constant 0 : i32
    return %c0_i32, %c0_i32_0 : i32, i32
  }
  func.func @transform_4(%arg0: i32, %arg1: i32) -> (i32, i32) {
    %c0_i32 = arith.constant 0 : i32
    %c0_i32_0 = arith.constant 0 : i32
    %c0_i32_1 = arith.constant 0 : i32
    return %c0_i32, %c0_i32_0 : i32, i32
  }
  func.func @transform_5(%arg0: i32, %arg1: i32) -> (i32, i32) {
    %c0_i32 = arith.constant 0 : i32
    %c0_i32_0 = arith.constant 0 : i32
    %c0_i32_1 = arith.constant 0 : i32
    return %c0_i32, %c0_i32_0 : i32, i32
  }
  func.func @transform_6(%arg0: i32, %arg1: i32) -> (i32, i32) {
    %c0_i32 = arith.constant 0 : i32
    %c0_i32_0 = arith.constant 0 : i32
    %c0_i32_1 = arith.constant 0 : i32
    return %c0_i32, %c0_i32_0 : i32, i32
  }
  func.func @transform_7(%arg0: i32, %arg1: i32) -> (i32, i32) {
    %c0_i32 = arith.constant 0 : i32
    %c0_i32_0 = arith.constant 0 : i32
    %c0_i32_1 = arith.constant 0 : i32
    return %c0_i32, %c0_i32_0 : i32, i32
  }
  func.func @transform_8(%arg0: i32, %arg1: i32) -> (i32, i32) {
    %c0_i32 = arith.constant 0 : i32
    %c0_i32_0 = arith.constant 0 : i32
    %c0_i32_1 = arith.constant 0 : i32
    return %c0_i32, %c0_i32_0 : i32, i32
  }
  func.func @transform_9(%arg0: i32, %arg1: i32) -> (i32, i32, i32) {
    %c0_i32 = arith.constant 0 : i32
    %c0_i32_0 = arith.constant 0 : i32
    return %arg0, %arg1, %c0_i32 : i32, i32, i32
  }
}

module attributes {stable_mosaic.version = 14 : i64} {
  func.func @_mlp_pool_body(%arg0: i32, %arg1: i32, %arg2: memref<2048x272xf32, #tpu.memory_space<vmem>>, %arg3: memref<1x32x3xf32, #tpu.memory_space<vmem>>, %arg4: memref<3x128xf32, #tpu.memory_space<vmem>>, %arg5: memref<272x128xf32, #tpu.memory_space<vmem>>, %arg6: memref<1x128xf32, #tpu.memory_space<vmem>>, %arg7: memref<128x256xf32, #tpu.memory_space<vmem>>, %arg8: memref<1x256xf32, #tpu.memory_space<vmem>>, %arg9: memref<256x512xf32, #tpu.memory_space<vmem>>, %arg10: memref<1x512xf32, #tpu.memory_space<vmem>>, %arg11: memref<1x32x512xf32, #tpu.memory_space<vmem>>) attributes {dimension_semantics = [#tpu.dimension_semantics<arbitrary>, #tpu.dimension_semantics<arbitrary>], iteration_bounds = array<i64: 8, 4>, scalar_prefetch = 0 : i64, scratch_operands = 0 : i64, tpu.core_type = #tpu.core_type<tc>, window_params = [{transform_indices = @transform_0, window_bounds = array<i64: 2048, 272>}, {transform_indices = @transform_1, window_bounds = array<i64: 1, 32, 3>}, {pipeline_mode = #tpu.pipeline_mode<synchronous>, transform_indices = @transform_2, window_bounds = array<i64: 3, 128>}, {pipeline_mode = #tpu.pipeline_mode<synchronous>, transform_indices = @transform_3, window_bounds = array<i64: 272, 128>}, {pipeline_mode = #tpu.pipeline_mode<synchronous>, transform_indices = @transform_4, window_bounds = array<i64: 1, 128>}, {pipeline_mode = #tpu.pipeline_mode<synchronous>, transform_indices = @transform_5, window_bounds = array<i64: 128, 256>}, {pipeline_mode = #tpu.pipeline_mode<synchronous>, transform_indices = @transform_6, window_bounds = array<i64: 1, 256>}, {pipeline_mode = #tpu.pipeline_mode<synchronous>, transform_indices = @transform_7, window_bounds = array<i64: 256, 512>}, {pipeline_mode = #tpu.pipeline_mode<synchronous>, transform_indices = @transform_8, window_bounds = array<i64: 1, 512>}, {transform_indices = @transform_9, window_bounds = array<i64: 1, 32, 512>}]} {
    %get3A = arith.constant 0 : index
    %get3A_0 = arith.constant 0 : index
    %get3A_1 = vector.load %arg2[%get3A, %get3A_0] : memref<2048x272xf32, #tpu.memory_space<vmem>>, vector<2048x272xf32>
    %get3A_2 = arith.constant 0 : index
    %get3A_3 = arith.constant 0 : index
    %get3A_4 = arith.constant 0 : index
    %get3A_5 = vector.load %arg3[%get3A_2, %get3A_3, %get3A_4] : memref<1x32x3xf32, #tpu.memory_space<vmem>>, vector<1x32x3xf32>
    %get3A_6 = vector.shape_cast %get3A_5 : vector<1x32x3xf32> to vector<32x3xf32>
    %get3A_7 = arith.constant 0 : index
    %get3A_8 = arith.constant 0 : index
    %get3A_9 = vector.load %arg4[%get3A_7, %get3A_8] : memref<3x128xf32, #tpu.memory_space<vmem>>, vector<3x128xf32>
    %dot_general3A = arith.constant dense<0.000000e+00> : vector<32x128xf32>
    %dot_general3A_10 = tpu.matmul %get3A_6, %get3A_9, %dot_general3A {dimension_numbers = #tpu.dot_dimension_numbers<[1], [0], [0], [1], [0, 0, 1, 1], [], []>, transpose_lhs_hint = false} : vector<32x3xf32>, vector<3x128xf32>, vector<32x128xf32> -> vector<32x128xf32>
    %broadcast_in_dim3A = vector.shape_cast %dot_general3A_10 : vector<32x128xf32> to vector<32x1x128xf32>
    %broadcast_in_dim3A_11 = vector.shape_cast %broadcast_in_dim3A : vector<32x1x128xf32> to vector<32x1x128xf32>
    %broadcast_in_dim3A_12 = vector.broadcast %broadcast_in_dim3A_11 : vector<32x1x128xf32> to vector<32x64x128xf32>
    %reshape3A = vector.shape_cast %broadcast_in_dim3A_12 : vector<32x64x128xf32> to vector<2048x128xf32>
    %get3A_13 = arith.constant 0 : index
    %get3A_14 = arith.constant 0 : index
    %get3A_15 = vector.load %arg5[%get3A_13, %get3A_14] : memref<272x128xf32, #tpu.memory_space<vmem>>, vector<272x128xf32>
    %dot_general3A_16 = arith.constant dense<0.000000e+00> : vector<2048x128xf32>
    %dot_general3A_17 = tpu.matmul %get3A_1, %get3A_15, %dot_general3A_16 {dimension_numbers = #tpu.dot_dimension_numbers<[1], [0], [0], [1], [0, 0, 1, 1], [], []>, transpose_lhs_hint = false} : vector<2048x272xf32>, vector<272x128xf32>, vector<2048x128xf32> -> vector<2048x128xf32>
    %sub3A = arith.subf %dot_general3A_17, %reshape3A : vector<2048x128xf32>
    %get3A_18 = arith.constant 0 : index
    %get3A_19 = arith.constant 0 : index
    %get3A_20 = vector.load %arg6[%get3A_18, %get3A_19] : memref<1x128xf32, #tpu.memory_space<vmem>>, vector<1x128xf32>
    %add3A = vector.broadcast %get3A_20 : vector<1x128xf32> to vector<2048x128xf32>
    %add3A_21 = arith.addf %sub3A, %add3A : vector<2048x128xf32>
    %max3A = arith.constant 0.000000e+00 : f32
    %max3A_22 = vector.broadcast %max3A : f32 to vector<2048x128xf32>
    %max3A_23 = arith.maximumf %add3A_21, %max3A_22 : vector<2048x128xf32>
    %get3A_24 = arith.constant 0 : index
    %get3A_25 = arith.constant 0 : index
    %get3A_26 = vector.load %arg7[%get3A_24, %get3A_25] : memref<128x256xf32, #tpu.memory_space<vmem>>, vector<128x256xf32>
    %dot_general3A_27 = arith.constant dense<0.000000e+00> : vector<2048x256xf32>
    %dot_general3A_28 = tpu.matmul %max3A_23, %get3A_26, %dot_general3A_27 {dimension_numbers = #tpu.dot_dimension_numbers<[1], [0], [0], [1], [0, 0, 1, 1], [], []>, transpose_lhs_hint = false} : vector<2048x128xf32>, vector<128x256xf32>, vector<2048x256xf32> -> vector<2048x256xf32>
    %get3A_29 = arith.constant 0 : index
    %get3A_30 = arith.constant 0 : index
    %get3A_31 = vector.load %arg8[%get3A_29, %get3A_30] : memref<1x256xf32, #tpu.memory_space<vmem>>, vector<1x256xf32>
    %add3A_32 = vector.broadcast %get3A_31 : vector<1x256xf32> to vector<2048x256xf32>
    %add3A_33 = arith.addf %dot_general3A_28, %add3A_32 : vector<2048x256xf32>
    %max3A_34 = arith.constant 0.000000e+00 : f32
    %max3A_35 = vector.broadcast %max3A_34 : f32 to vector<2048x256xf32>
    %max3A_36 = arith.maximumf %add3A_33, %max3A_35 : vector<2048x256xf32>
    %get3A_37 = arith.constant 0 : index
    %get3A_38 = arith.constant 0 : index
    %get3A_39 = vector.load %arg9[%get3A_37, %get3A_38] : memref<256x512xf32, #tpu.memory_space<vmem>>, vector<256x512xf32>
    %dot_general3A_40 = arith.constant dense<0.000000e+00> : vector<2048x512xf32>
    %dot_general3A_41 = tpu.matmul %max3A_36, %get3A_39, %dot_general3A_40 {dimension_numbers = #tpu.dot_dimension_numbers<[1], [0], [0], [1], [0, 0, 1, 1], [], []>, transpose_lhs_hint = false} : vector<2048x256xf32>, vector<256x512xf32>, vector<2048x512xf32> -> vector<2048x512xf32>
    %get3A_42 = arith.constant 0 : index
    %get3A_43 = arith.constant 0 : index
    %get3A_44 = vector.load %arg10[%get3A_42, %get3A_43] : memref<1x512xf32, #tpu.memory_space<vmem>>, vector<1x512xf32>
    %add3A_45 = vector.broadcast %get3A_44 : vector<1x512xf32> to vector<2048x512xf32>
    %add3A_46 = arith.addf %dot_general3A_41, %add3A_45 : vector<2048x512xf32>
    %max3A_47 = arith.constant 0.000000e+00 : f32
    %max3A_48 = vector.broadcast %max3A_47 : f32 to vector<2048x512xf32>
    %max3A_49 = arith.maximumf %add3A_46, %max3A_48 : vector<2048x512xf32>
    %reshape3A_50 = vector.shape_cast %max3A_49 : vector<2048x512xf32> to vector<32x64x512xf32>
    %reduce_max3A = arith.constant dense<0xFF800000> : vector<32x512xf32>
    %reduce_max3A_51 = vector.multi_reduction <maximumf>, %reshape3A_50, %reduce_max3A [1] : vector<32x64x512xf32> to vector<32x512xf32>
    %broadcast_in_dim3A_52 = vector.shape_cast %reduce_max3A_51 : vector<32x512xf32> to vector<1x32x512xf32>
    %swap3A = arith.constant 0 : index
    %swap3A_53 = arith.constant 0 : index
    %swap3A_54 = arith.constant 0 : index
    %swap3A_55 = vector.load %arg11[%swap3A, %swap3A_53, %swap3A_54] : memref<1x32x512xf32, #tpu.memory_space<vmem>>, vector<1x32x512xf32>
    tpu.vector_store %arg11[%swap3A, %swap3A_53, %swap3A_54], %broadcast_in_dim3A_52 {strides = array<i32>} : memref<1x32x512xf32, #tpu.memory_space<vmem>>, vector<1x32x512xf32>,
    return
  }
  func.func @transform_0(%arg0: i32, %arg1: i32) -> (i32, i32) {
    %mul3A = arith.constant 4 : i32
    %mul3A_0 = arith.muli %arg0, %mul3A : i32
    %add3A = arith.addi %mul3A_0, %arg1 : i32
    %c0_i32 = arith.constant 0 : i32
    %c0_i32_1 = arith.constant 0 : i32
    return %add3A, %c0_i32 : i32, i32
  }
  func.func @transform_1(%arg0: i32, %arg1: i32) -> (i32, i32, i32) {
    %c0_i32 = arith.constant 0 : i32
    %c0_i32_0 = arith.constant 0 : i32
    return %arg0, %arg1, %c0_i32 : i32, i32, i32
  }
  func.func @transform_2(%arg0: i32, %arg1: i32) -> (i32, i32) {
    %c0_i32 = arith.constant 0 : i32
    %c0_i32_0 = arith.constant 0 : i32
    %c0_i32_1 = arith.constant 0 : i32
    return %c0_i32, %c0_i32_0 : i32, i32
  }
  func.func @transform_3(%arg0: i32, %arg1: i32) -> (i32, i32) {
    %c0_i32 = arith.constant 0 : i32
    %c0_i32_0 = arith.constant 0 : i32
    %c0_i32_1 = arith.constant 0 : i32
    return %c0_i32, %c0_i32_0 : i32, i32
  }
  func.func @transform_4(%arg0: i32, %arg1: i32) -> (i32, i32) {
    %c0_i32 = arith.constant 0 : i32
    %c0_i32_0 = arith.constant 0 : i32
    %c0_i32_1 = arith.constant 0 : i32
    return %c0_i32, %c0_i32_0 : i32, i32
  }
  func.func @transform_5(%arg0: i32, %arg1: i32) -> (i32, i32) {
    %c0_i32 = arith.constant 0 : i32
    %c0_i32_0 = arith.constant 0 : i32
    %c0_i32_1 = arith.constant 0 : i32
    return %c0_i32, %c0_i32_0 : i32, i32
  }
  func.func @transform_6(%arg0: i32, %arg1: i32) -> (i32, i32) {
    %c0_i32 = arith.constant 0 : i32
    %c0_i32_0 = arith.constant 0 : i32
    %c0_i32_1 = arith.constant 0 : i32
    return %c0_i32, %c0_i32_0 : i32, i32
  }
  func.func @transform_7(%arg0: i32, %arg1: i32) -> (i32, i32) {
    %c0_i32 = arith.constant 0 : i32
    %c0_i32_0 = arith.constant 0 : i32
    %c0_i32_1 = arith.constant 0 : i32
    return %c0_i32, %c0_i32_0 : i32, i32
  }
  func.func @transform_8(%arg0: i32, %arg1: i32) -> (i32, i32) {
    %c0_i32 = arith.constant 0 : i32
    %c0_i32_0 = arith.constant 0 : i32
    %c0_i32_1 = arith.constant 0 : i32
    return %c0_i32, %c0_i32_0 : i32, i32
  }
  func.func @transform_9(%arg0: i32, %arg1: i32) -> (i32, i32, i32) {
    %c0_i32 = arith.constant 0 : i32
    %c0_i32_0 = arith.constant 0 : i32
    return %arg0, %arg1, %c0_i32 : i32, i32, i32
  }
}

module attributes {stable_mosaic.version = 14 : i64} {
  func.func @_fp1_body(%arg0: i32, %arg1: memref<1x512x3xf32, #tpu.memory_space<vmem>>, %arg2: memref<1x3x128xf32, #tpu.memory_space<vmem>>, %arg3: memref<1x512x256xf32, #tpu.memory_space<vmem>>, %arg4: memref<1x128x512xf32, #tpu.memory_space<vmem>>, %arg5: memref<256x256xf32, #tpu.memory_space<vmem>>, %arg6: memref<512x256xf32, #tpu.memory_space<vmem>>, %arg7: memref<1x256xf32, #tpu.memory_space<vmem>>, %arg8: memref<256x128xf32, #tpu.memory_space<vmem>>, %arg9: memref<1x128xf32, #tpu.memory_space<vmem>>, %arg10: memref<1x512x128xf32, #tpu.memory_space<vmem>>) attributes {dimension_semantics = [#tpu.dimension_semantics<arbitrary>], iteration_bounds = array<i64: 8>, scalar_prefetch = 0 : i64, scratch_operands = 0 : i64, tpu.core_type = #tpu.core_type<tc>, window_params = [{transform_indices = @transform_0, window_bounds = array<i64: 1, 512, 3>}, {transform_indices = @transform_1, window_bounds = array<i64: 1, 3, 128>}, {transform_indices = @transform_2, window_bounds = array<i64: 1, 512, 256>}, {transform_indices = @transform_3, window_bounds = array<i64: 1, 128, 512>}, {pipeline_mode = #tpu.pipeline_mode<synchronous>, transform_indices = @transform_4, window_bounds = array<i64: 256, 256>}, {pipeline_mode = #tpu.pipeline_mode<synchronous>, transform_indices = @transform_5, window_bounds = array<i64: 512, 256>}, {pipeline_mode = #tpu.pipeline_mode<synchronous>, transform_indices = @transform_6, window_bounds = array<i64: 1, 256>}, {pipeline_mode = #tpu.pipeline_mode<synchronous>, transform_indices = @transform_7, window_bounds = array<i64: 256, 128>}, {pipeline_mode = #tpu.pipeline_mode<synchronous>, transform_indices = @transform_8, window_bounds = array<i64: 1, 128>}, {transform_indices = @transform_9, window_bounds = array<i64: 1, 512, 128>}]} {
    %get3A = arith.constant 0 : index
    %get3A_0 = arith.constant 0 : index
    %get3A_1 = arith.constant 0 : index
    %get3A_2 = vector.load %arg1[%get3A, %get3A_0, %get3A_1] : memref<1x512x3xf32, #tpu.memory_space<vmem>>, vector<1x512x3xf32>
    %get3A_3 = vector.shape_cast %get3A_2 : vector<1x512x3xf32> to vector<512x3xf32>
    %get3A_4 = arith.constant 0 : index
    %get3A_5 = arith.constant 0 : index
    %get3A_6 = arith.constant 0 : index
    %get3A_7 = vector.load %arg2[%get3A_4, %get3A_5, %get3A_6] : memref<1x3x128xf32, #tpu.memory_space<vmem>>, vector<1x3x128xf32>
    %get3A_8 = vector.shape_cast %get3A_7 : vector<1x3x128xf32> to vector<3x128xf32>
    %slice3A = vector.extract_strided_slice %get3A_3 {offsets = [0, 0], sizes = [512, 1], strides = [1, 1]} : vector<512x3xf32> to vector<512x1xf32>
    %slice3A_9 = vector.extract_strided_slice %get3A_3 {offsets = [0, 1], sizes = [512, 1], strides = [1, 1]} : vector<512x3xf32> to vector<512x1xf32>
    %slice3A_10 = vector.extract_strided_slice %get3A_3 {offsets = [0, 2], sizes = [512, 1], strides = [1, 1]} : vector<512x3xf32> to vector<512x1xf32>
    %mul3A = arith.mulf %slice3A, %slice3A : vector<512x1xf32>
    %mul3A_11 = arith.mulf %slice3A_9, %slice3A_9 : vector<512x1xf32>
    %add3A = arith.addf %mul3A, %mul3A_11 : vector<512x1xf32>
    %mul3A_12 = arith.mulf %slice3A_10, %slice3A_10 : vector<512x1xf32>
    %add3A_13 = arith.addf %add3A, %mul3A_12 : vector<512x1xf32>
    %mul3A_14 = arith.mulf %get3A_8, %get3A_8 : vector<3x128xf32>
    %reduce_sum3A = arith.constant dense<0.000000e+00> : vector<128xf32>
    %reduce_sum3A_15 = vector.multi_reduction <add>, %mul3A_14, %reduce_sum3A [0] : vector<3x128xf32> to vector<128xf32>
    %broadcast_in_dim3A = vector.shape_cast %reduce_sum3A_15 : vector<128xf32> to vector<1x128xf32>
    %dot_general3A = arith.constant dense<0.000000e+00> : vector<512x128xf32>
    %dot_general3A_16 = tpu.matmul %get3A_3, %get3A_8, %dot_general3A {dimension_numbers = #tpu.dot_dimension_numbers<[1], [0], [0], [1], [0, 0, 1, 1], [], []>, transpose_lhs_hint = false} : vector<512x3xf32>, vector<3x128xf32>, vector<512x128xf32> -> vector<512x128xf32>
    %add3A_17 = vector.broadcast %add3A_13 : vector<512x1xf32> to vector<512x128xf32>
    %add3A_18 = vector.broadcast %broadcast_in_dim3A : vector<1x128xf32> to vector<512x128xf32>
    %add3A_19 = arith.addf %add3A_17, %add3A_18 : vector<512x128xf32>
    %mul3A_20 = arith.constant 2.000000e+00 : f32
    %mul3A_21 = vector.broadcast %mul3A_20 : f32 to vector<512x128xf32>
    %mul3A_22 = arith.mulf %mul3A_21, %dot_general3A_16 : vector<512x128xf32>
    %sub3A = arith.subf %add3A_19, %mul3A_22 : vector<512x128xf32>
    %iota3A = tpu.iota {dimensions = array<i32: 1>} : vector<512x128xi32>
    %reduce_min3A = arith.constant dense<0x7F800000> : vector<512xf32>
    %reduce_min3A_23 = vector.multi_reduction <minimumf>, %sub3A, %reduce_min3A [1] : vector<512x128xf32> to vector<512xf32>
    %broadcast_in_dim3A_24 = vector.shape_cast %reduce_min3A_23 : vector<512xf32> to vector<512x1xf32>
    %eq3A = vector.broadcast %broadcast_in_dim3A_24 : vector<512x1xf32> to vector<512x128xf32>
    %eq3A_25 = arith.cmpf oeq, %sub3A, %eq3A : vector<512x128xf32>
    %jit3A = arith.constant 128 : i32
    %broadcast_in_dim3A_26 = vector.broadcast %jit3A : i32 to vector<512x128xi32>
    %select_n3A = arith.select %eq3A_25, %iota3A, %broadcast_in_dim3A_26 : vector<512x128xi1>, vector<512x128xi32>
    %reduce_min3A_27 = arith.constant dense<2147483647> : vector<512xi32>
    %reduce_min3A_28 = vector.multi_reduction <minsi>, %select_n3A, %reduce_min3A_27 [1] : vector<512x128xi32> to vector<512xi32>
    %broadcast_in_dim3A_29 = vector.shape_cast %reduce_min3A_28 : vector<512xi32> to vector<512x1xi32>
    %eq3A_30 = vector.broadcast %broadcast_in_dim3A_29 : vector<512x1xi32> to vector<512x128xi32>
    %eq3A_31 = arith.cmpi eq, %iota3A, %eq3A_30 : vector<512x128xi32>
    %max3A = arith.constant 1.000000e-10 : f32
    %max3A_32 = vector.broadcast %max3A : f32 to vector<512x1xf32>
    %max3A_33 = arith.maximumf %broadcast_in_dim3A_24, %max3A_32 : vector<512x1xf32>
    %div3A = arith.constant 1.000000e+00 : f32
    %div3A_34 = vector.broadcast %div3A : f32 to vector<512x1xf32>
    %div3A_35 = arith.divf %div3A_34, %max3A_33 : vector<512x1xf32>
    %jit3A_36 = arith.constant 0x7F800000 : f32
    %broadcast_in_dim3A_37 = vector.broadcast %jit3A_36 : f32 to vector<512x128xf32>
    %select_n3A_38 = arith.select %eq3A_31, %broadcast_in_dim3A_37, %sub3A : vector<512x128xi1>, vector<512x128xf32>
    %reduce_min3A_39 = arith.constant dense<0x7F800000> : vector<512xf32>
    %reduce_min3A_40 = vector.multi_reduction <minimumf>, %select_n3A_38, %reduce_min3A_39 [1] : vector<512x128xf32> to vector<512xf32>
    %broadcast_in_dim3A_41 = vector.shape_cast %reduce_min3A_40 : vector<512xf32> to vector<512x1xf32>
    %eq3A_42 = vector.broadcast %broadcast_in_dim3A_41 : vector<512x1xf32> to vector<512x128xf32>
    %eq3A_43 = arith.cmpf oeq, %select_n3A_38, %eq3A_42 : vector<512x128xf32>
    %jit3A_44 = arith.constant 128 : i32
    %broadcast_in_dim3A_45 = vector.broadcast %jit3A_44 : i32 to vector<512x128xi32>
    %select_n3A_46 = arith.select %eq3A_43, %iota3A, %broadcast_in_dim3A_45 : vector<512x128xi1>, vector<512x128xi32>
    %reduce_min3A_47 = arith.constant dense<2147483647> : vector<512xi32>
    %reduce_min3A_48 = vector.multi_reduction <minsi>, %select_n3A_46, %reduce_min3A_47 [1] : vector<512x128xi32> to vector<512xi32>
    %broadcast_in_dim3A_49 = vector.shape_cast %reduce_min3A_48 : vector<512xi32> to vector<512x1xi32>
    %eq3A_50 = vector.broadcast %broadcast_in_dim3A_49 : vector<512x1xi32> to vector<512x128xi32>
    %eq3A_51 = arith.cmpi eq, %iota3A, %eq3A_50 : vector<512x128xi32>
    %max3A_52 = arith.constant 1.000000e-10 : f32
    %max3A_53 = vector.broadcast %max3A_52 : f32 to vector<512x1xf32>
    %max3A_54 = arith.maximumf %broadcast_in_dim3A_41, %max3A_53 : vector<512x1xf32>
    %div3A_55 = arith.constant 1.000000e+00 : f32
    %div3A_56 = vector.broadcast %div3A_55 : f32 to vector<512x1xf32>
    %div3A_57 = arith.divf %div3A_56, %max3A_54 : vector<512x1xf32>
    %jit3A_58 = arith.constant 0x7F800000 : f32
    %broadcast_in_dim3A_59 = vector.broadcast %jit3A_58 : f32 to vector<512x128xf32>
    %select_n3A_60 = arith.select %eq3A_51, %broadcast_in_dim3A_59, %select_n3A_38 : vector<512x128xi1>, vector<512x128xf32>
    %reduce_min3A_61 = arith.constant dense<0x7F800000> : vector<512xf32>
    %reduce_min3A_62 = vector.multi_reduction <minimumf>, %select_n3A_60, %reduce_min3A_61 [1] : vector<512x128xf32> to vector<512xf32>
    %broadcast_in_dim3A_63 = vector.shape_cast %reduce_min3A_62 : vector<512xf32> to vector<512x1xf32>
    %eq3A_64 = vector.broadcast %broadcast_in_dim3A_63 : vector<512x1xf32> to vector<512x128xf32>
    %eq3A_65 = arith.cmpf oeq, %select_n3A_60, %eq3A_64 : vector<512x128xf32>
    %jit3A_66 = arith.constant 128 : i32
    %broadcast_in_dim3A_67 = vector.broadcast %jit3A_66 : i32 to vector<512x128xi32>
    %select_n3A_68 = arith.select %eq3A_65, %iota3A, %broadcast_in_dim3A_67 : vector<512x128xi1>, vector<512x128xi32>
    %reduce_min3A_69 = arith.constant dense<2147483647> : vector<512xi32>
    %reduce_min3A_70 = vector.multi_reduction <minsi>, %select_n3A_68, %reduce_min3A_69 [1] : vector<512x128xi32> to vector<512xi32>
    %broadcast_in_dim3A_71 = vector.shape_cast %reduce_min3A_70 : vector<512xi32> to vector<512x1xi32>
    %eq3A_72 = vector.broadcast %broadcast_in_dim3A_71 : vector<512x1xi32> to vector<512x128xi32>
    %eq3A_73 = arith.cmpi eq, %iota3A, %eq3A_72 : vector<512x128xi32>
    %max3A_74 = arith.constant 1.000000e-10 : f32
    %max3A_75 = vector.broadcast %max3A_74 : f32 to vector<512x1xf32>
    %max3A_76 = arith.maximumf %broadcast_in_dim3A_63, %max3A_75 : vector<512x1xf32>
    %div3A_77 = arith.constant 1.000000e+00 : f32
    %div3A_78 = vector.broadcast %div3A_77 : f32 to vector<512x1xf32>
    %div3A_79 = arith.divf %div3A_78, %max3A_76 : vector<512x1xf32>
    %add3A_80 = arith.addf %div3A_35, %div3A_57 : vector<512x1xf32>
    %add3A_81 = arith.addf %add3A_80, %div3A_79 : vector<512x1xf32>
    %div3A_82 = arith.divf %div3A_35, %add3A_81 : vector<512x1xf32>
    %jit3A_83 = arith.constant 0.000000e+00 : f32
    %broadcast_in_dim3A_84 = vector.shape_cast %div3A_82 : vector<512x1xf32> to vector<512x1xf32>
    %broadcast_in_dim3A_85 = vector.broadcast %broadcast_in_dim3A_84 : vector<512x1xf32> to vector<512x128xf32>
    %broadcast_in_dim3A_86 = vector.broadcast %jit3A_83 : f32 to vector<512x128xf32>
    %select_n3A_87 = arith.select %eq3A_31, %broadcast_in_dim3A_85, %broadcast_in_dim3A_86 : vector<512x128xi1>, vector<512x128xf32>
    %div3A_88 = arith.divf %div3A_57, %add3A_81 : vector<512x1xf32>
    %jit3A_89 = arith.constant 0.000000e+00 : f32
    %broadcast_in_dim3A_90 = vector.shape_cast %div3A_88 : vector<512x1xf32> to vector<512x1xf32>
    %broadcast_in_dim3A_91 = vector.broadcast %broadcast_in_dim3A_90 : vector<512x1xf32> to vector<512x128xf32>
    %broadcast_in_dim3A_92 = vector.broadcast %jit3A_89 : f32 to vector<512x128xf32>
    %select_n3A_93 = arith.select %eq3A_51, %broadcast_in_dim3A_91, %broadcast_in_dim3A_92 : vector<512x128xi1>, vector<512x128xf32>
    %add3A_94 = arith.addf %select_n3A_87, %select_n3A_93 : vector<512x128xf32>
    %div3A_95 = arith.divf %div3A_79, %add3A_81 : vector<512x1xf32>
    %jit3A_96 = arith.constant 0.000000e+00 : f32
    %broadcast_in_dim3A_97 = vector.shape_cast %div3A_95 : vector<512x1xf32> to vector<512x1xf32>
    %broadcast_in_dim3A_98 = vector.broadcast %broadcast_in_dim3A_97 : vector<512x1xf32> to vector<512x128xf32>
    %broadcast_in_dim3A_99 = vector.broadcast %jit3A_96 : f32 to vector<512x128xf32>
    %select_n3A_100 = arith.select %eq3A_73, %broadcast_in_dim3A_98, %broadcast_in_dim3A_99 : vector<512x128xi1>, vector<512x128xf32>
    %add3A_101 = arith.addf %add3A_94, %select_n3A_100 : vector<512x128xf32>
    %get3A_102 = arith.constant 0 : index
    %get3A_103 = arith.constant 0 : index
    %get3A_104 = arith.constant 0 : index
    %get3A_105 = vector.load %arg4[%get3A_102, %get3A_103, %get3A_104] : memref<1x128x512xf32, #tpu.memory_space<vmem>>, vector<1x128x512xf32>
    %get3A_106 = vector.shape_cast %get3A_105 : vector<1x128x512xf32> to vector<128x512xf32>
    %dot_general3A_107 = arith.constant dense<0.000000e+00> : vector<512x512xf32>
    %dot_general3A_108 = tpu.matmul %add3A_101, %get3A_106, %dot_general3A_107 {dimension_numbers = #tpu.dot_dimension_numbers<[1], [0], [0], [1], [0, 0, 1, 1], [], []>, precision = #tpu.contract_precision<fp32>, transpose_lhs_hint = false} : vector<512x128xf32>, vector<128x512xf32>, vector<512x512xf32> -> vector<512x512xf32>
    %get3A_109 = arith.constant 0 : index
    %get3A_110 = arith.constant 0 : index
    %get3A_111 = arith.constant 0 : index
    %get3A_112 = vector.load %arg3[%get3A_109, %get3A_110, %get3A_111] : memref<1x512x256xf32, #tpu.memory_space<vmem>>, vector<1x512x256xf32>
    %get3A_113 = vector.shape_cast %get3A_112 : vector<1x512x256xf32> to vector<512x256xf32>
    %get3A_114 = arith.constant 0 : index
    %get3A_115 = arith.constant 0 : index
    %get3A_116 = vector.load %arg5[%get3A_114, %get3A_115] : memref<256x256xf32, #tpu.memory_space<vmem>>, vector<256x256xf32>
    %dot_general3A_117 = arith.constant dense<0.000000e+00> : vector<512x256xf32>
    %dot_general3A_118 = tpu.matmul %get3A_113, %get3A_116, %dot_general3A_117 {dimension_numbers = #tpu.dot_dimension_numbers<[1], [0], [0], [1], [0, 0, 1, 1], [], []>, transpose_lhs_hint = false} : vector<512x256xf32>, vector<256x256xf32>, vector<512x256xf32> -> vector<512x256xf32>
    %get3A_119 = arith.constant 0 : index
    %get3A_120 = arith.constant 0 : index
    %get3A_121 = vector.load %arg6[%get3A_119, %get3A_120] : memref<512x256xf32, #tpu.memory_space<vmem>>, vector<512x256xf32>
    %dot_general3A_122 = arith.constant dense<0.000000e+00> : vector<512x256xf32>
    %dot_general3A_123 = tpu.matmul %dot_general3A_108, %get3A_121, %dot_general3A_122 {dimension_numbers = #tpu.dot_dimension_numbers<[1], [0], [0], [1], [0, 0, 1, 1], [], []>, transpose_lhs_hint = false} : vector<512x512xf32>, vector<512x256xf32>, vector<512x256xf32> -> vector<512x256xf32>
    %add3A_124 = arith.addf %dot_general3A_118, %dot_general3A_123 : vector<512x256xf32>
    %get3A_125 = arith.constant 0 : index
    %get3A_126 = arith.constant 0 : index
    %get3A_127 = vector.load %arg7[%get3A_125, %get3A_126] : memref<1x256xf32, #tpu.memory_space<vmem>>, vector<1x256xf32>
    %add3A_128 = vector.broadcast %get3A_127 : vector<1x256xf32> to vector<512x256xf32>
    %add3A_129 = arith.addf %add3A_124, %add3A_128 : vector<512x256xf32>
    %max3A_130 = arith.constant 0.000000e+00 : f32
    %max3A_131 = vector.broadcast %max3A_130 : f32 to vector<512x256xf32>
    %max3A_132 = arith.maximumf %add3A_129, %max3A_131 : vector<512x256xf32>
    %get3A_133 = arith.constant 0 : index
    %get3A_134 = arith.constant 0 : index
    %get3A_135 = vector.load %arg8[%get3A_133, %get3A_134] : memref<256x128xf32, #tpu.memory_space<vmem>>, vector<256x128xf32>
    %dot_general3A_136 = arith.constant dense<0.000000e+00> : vector<512x128xf32>
    %dot_general3A_137 = tpu.matmul %max3A_132, %get3A_135, %dot_general3A_136 {dimension_numbers = #tpu.dot_dimension_numbers<[1], [0], [0], [1], [0, 0, 1, 1], [], []>, transpose_lhs_hint = false} : vector<512x256xf32>, vector<256x128xf32>, vector<512x128xf32> -> vector<512x128xf32>
    %get3A_138 = arith.constant 0 : index
    %get3A_139 = arith.constant 0 : index
    %get3A_140 = vector.load %arg9[%get3A_138, %get3A_139] : memref<1x128xf32, #tpu.memory_space<vmem>>, vector<1x128xf32>
    %add3A_141 = vector.broadcast %get3A_140 : vector<1x128xf32> to vector<512x128xf32>
    %add3A_142 = arith.addf %dot_general3A_137, %add3A_141 : vector<512x128xf32>
    %max3A_143 = arith.constant 0.000000e+00 : f32
    %max3A_144 = vector.broadcast %max3A_143 : f32 to vector<512x128xf32>
    %max3A_145 = arith.maximumf %add3A_142, %max3A_144 : vector<512x128xf32>
    %broadcast_in_dim3A_146 = vector.shape_cast %max3A_145 : vector<512x128xf32> to vector<1x512x128xf32>
    %swap3A = arith.constant 0 : index
    %swap3A_147 = arith.constant 0 : index
    %swap3A_148 = arith.constant 0 : index
    %swap3A_149 = vector.load %arg10[%swap3A, %swap3A_147, %swap3A_148] : memref<1x512x128xf32, #tpu.memory_space<vmem>>, vector<1x512x128xf32>
    tpu.vector_store %arg10[%swap3A, %swap3A_147, %swap3A_148], %broadcast_in_dim3A_146 {strides = array<i32>} : memref<1x512x128xf32, #tpu.memory_space<vmem>>, vector<1x512x128xf32>,
    return
  }
  func.func @transform_0(%arg0: i32) -> (i32, i32, i32) {
    %c0_i32 = arith.constant 0 : i32
    %c0_i32_0 = arith.constant 0 : i32
    %c0_i32_1 = arith.constant 0 : i32
    return %arg0, %c0_i32, %c0_i32_0 : i32, i32, i32
  }
  func.func @transform_1(%arg0: i32) -> (i32, i32, i32) {
    %c0_i32 = arith.constant 0 : i32
    %c0_i32_0 = arith.constant 0 : i32
    %c0_i32_1 = arith.constant 0 : i32
    return %arg0, %c0_i32, %c0_i32_0 : i32, i32, i32
  }
  func.func @transform_2(%arg0: i32) -> (i32, i32, i32) {
    %c0_i32 = arith.constant 0 : i32
    %c0_i32_0 = arith.constant 0 : i32
    %c0_i32_1 = arith.constant 0 : i32
    return %arg0, %c0_i32, %c0_i32_0 : i32, i32, i32
  }
  func.func @transform_3(%arg0: i32) -> (i32, i32, i32) {
    %c0_i32 = arith.constant 0 : i32
    %c0_i32_0 = arith.constant 0 : i32
    %c0_i32_1 = arith.constant 0 : i32
    return %arg0, %c0_i32, %c0_i32_0 : i32, i32, i32
  }
  func.func @transform_4(%arg0: i32) -> (i32, i32) {
    %c0_i32 = arith.constant 0 : i32
    %c0_i32_0 = arith.constant 0 : i32
    %c0_i32_1 = arith.constant 0 : i32
    return %c0_i32, %c0_i32_0 : i32, i32
  }
  func.func @transform_5(%arg0: i32) -> (i32, i32) {
    %c0_i32 = arith.constant 0 : i32
    %c0_i32_0 = arith.constant 0 : i32
    %c0_i32_1 = arith.constant 0 : i32
    return %c0_i32, %c0_i32_0 : i32, i32
  }
  func.func @transform_6(%arg0: i32) -> (i32, i32) {
    %c0_i32 = arith.constant 0 : i32
    %c0_i32_0 = arith.constant 0 : i32
    %c0_i32_1 = arith.constant 0 : i32
    return %c0_i32, %c0_i32_0 : i32, i32
  }
  func.func @transform_7(%arg0: i32) -> (i32, i32) {
    %c0_i32 = arith.constant 0 : i32
    %c0_i32_0 = arith.constant 0 : i32
    %c0_i32_1 = arith.constant 0 : i32
    return %c0_i32, %c0_i32_0 : i32, i32
  }
  func.func @transform_8(%arg0: i32) -> (i32, i32) {
    %c0_i32 = arith.constant 0 : i32
    %c0_i32_0 = arith.constant 0 : i32
    %c0_i32_1 = arith.constant 0 : i32
    return %c0_i32, %c0_i32_0 : i32, i32
  }
  func.func @transform_9(%arg0: i32) -> (i32, i32, i32) {
    %c0_i32 = arith.constant 0 : i32
    %c0_i32_0 = arith.constant 0 : i32
    %c0_i32_1 = arith.constant 0 : i32
    return %arg0, %c0_i32, %c0_i32_0 : i32, i32, i32
  }
}

module attributes {stable_mosaic.version = 14 : i64} {
  func.func @_fp2fc_body(%arg0: i32, %arg1: i32, %arg2: memref<1x1024x3xf32, #tpu.memory_space<vmem>>, %arg3: memref<1x3x512xf32, #tpu.memory_space<vmem>>, %arg4: memref<1x512x128xf32, #tpu.memory_space<vmem>>, %arg5: memref<3x128xf32, #tpu.memory_space<vmem>>, %arg6: memref<128x128xf32, #tpu.memory_space<vmem>>, %arg7: memref<1x128xf32, #tpu.memory_space<vmem>>, %arg8: memref<128x128xf32, #tpu.memory_space<vmem>>, %arg9: memref<1x128xf32, #tpu.memory_space<vmem>>, %arg10: memref<128x128xf32, #tpu.memory_space<vmem>>, %arg11: memref<1x128xf32, #tpu.memory_space<vmem>>, %arg12: memref<128x128xf32, #tpu.memory_space<vmem>>, %arg13: memref<1x128xf32, #tpu.memory_space<vmem>>, %arg14: memref<128x13xf32, #tpu.memory_space<vmem>>, %arg15: memref<1x13xf32, #tpu.memory_space<vmem>>, %arg16: memref<1x1024x13xf32, #tpu.memory_space<vmem>>) attributes {dimension_semantics = [#tpu.dimension_semantics<arbitrary>, #tpu.dimension_semantics<arbitrary>], iteration_bounds = array<i64: 8, 4>, scalar_prefetch = 0 : i64, scratch_operands = 0 : i64, tpu.core_type = #tpu.core_type<tc>, window_params = [{transform_indices = @transform_0, window_bounds = array<i64: 1, 1024, 3>}, {transform_indices = @transform_1, window_bounds = array<i64: 1, 3, 512>}, {transform_indices = @transform_2, window_bounds = array<i64: 1, 512, 128>}, {pipeline_mode = #tpu.pipeline_mode<synchronous>, transform_indices = @transform_3, window_bounds = array<i64: 3, 128>}, {pipeline_mode = #tpu.pipeline_mode<synchronous>, transform_indices = @transform_4, window_bounds = array<i64: 128, 128>}, {pipeline_mode = #tpu.pipeline_mode<synchronous>, transform_indices = @transform_5, window_bounds = array<i64: 1, 128>}, {pipeline_mode = #tpu.pipeline_mode<synchronous>, transform_indices = @transform_6, window_bounds = array<i64: 128, 128>}, {pipeline_mode = #tpu.pipeline_mode<synchronous>, transform_indices = @transform_7, window_bounds = array<i64: 1, 128>}, {pipeline_mode = #tpu.pipeline_mode<synchronous>, transform_indices = @transform_8, window_bounds = array<i64: 128, 128>}, {pipeline_mode = #tpu.pipeline_mode<synchronous>, transform_indices = @transform_9, window_bounds = array<i64: 1, 128>}, {pipeline_mode = #tpu.pipeline_mode<synchronous>, transform_indices = @transform_10, window_bounds = array<i64: 128, 128>}, {pipeline_mode = #tpu.pipeline_mode<synchronous>, transform_indices = @transform_11, window_bounds = array<i64: 1, 128>}, {pipeline_mode = #tpu.pipeline_mode<synchronous>, transform_indices = @transform_12, window_bounds = array<i64: 128, 13>}, {pipeline_mode = #tpu.pipeline_mode<synchronous>, transform_indices = @transform_13, window_bounds = array<i64: 1, 13>}, {transform_indices = @transform_14, window_bounds = array<i64: 1, 1024, 13>}]} {
    %get3A = arith.constant 0 : index
    %get3A_0 = arith.constant 0 : index
    %get3A_1 = arith.constant 0 : index
    %get3A_2 = vector.load %arg2[%get3A, %get3A_0, %get3A_1] : memref<1x1024x3xf32, #tpu.memory_space<vmem>>, vector<1x1024x3xf32>
    %get3A_3 = vector.shape_cast %get3A_2 : vector<1x1024x3xf32> to vector<1024x3xf32>
    %get3A_4 = arith.constant 0 : index
    %get3A_5 = arith.constant 0 : index
    %get3A_6 = arith.constant 0 : index
    %get3A_7 = vector.load %arg3[%get3A_4, %get3A_5, %get3A_6] : memref<1x3x512xf32, #tpu.memory_space<vmem>>, vector<1x3x512xf32>
    %get3A_8 = vector.shape_cast %get3A_7 : vector<1x3x512xf32> to vector<3x512xf32>
    %slice3A = vector.extract_strided_slice %get3A_3 {offsets = [0, 0], sizes = [1024, 1], strides = [1, 1]} : vector<1024x3xf32> to vector<1024x1xf32>
    %slice3A_9 = vector.extract_strided_slice %get3A_3 {offsets = [0, 1], sizes = [1024, 1], strides = [1, 1]} : vector<1024x3xf32> to vector<1024x1xf32>
    %slice3A_10 = vector.extract_strided_slice %get3A_3 {offsets = [0, 2], sizes = [1024, 1], strides = [1, 1]} : vector<1024x3xf32> to vector<1024x1xf32>
    %mul3A = arith.mulf %slice3A, %slice3A : vector<1024x1xf32>
    %mul3A_11 = arith.mulf %slice3A_9, %slice3A_9 : vector<1024x1xf32>
    %add3A = arith.addf %mul3A, %mul3A_11 : vector<1024x1xf32>
    %mul3A_12 = arith.mulf %slice3A_10, %slice3A_10 : vector<1024x1xf32>
    %add3A_13 = arith.addf %add3A, %mul3A_12 : vector<1024x1xf32>
    %mul3A_14 = arith.mulf %get3A_8, %get3A_8 : vector<3x512xf32>
    %reduce_sum3A = arith.constant dense<0.000000e+00> : vector<512xf32>
    %reduce_sum3A_15 = vector.multi_reduction <add>, %mul3A_14, %reduce_sum3A [0] : vector<3x512xf32> to vector<512xf32>
    %broadcast_in_dim3A = vector.shape_cast %reduce_sum3A_15 : vector<512xf32> to vector<1x512xf32>
    %dot_general3A = arith.constant dense<0.000000e+00> : vector<1024x512xf32>
    %dot_general3A_16 = tpu.matmul %get3A_3, %get3A_8, %dot_general3A {dimension_numbers = #tpu.dot_dimension_numbers<[1], [0], [0], [1], [0, 0, 1, 1], [], []>, transpose_lhs_hint = false} : vector<1024x3xf32>, vector<3x512xf32>, vector<1024x512xf32> -> vector<1024x512xf32>
    %add3A_17 = vector.broadcast %add3A_13 : vector<1024x1xf32> to vector<1024x512xf32>
    %add3A_18 = vector.broadcast %broadcast_in_dim3A : vector<1x512xf32> to vector<1024x512xf32>
    %add3A_19 = arith.addf %add3A_17, %add3A_18 : vector<1024x512xf32>
    %mul3A_20 = arith.constant 2.000000e+00 : f32
    %mul3A_21 = vector.broadcast %mul3A_20 : f32 to vector<1024x512xf32>
    %mul3A_22 = arith.mulf %mul3A_21, %dot_general3A_16 : vector<1024x512xf32>
    %sub3A = arith.subf %add3A_19, %mul3A_22 : vector<1024x512xf32>
    %iota3A = tpu.iota {dimensions = array<i32: 1>} : vector<1024x512xi32>
    %reduce_min3A = arith.constant dense<0x7F800000> : vector<1024xf32>
    %reduce_min3A_23 = vector.multi_reduction <minimumf>, %sub3A, %reduce_min3A [1] : vector<1024x512xf32> to vector<1024xf32>
    %broadcast_in_dim3A_24 = vector.shape_cast %reduce_min3A_23 : vector<1024xf32> to vector<1024x1xf32>
    %eq3A = vector.broadcast %broadcast_in_dim3A_24 : vector<1024x1xf32> to vector<1024x512xf32>
    %eq3A_25 = arith.cmpf oeq, %sub3A, %eq3A : vector<1024x512xf32>
    %jit3A = arith.constant 512 : i32
    %broadcast_in_dim3A_26 = vector.broadcast %jit3A : i32 to vector<1024x512xi32>
    %select_n3A = arith.select %eq3A_25, %iota3A, %broadcast_in_dim3A_26 : vector<1024x512xi1>, vector<1024x512xi32>
    %reduce_min3A_27 = arith.constant dense<2147483647> : vector<1024xi32>
    %reduce_min3A_28 = vector.multi_reduction <minsi>, %select_n3A, %reduce_min3A_27 [1] : vector<1024x512xi32> to vector<1024xi32>
    %broadcast_in_dim3A_29 = vector.shape_cast %reduce_min3A_28 : vector<1024xi32> to vector<1024x1xi32>
    %eq3A_30 = vector.broadcast %broadcast_in_dim3A_29 : vector<1024x1xi32> to vector<1024x512xi32>
    %eq3A_31 = arith.cmpi eq, %iota3A, %eq3A_30 : vector<1024x512xi32>
    %max3A = arith.constant 1.000000e-10 : f32
    %max3A_32 = vector.broadcast %max3A : f32 to vector<1024x1xf32>
    %max3A_33 = arith.maximumf %broadcast_in_dim3A_24, %max3A_32 : vector<1024x1xf32>
    %div3A = arith.constant 1.000000e+00 : f32
    %div3A_34 = vector.broadcast %div3A : f32 to vector<1024x1xf32>
    %div3A_35 = arith.divf %div3A_34, %max3A_33 : vector<1024x1xf32>
    %jit3A_36 = arith.constant 0x7F800000 : f32
    %broadcast_in_dim3A_37 = vector.broadcast %jit3A_36 : f32 to vector<1024x512xf32>
    %select_n3A_38 = arith.select %eq3A_31, %broadcast_in_dim3A_37, %sub3A : vector<1024x512xi1>, vector<1024x512xf32>
    %reduce_min3A_39 = arith.constant dense<0x7F800000> : vector<1024xf32>
    %reduce_min3A_40 = vector.multi_reduction <minimumf>, %select_n3A_38, %reduce_min3A_39 [1] : vector<1024x512xf32> to vector<1024xf32>
    %broadcast_in_dim3A_41 = vector.shape_cast %reduce_min3A_40 : vector<1024xf32> to vector<1024x1xf32>
    %eq3A_42 = vector.broadcast %broadcast_in_dim3A_41 : vector<1024x1xf32> to vector<1024x512xf32>
    %eq3A_43 = arith.cmpf oeq, %select_n3A_38, %eq3A_42 : vector<1024x512xf32>
    %jit3A_44 = arith.constant 512 : i32
    %broadcast_in_dim3A_45 = vector.broadcast %jit3A_44 : i32 to vector<1024x512xi32>
    %select_n3A_46 = arith.select %eq3A_43, %iota3A, %broadcast_in_dim3A_45 : vector<1024x512xi1>, vector<1024x512xi32>
    %reduce_min3A_47 = arith.constant dense<2147483647> : vector<1024xi32>
    %reduce_min3A_48 = vector.multi_reduction <minsi>, %select_n3A_46, %reduce_min3A_47 [1] : vector<1024x512xi32> to vector<1024xi32>
    %broadcast_in_dim3A_49 = vector.shape_cast %reduce_min3A_48 : vector<1024xi32> to vector<1024x1xi32>
    %eq3A_50 = vector.broadcast %broadcast_in_dim3A_49 : vector<1024x1xi32> to vector<1024x512xi32>
    %eq3A_51 = arith.cmpi eq, %iota3A, %eq3A_50 : vector<1024x512xi32>
    %max3A_52 = arith.constant 1.000000e-10 : f32
    %max3A_53 = vector.broadcast %max3A_52 : f32 to vector<1024x1xf32>
    %max3A_54 = arith.maximumf %broadcast_in_dim3A_41, %max3A_53 : vector<1024x1xf32>
    %div3A_55 = arith.constant 1.000000e+00 : f32
    %div3A_56 = vector.broadcast %div3A_55 : f32 to vector<1024x1xf32>
    %div3A_57 = arith.divf %div3A_56, %max3A_54 : vector<1024x1xf32>
    %jit3A_58 = arith.constant 0x7F800000 : f32
    %broadcast_in_dim3A_59 = vector.broadcast %jit3A_58 : f32 to vector<1024x512xf32>
    %select_n3A_60 = arith.select %eq3A_51, %broadcast_in_dim3A_59, %select_n3A_38 : vector<1024x512xi1>, vector<1024x512xf32>
    %reduce_min3A_61 = arith.constant dense<0x7F800000> : vector<1024xf32>
    %reduce_min3A_62 = vector.multi_reduction <minimumf>, %select_n3A_60, %reduce_min3A_61 [1] : vector<1024x512xf32> to vector<1024xf32>
    %broadcast_in_dim3A_63 = vector.shape_cast %reduce_min3A_62 : vector<1024xf32> to vector<1024x1xf32>
    %eq3A_64 = vector.broadcast %broadcast_in_dim3A_63 : vector<1024x1xf32> to vector<1024x512xf32>
    %eq3A_65 = arith.cmpf oeq, %select_n3A_60, %eq3A_64 : vector<1024x512xf32>
    %jit3A_66 = arith.constant 512 : i32
    %broadcast_in_dim3A_67 = vector.broadcast %jit3A_66 : i32 to vector<1024x512xi32>
    %select_n3A_68 = arith.select %eq3A_65, %iota3A, %broadcast_in_dim3A_67 : vector<1024x512xi1>, vector<1024x512xi32>
    %reduce_min3A_69 = arith.constant dense<2147483647> : vector<1024xi32>
    %reduce_min3A_70 = vector.multi_reduction <minsi>, %select_n3A_68, %reduce_min3A_69 [1] : vector<1024x512xi32> to vector<1024xi32>
    %broadcast_in_dim3A_71 = vector.shape_cast %reduce_min3A_70 : vector<1024xi32> to vector<1024x1xi32>
    %eq3A_72 = vector.broadcast %broadcast_in_dim3A_71 : vector<1024x1xi32> to vector<1024x512xi32>
    %eq3A_73 = arith.cmpi eq, %iota3A, %eq3A_72 : vector<1024x512xi32>
    %max3A_74 = arith.constant 1.000000e-10 : f32
    %max3A_75 = vector.broadcast %max3A_74 : f32 to vector<1024x1xf32>
    %max3A_76 = arith.maximumf %broadcast_in_dim3A_63, %max3A_75 : vector<1024x1xf32>
    %div3A_77 = arith.constant 1.000000e+00 : f32
    %div3A_78 = vector.broadcast %div3A_77 : f32 to vector<1024x1xf32>
    %div3A_79 = arith.divf %div3A_78, %max3A_76 : vector<1024x1xf32>
    %add3A_80 = arith.addf %div3A_35, %div3A_57 : vector<1024x1xf32>
    %add3A_81 = arith.addf %add3A_80, %div3A_79 : vector<1024x1xf32>
    %div3A_82 = arith.divf %div3A_35, %add3A_81 : vector<1024x1xf32>
    %jit3A_83 = arith.constant 0.000000e+00 : f32
    %broadcast_in_dim3A_84 = vector.shape_cast %div3A_82 : vector<1024x1xf32> to vector<1024x1xf32>
    %broadcast_in_dim3A_85 = vector.broadcast %broadcast_in_dim3A_84 : vector<1024x1xf32> to vector<1024x512xf32>
    %broadcast_in_dim3A_86 = vector.broadcast %jit3A_83 : f32 to vector<1024x512xf32>
    %select_n3A_87 = arith.select %eq3A_31, %broadcast_in_dim3A_85, %broadcast_in_dim3A_86 : vector<1024x512xi1>, vector<1024x512xf32>
    %div3A_88 = arith.divf %div3A_57, %add3A_81 : vector<1024x1xf32>
    %jit3A_89 = arith.constant 0.000000e+00 : f32
    %broadcast_in_dim3A_90 = vector.shape_cast %div3A_88 : vector<1024x1xf32> to vector<1024x1xf32>
    %broadcast_in_dim3A_91 = vector.broadcast %broadcast_in_dim3A_90 : vector<1024x1xf32> to vector<1024x512xf32>
    %broadcast_in_dim3A_92 = vector.broadcast %jit3A_89 : f32 to vector<1024x512xf32>
    %select_n3A_93 = arith.select %eq3A_51, %broadcast_in_dim3A_91, %broadcast_in_dim3A_92 : vector<1024x512xi1>, vector<1024x512xf32>
    %add3A_94 = arith.addf %select_n3A_87, %select_n3A_93 : vector<1024x512xf32>
    %div3A_95 = arith.divf %div3A_79, %add3A_81 : vector<1024x1xf32>
    %jit3A_96 = arith.constant 0.000000e+00 : f32
    %broadcast_in_dim3A_97 = vector.shape_cast %div3A_95 : vector<1024x1xf32> to vector<1024x1xf32>
    %broadcast_in_dim3A_98 = vector.broadcast %broadcast_in_dim3A_97 : vector<1024x1xf32> to vector<1024x512xf32>
    %broadcast_in_dim3A_99 = vector.broadcast %jit3A_96 : f32 to vector<1024x512xf32>
    %select_n3A_100 = arith.select %eq3A_73, %broadcast_in_dim3A_98, %broadcast_in_dim3A_99 : vector<1024x512xi1>, vector<1024x512xf32>
    %add3A_101 = arith.addf %add3A_94, %select_n3A_100 : vector<1024x512xf32>
    %get3A_102 = arith.constant 0 : index
    %get3A_103 = arith.constant 0 : index
    %get3A_104 = arith.constant 0 : index
    %get3A_105 = vector.load %arg4[%get3A_102, %get3A_103, %get3A_104] : memref<1x512x128xf32, #tpu.memory_space<vmem>>, vector<1x512x128xf32>
    %get3A_106 = vector.shape_cast %get3A_105 : vector<1x512x128xf32> to vector<512x128xf32>
    %dot_general3A_107 = arith.constant dense<0.000000e+00> : vector<1024x128xf32>
    %dot_general3A_108 = tpu.matmul %add3A_101, %get3A_106, %dot_general3A_107 {dimension_numbers = #tpu.dot_dimension_numbers<[1], [0], [0], [1], [0, 0, 1, 1], [], []>, precision = #tpu.contract_precision<fp32>, transpose_lhs_hint = false} : vector<1024x512xf32>, vector<512x128xf32>, vector<1024x128xf32> -> vector<1024x128xf32>
    %get3A_109 = arith.constant 0 : index
    %get3A_110 = arith.constant 0 : index
    %get3A_111 = vector.load %arg5[%get3A_109, %get3A_110] : memref<3x128xf32, #tpu.memory_space<vmem>>, vector<3x128xf32>
    %dot_general3A_112 = arith.constant dense<0.000000e+00> : vector<1024x128xf32>
    %dot_general3A_113 = tpu.matmul %get3A_3, %get3A_111, %dot_general3A_112 {dimension_numbers = #tpu.dot_dimension_numbers<[1], [0], [0], [1], [0, 0, 1, 1], [], []>, transpose_lhs_hint = false} : vector<1024x3xf32>, vector<3x128xf32>, vector<1024x128xf32> -> vector<1024x128xf32>
    %get3A_114 = arith.constant 0 : index
    %get3A_115 = arith.constant 0 : index
    %get3A_116 = vector.load %arg6[%get3A_114, %get3A_115] : memref<128x128xf32, #tpu.memory_space<vmem>>, vector<128x128xf32>
    %dot_general3A_117 = arith.constant dense<0.000000e+00> : vector<1024x128xf32>
    %dot_general3A_118 = tpu.matmul %dot_general3A_108, %get3A_116, %dot_general3A_117 {dimension_numbers = #tpu.dot_dimension_numbers<[1], [0], [0], [1], [0, 0, 1, 1], [], []>, transpose_lhs_hint = false} : vector<1024x128xf32>, vector<128x128xf32>, vector<1024x128xf32> -> vector<1024x128xf32>
    %add3A_119 = arith.addf %dot_general3A_113, %dot_general3A_118 : vector<1024x128xf32>
    %get3A_120 = arith.constant 0 : index
    %get3A_121 = arith.constant 0 : index
    %get3A_122 = vector.load %arg7[%get3A_120, %get3A_121] : memref<1x128xf32, #tpu.memory_space<vmem>>, vector<1x128xf32>
    %add3A_123 = vector.broadcast %get3A_122 : vector<1x128xf32> to vector<1024x128xf32>
    %add3A_124 = arith.addf %add3A_119, %add3A_123 : vector<1024x128xf32>
    %max3A_125 = arith.constant 0.000000e+00 : f32
    %max3A_126 = vector.broadcast %max3A_125 : f32 to vector<1024x128xf32>
    %max3A_127 = arith.maximumf %add3A_124, %max3A_126 : vector<1024x128xf32>
    %get3A_128 = arith.constant 0 : index
    %get3A_129 = arith.constant 0 : index
    %get3A_130 = vector.load %arg8[%get3A_128, %get3A_129] : memref<128x128xf32, #tpu.memory_space<vmem>>, vector<128x128xf32>
    %dot_general3A_131 = arith.constant dense<0.000000e+00> : vector<1024x128xf32>
    %dot_general3A_132 = tpu.matmul %max3A_127, %get3A_130, %dot_general3A_131 {dimension_numbers = #tpu.dot_dimension_numbers<[1], [0], [0], [1], [0, 0, 1, 1], [], []>, transpose_lhs_hint = false} : vector<1024x128xf32>, vector<128x128xf32>, vector<1024x128xf32> -> vector<1024x128xf32>
    %get3A_133 = arith.constant 0 : index
    %get3A_134 = arith.constant 0 : index
    %get3A_135 = vector.load %arg9[%get3A_133, %get3A_134] : memref<1x128xf32, #tpu.memory_space<vmem>>, vector<1x128xf32>
    %add3A_136 = vector.broadcast %get3A_135 : vector<1x128xf32> to vector<1024x128xf32>
    %add3A_137 = arith.addf %dot_general3A_132, %add3A_136 : vector<1024x128xf32>
    %max3A_138 = arith.constant 0.000000e+00 : f32
    %max3A_139 = vector.broadcast %max3A_138 : f32 to vector<1024x128xf32>
    %max3A_140 = arith.maximumf %add3A_137, %max3A_139 : vector<1024x128xf32>
    %get3A_141 = arith.constant 0 : index
    %get3A_142 = arith.constant 0 : index
    %get3A_143 = vector.load %arg10[%get3A_141, %get3A_142] : memref<128x128xf32, #tpu.memory_space<vmem>>, vector<128x128xf32>
    %dot_general3A_144 = arith.constant dense<0.000000e+00> : vector<1024x128xf32>
    %dot_general3A_145 = tpu.matmul %max3A_140, %get3A_143, %dot_general3A_144 {dimension_numbers = #tpu.dot_dimension_numbers<[1], [0], [0], [1], [0, 0, 1, 1], [], []>, transpose_lhs_hint = false} : vector<1024x128xf32>, vector<128x128xf32>, vector<1024x128xf32> -> vector<1024x128xf32>
    %get3A_146 = arith.constant 0 : index
    %get3A_147 = arith.constant 0 : index
    %get3A_148 = vector.load %arg11[%get3A_146, %get3A_147] : memref<1x128xf32, #tpu.memory_space<vmem>>, vector<1x128xf32>
    %add3A_149 = vector.broadcast %get3A_148 : vector<1x128xf32> to vector<1024x128xf32>
    %add3A_150 = arith.addf %dot_general3A_145, %add3A_149 : vector<1024x128xf32>
    %max3A_151 = arith.constant 0.000000e+00 : f32
    %max3A_152 = vector.broadcast %max3A_151 : f32 to vector<1024x128xf32>
    %max3A_153 = arith.maximumf %add3A_150, %max3A_152 : vector<1024x128xf32>
    %get3A_154 = arith.constant 0 : index
    %get3A_155 = arith.constant 0 : index
    %get3A_156 = vector.load %arg12[%get3A_154, %get3A_155] : memref<128x128xf32, #tpu.memory_space<vmem>>, vector<128x128xf32>
    %dot_general3A_157 = arith.constant dense<0.000000e+00> : vector<1024x128xf32>
    %dot_general3A_158 = tpu.matmul %max3A_153, %get3A_156, %dot_general3A_157 {dimension_numbers = #tpu.dot_dimension_numbers<[1], [0], [0], [1], [0, 0, 1, 1], [], []>, transpose_lhs_hint = false} : vector<1024x128xf32>, vector<128x128xf32>, vector<1024x128xf32> -> vector<1024x128xf32>
    %get3A_159 = arith.constant 0 : index
    %get3A_160 = arith.constant 0 : index
    %get3A_161 = vector.load %arg13[%get3A_159, %get3A_160] : memref<1x128xf32, #tpu.memory_space<vmem>>, vector<1x128xf32>
    %add3A_162 = vector.broadcast %get3A_161 : vector<1x128xf32> to vector<1024x128xf32>
    %add3A_163 = arith.addf %dot_general3A_158, %add3A_162 : vector<1024x128xf32>
    %max3A_164 = arith.constant 0.000000e+00 : f32
    %max3A_165 = vector.broadcast %max3A_164 : f32 to vector<1024x128xf32>
    %max3A_166 = arith.maximumf %add3A_163, %max3A_165 : vector<1024x128xf32>
    %get3A_167 = arith.constant 0 : index
    %get3A_168 = arith.constant 0 : index
    %get3A_169 = vector.load %arg14[%get3A_167, %get3A_168] : memref<128x13xf32, #tpu.memory_space<vmem>>, vector<128x13xf32>
    %dot_general3A_170 = arith.constant dense<0.000000e+00> : vector<1024x13xf32>
    %dot_general3A_171 = tpu.matmul %max3A_166, %get3A_169, %dot_general3A_170 {dimension_numbers = #tpu.dot_dimension_numbers<[1], [0], [0], [1], [0, 0, 1, 1], [], []>, transpose_lhs_hint = false} : vector<1024x128xf32>, vector<128x13xf32>, vector<1024x13xf32> -> vector<1024x13xf32>
    %get3A_172 = arith.constant 0 : index
    %get3A_173 = arith.constant 0 : index
    %get3A_174 = vector.load %arg15[%get3A_172, %get3A_173] : memref<1x13xf32, #tpu.memory_space<vmem>>, vector<1x13xf32>
    %add3A_175 = vector.broadcast %get3A_174 : vector<1x13xf32> to vector<1024x13xf32>
    %add3A_176 = arith.addf %dot_general3A_171, %add3A_175 : vector<1024x13xf32>
    %broadcast_in_dim3A_177 = vector.shape_cast %add3A_176 : vector<1024x13xf32> to vector<1x1024x13xf32>
    %swap3A = arith.constant 0 : index
    %swap3A_178 = arith.constant 0 : index
    %swap3A_179 = arith.constant 0 : index
    %swap3A_180 = vector.load %arg16[%swap3A, %swap3A_178, %swap3A_179] : memref<1x1024x13xf32, #tpu.memory_space<vmem>>, vector<1x1024x13xf32>
    tpu.vector_store %arg16[%swap3A, %swap3A_178, %swap3A_179], %broadcast_in_dim3A_177 {strides = array<i32>} : memref<1x1024x13xf32, #tpu.memory_space<vmem>>, vector<1x1024x13xf32>,
    return
  }
  func.func @transform_0(%arg0: i32, %arg1: i32) -> (i32, i32, i32) {
    %c0_i32 = arith.constant 0 : i32
    %c0_i32_0 = arith.constant 0 : i32
    return %arg0, %arg1, %c0_i32 : i32, i32, i32
  }
  func.func @transform_1(%arg0: i32, %arg1: i32) -> (i32, i32, i32) {
    %c0_i32 = arith.constant 0 : i32
    %c0_i32_0 = arith.constant 0 : i32
    %c0_i32_1 = arith.constant 0 : i32
    return %arg0, %c0_i32, %c0_i32_0 : i32, i32, i32
  }
  func.func @transform_2(%arg0: i32, %arg1: i32) -> (i32, i32, i32) {
    %c0_i32 = arith.constant 0 : i32
    %c0_i32_0 = arith.constant 0 : i32
    %c0_i32_1 = arith.constant 0 : i32
    return %arg0, %c0_i32, %c0_i32_0 : i32, i32, i32
  }
  func.func @transform_3(%arg0: i32, %arg1: i32) -> (i32, i32) {
    %c0_i32 = arith.constant 0 : i32
    %c0_i32_0 = arith.constant 0 : i32
    %c0_i32_1 = arith.constant 0 : i32
    return %c0_i32, %c0_i32_0 : i32, i32
  }
  func.func @transform_4(%arg0: i32, %arg1: i32) -> (i32, i32) {
    %c0_i32 = arith.constant 0 : i32
    %c0_i32_0 = arith.constant 0 : i32
    %c0_i32_1 = arith.constant 0 : i32
    return %c0_i32, %c0_i32_0 : i32, i32
  }
  func.func @transform_5(%arg0: i32, %arg1: i32) -> (i32, i32) {
    %c0_i32 = arith.constant 0 : i32
    %c0_i32_0 = arith.constant 0 : i32
    %c0_i32_1 = arith.constant 0 : i32
    return %c0_i32, %c0_i32_0 : i32, i32
  }
  func.func @transform_6(%arg0: i32, %arg1: i32) -> (i32, i32) {
    %c0_i32 = arith.constant 0 : i32
    %c0_i32_0 = arith.constant 0 : i32
    %c0_i32_1 = arith.constant 0 : i32
    return %c0_i32, %c0_i32_0 : i32, i32
  }
  func.func @transform_7(%arg0: i32, %arg1: i32) -> (i32, i32) {
    %c0_i32 = arith.constant 0 : i32
    %c0_i32_0 = arith.constant 0 : i32
    %c0_i32_1 = arith.constant 0 : i32
    return %c0_i32, %c0_i32_0 : i32, i32
  }
  func.func @transform_8(%arg0: i32, %arg1: i32) -> (i32, i32) {
    %c0_i32 = arith.constant 0 : i32
    %c0_i32_0 = arith.constant 0 : i32
    %c0_i32_1 = arith.constant 0 : i32
    return %c0_i32, %c0_i32_0 : i32, i32
  }
  func.func @transform_9(%arg0: i32, %arg1: i32) -> (i32, i32) {
    %c0_i32 = arith.constant 0 : i32
    %c0_i32_0 = arith.constant 0 : i32
    %c0_i32_1 = arith.constant 0 : i32
    return %c0_i32, %c0_i32_0 : i32, i32
  }
  func.func @transform_10(%arg0: i32, %arg1: i32) -> (i32, i32) {
    %c0_i32 = arith.constant 0 : i32
    %c0_i32_0 = arith.constant 0 : i32
    %c0_i32_1 = arith.constant 0 : i32
    return %c0_i32, %c0_i32_0 : i32, i32
  }
  func.func @transform_11(%arg0: i32, %arg1: i32) -> (i32, i32) {
    %c0_i32 = arith.constant 0 : i32
    %c0_i32_0 = arith.constant 0 : i32
    %c0_i32_1 = arith.constant 0 : i32
    return %c0_i32, %c0_i32_0 : i32, i32
  }
  func.func @transform_12(%arg0: i32, %arg1: i32) -> (i32, i32) {
    %c0_i32 = arith.constant 0 : i32
    %c0_i32_0 = arith.constant 0 : i32
    %c0_i32_1 = arith.constant 0 : i32
    return %c0_i32, %c0_i32_0 : i32, i32
  }
  func.func @transform_13(%arg0: i32, %arg1: i32) -> (i32, i32) {
    %c0_i32 = arith.constant 0 : i32
    %c0_i32_0 = arith.constant 0 : i32
    %c0_i32_1 = arith.constant 0 : i32
    return %c0_i32, %c0_i32_0 : i32, i32
  }
  func.func @transform_14(%arg0: i32, %arg1: i32) -> (i32, i32, i32) {
    %c0_i32 = arith.constant 0 : i32
    %c0_i32_0 = arith.constant 0 : i32
    return %arg0, %arg1, %c0_i32 : i32, i32, i32
  }
}

</mosaic_0001>

<sc_bundles>
// kernel: kernel.12.cloned.1.call-start
scs
__scs_entry_jumppad:
0x0: {  	(pc) =	sbr.rel $0x88, $3  }
0x1: {  	(tag) =	ssettag $0x0;
	lr =	simm.s32 $0x1  }
0x2: {  	[smem:$0x3F86] =	sst lr;
	_ =	strace $0xD0000000  }
0x3: {  	_ = 	snop  }
0x4: {  	_ = 	snop  }
0x5: {  	_ = 	snop  }
0x6: {  	_ = 	snop  }
0x7: {  	_ = 	snop  }
__scs_overlays_trampoline_lowered:
0x8: {  	[smem:$0x3F95] =	sst s0  }
0x9: {  	[smem:$0x3F96] =	sst s1  }
0xa: {  	[smem:$0x3F97] =	sst s2  }
0xb: {  	[smem:$0x3F98] =	sst s3  }
0xc: {  	[smem:$0x3F99] =	sst s4  }
0xd: {  	[smem:$0x3F9A] =	sst s5  }
0xe: {  	[smem:$0x3F9B] =	sst s6  }
0xf: {  	[smem:$0x3F9C] =	sst s7  }
0x10: {  	[smem:$0x3F9D] =	sst s8  }
0x11: {  	[smem:$0x3F9E] =	sst s9;
	s0 =	simm.s32 @!p0 $0x0  }
0x12: {  	s1 =	sld [smem:$0x3F84];
	s0 =	simm.s32 @p0 $0x1  }
0x13: {  	[smem:$0x3F9F] =	sst s0;
	s0 =	simm.s32 @!p1 $0x0  }
0x14: {  	s2 =	sld [smem:$0x3F83];
	s0 =	simm.s32 @p1 $0x1  }
0x15: {  	[smem:$0x3FA0] =	sst s0;
	s0 =	simm.s32 @!p2 $0x0  }
0x16: {  	s3 =	sld [smem:$0x3FDB];
	s0 =	simm.s32 @p2 $0x1  }
0x17: {  	s4 =	simm.s32 $0x1BF5;
	[smem:$0x3FA2] =	sst s0  }
0x18: {  	s0 =	sld [smem:$0x3F85];
	_ =	swait.ge [sflag:s4], $0x0  }
0x19: {  	s7 =	sld [smem:$0x3F86]  }
0x1a: {  	s8 =	sadd.s32 $0xFFFFE003, lr  }
0x1b: {  	s9 =	sadd.s32 $0xFFFFFEF7, lr;
	s5 =	simm.s32 $0xFFFFFFFF;
	p2 =	slt.u32 s8, $0xFFFFF086  }
0x1c: {  	p1 =	slt.u32 s9, $0xF7A;
	s5 =	simm.s32 @!p2 $0x0  }
0x1d: {  	s5 =	simm.s32 @p1 $0x1;
	p0 =	seq.s32 s7, s2  }
0x1e: {  	s7 =	smul.u32 @!p0 $0xF7A, s2;
	p2 =	seq.s32 @!p0 s5, $0x0  }
0x1f: {  	s9 =	smul.u32 $0xF7A, s1;
	s8 =	simm.s32 @!p0 $0x1BF5;
	p2 =	por !p2, p0  }
0x20: {  	[sflag:s8] =	ssyncset.s32 @!p0 $0xFFFFF086;
	s6 =	sadd.s32 @!p0 s3, s7;
	s7 =	simm.s32 @!p0 $0x108  }
0x21: {  	s3 =	sadd.s32 s3, s9;
	s6 =	sadd.s32 @!p0 $0x88, s6;
	s7 =	simm.s32 @p2 $0x1082  }
0x22: {  	[simem:s7], [sflag:s8] =	dma.local @!p0 [hbm:s6], $0xF7A  }
0x23: {  	s9 =	sor.u32 $0xD0000000, s2;
	s6 =	simm.s32 $0x108;
	_ =	swait.ge @!p0 [sflag:s8], $0x0  }
0x24: {  	s3 =	sadd.s32 $0x88, s3;
	s6 =	simm.s32 @!p1 $0x1082;
	[sflag:s4] =	ssyncset.s32 $0xFFFFF086  }
0x25: {  	[simem:s6], [sflag:s4] =	dma.local [hbm:s3], $0xF7A  }
0x26: {  	[smem:$0x3F86] =	sst s1;
	(tag) =	ssettag s2;
	_ =	strace s9  }
0x27: {  	s1 =	sld [smem:$0x3F96]  }
0x28: {  	s2 =	sld [smem:$0x3F97]  }
0x29: {  	s4 =	sld [smem:$0x3F99]  }
0x2a: {  	p0 =	seq.s32 s5, $0x0;
	s5 =	sld [smem:$0x3F9A]  }
0x2b: {  	s6 =	sld [smem:$0x3F9B]  }
0x2c: {  	s7 =	sld [smem:$0x3F9C]  }
0x2d: {  	s3 =	simm.s32 $0x108;
	s8 =	sld [smem:$0x3F9D]  }
0x2e: {  	s3 =	simm.s32 @!p0 $0x1082;
	s9 =	sld [smem:$0x3F9E]  }
0x2f: {  	lr =	sadd.s32 s0, s3;
	s0 =	sld [smem:$0x3F95]  }
0x30: {  	s3 =	sld [smem:$0x3F98]  }
0x31: {  	[smem:$0x3FA1] =	sst s10  }
0x32: {  	s10 =	sld [smem:$0x3F9F];
	_ =	sdelay $0x3  }
0x33: {  	p0 =	seq.s32 s10, $0x1;
	s10 =	sld [smem:$0x3FA1];
	_ =	sdelay $0x3  }
0x34: {  	[smem:$0x3FA1] =	sst s10  }
0x35: {  	s10 =	sld [smem:$0x3FA0];
	_ =	sdelay $0x3  }
0x36: {  	p1 =	seq.s32 s10, $0x1;
	s10 =	sld [smem:$0x3FA1];
	_ =	sdelay $0x3  }
0x37: {  	[smem:$0x3FA1] =	sst s10  }
0x38: {  	s10 =	sld [smem:$0x3FA2]  }
0x39: {  	_ = 	snop;
	(pc) =	sbr.ind lr, $3  }
0x3a: {  	_ = 	snop  }
0x3b: {  	_ = 	snop  }
0x3c: {  	p2 =	seq.s32 s10, $0x1;
	s10 =	sld [smem:$0x3FA1]  }
0x3d: {  	_ =	shalt  }
0x3e: {  	_ =	shalt  }
0x3f: {  	_ =	shalt  }
0x40: {  	_ =	shalt  }
0x41: {  	_ =	shalt  }
0x42: {  	_ =	shalt  }
0x43: {  	_ =	shalt  }
0x44: {  	_ =	shalt  }
0x45: {  	_ =	shalt  }
0x46: {  	_ =	shalt  }
0x47: {  	_ =	shalt  }
0x48: {  	_ =	shalt  }
0x49: {  	_ =	shalt  }
0x4a: {  	_ =	shalt  }
0x4b: {  	_ =	shalt  }
0x4c: {  	_ =	shalt  }
0x4d: {  	_ =	shalt  }
0x4e: {  	_ =	shalt  }
0x4f: {  	_ =	shalt  }
0x50: {  	_ =	shalt  }
0x51: {  	_ =	shalt  }
0x52: {  	_ =	shalt  }
0x53: {  	_ =	shalt  }
0x54: {  	_ =	shalt  }
0x55: {  	_ =	shalt  }
0x56: {  	_ =	shalt  }
0x57: {  	_ =	shalt  }
0x58: {  	_ =	shalt  }
0x59: {  	_ =	shalt  }
0x5a: {  	_ =	shalt  }
0x5b: {  	_ =	shalt  }
0x5c: {  	_ =	shalt  }
0x5d: {  	_ =	shalt  }
0x5e: {  	_ =	shalt  }
0x5f: {  	_ =	shalt  }
0x60: {  	_ =	shalt  }
0x61: {  	_ =	shalt  }
0x62: {  	_ =	shalt  }
0x63: {  	_ =	shalt  }
0x64: {  	_ =	shalt  }
0x65: {  	_ =	shalt  }
0x66: {  	_ =	shalt  }
0x67: {  	_ =	shalt  }
0x68: {  	_ =	shalt  }
0x69: {  	_ =	shalt  }
0x6a: {  	_ =	shalt  }
0x6b: {  	_ =	shalt  }
0x6c: {  	_ =	shalt  }
0x6d: {  	_ =	shalt  }
0x6e: {  	_ =	shalt  }
0x6f: {  	_ =	shalt  }
0x70: {  	_ =	shalt  }
0x71: {  	_ =	shalt  }
0x72: {  	_ =	shalt  }
0x73: {  	_ =	shalt  }
0x74: {  	_ =	shalt  }
0x75: {  	_ =	shalt  }
0x76: {  	_ =	shalt  }
0x77: {  	_ =	shalt  }
0x78: {  	_ =	shalt  }
0x79: {  	_ =	shalt  }
0x7a: {  	_ =	shalt  }
0x7b: {  	_ =	shalt  }
0x7c: {  	_ =	shalt  }
0x7d: {  	_ =	shalt  }
0x7e: {  	_ =	shalt  }
0x7f: {  	_ =	shalt  }
0x80: {  	_ =	shalt  }
0x81: {  	_ =	shalt  }
0x82: {  	_ =	shalt  }
0x83: {  	_ =	shalt  }
0x84: {  	_ =	shalt  }
0x85: {  	_ =	shalt  }
0x86: {  	_ =	shalt  }
0x87: {  	_ =	shalt  }
.Lfunc_end0:
.L_simem_size_0:
called_computation_lowered:
.L_overlay_start_0:
0x88: {  	s2 =	sld [smem:$0x3FD9]  }
0x89: {  	s3 =	sld [smem:$0x3FFE];
	_ =	sdelay $0x1  }
0x8a: {  	s1 =	srdreg.scid  }
0x8b: {  	s0 =	sand.u32 $0x1, s1  }
0x8c: {  	s17 =	sshll.u32 s0, $0xA;
	s2 =	sadd.s32 s3, s2  }
0x8d: {  	s2 =	sadd.s32 s2, s17  }
0x8e: {  	[smem:$0x3FAD] =	sst s2  }
0x8f: {  	_ = 	snop  }
0x90: {  	s2 =	sld [smem:$0x3FD0];
	(tm) =	ssettm $0x1  }
0x91: {  	s18 =	sld [smem:$0x3FFB];
	_ =	sdelay $0x3  }
0x92: {  	_ =	strace s18  }
0x93: {  	s3 =	sld [smem:$0x3FFC];
	_ =	sdelay $0x3  }
0x94: {  	_ =	strace s3  }
0x95: {  	s3 =	sld [smem:$0x3FFD];
	_ =	sdelay $0x3  }
0x96: {  	_ =	strace s3  }
0x97: {  	_ =	strace $0x8FFFFFFF  }
0x98: {  	s19 =	sld [smem:$0x3FDB];
	_ =	sdelay $0x1  }
0x99: {  	s4 =	simm.s32 $_scs_section_size  }
0x9a: {  	s5 =	simm.s32 $_size__tile_overlayer_lowered;
	s6 =	simm.s32 $_tile_overlayer_lowered  }
0x9b: {  	s22 =	simm.s32 $0x1BFF;
	s21 =	sshll.u32 s6, $0x1;
	s3 =	sadd.s32 s4, s19  }
0x9c: {  	s7 =	simm.s32 $0x0;
	s20 =	sshll.u32 s5, $0x1;
	s5 =	sadd.s32 s21, s3  }
0x9d: {  	[timem:s7], [sflag:s22] =	dma.local [hbm:s5], s20  }
0x9e: {  	_ =	swait.ge [sflag:s22], s20  }
0x9f: {  	s4 =	ssub.s32 $0x0, s20;
	[sflag:s22] =	ssyncset.done $0x0  }
0xa0: {  	[sflag:s22] =	ssyncadd.s32 s4;
	_ =	sdelay $0x1  }
0xa1: {  	s23 =	simm.s32 $0x1B8B  }
0xa2: {  	_ =	swait.ge [sflag:s23], $0x1  }
0xa3: {  	[sflag:s23] =	ssyncset.done $0x0  }
0xa4: {  	s25 =	simm.s32 $0x1B8E;
	s24 =	sld [smem:$0x3FFE];
	[sflag:s23] =	ssyncadd.s32 $0xFFFFFFFF  }
0xa5: {  	s26 =	simm.s32 $execute0_lowered;
	[smem:$0x3FD2] =	sst s25  }
0xa6: {  	s5 =	sshll.u32 s26, $0x1;
	_ =	strace $0x80000046;
	[dreg:$0x1] =	wrdreg $0xFFFFFFFF  }
0xa7: {  	s28 =	simm.s32 $_size_execute0_lowered;
	s3 =	sadd.s32 s3, s5;
	[dreg:$0x0] =	wrdreg $0x0  }
0xa8: {  	s5 =	sshll.u32 s28, $0x1;
	[dreg:$0x2] =	wrdreg s3  }
0xa9: {  	[dreg:$0x3] =	wrdreg s5  }
0xaa: {  	[dreg:$0x4] =	wrdreg $0xC0  }
0xab: {  	_ =	task [dreg:s7], $0x5FFFF  }
0xac: {  	[dreg:$0x1] =	wrdreg $0xFFFFFFFF  }
0xad: {  	[dreg:$0x0] =	wrdreg $0x60  }
0xae: {  	[dreg:$0x2] =	wrdreg s24  }
0xaf: {  	[dreg:$0x3] =	wrdreg s2  }
0xb0: {  	[dreg:$0x4] =	wrdreg $0x9  }
0xb1: {  	_ =	task.clear_ibuf [dreg:s7], $0x5FFFF;
	_ =	strace $0x90000046  }
0xb2: {  	s29 =	simm.s32 $0x9;
	_ =	strace $0x80000048  }
0xb3: {  	_ =	swait.ge [sflag:s29], $0x1  }
0xb4: {  	[sflag:s29] =	ssyncadd.s32 $0xFFFFFFFF  }
0xb5: {  	_ =	strace $0x90000048  }
0xb6: {  	_ =	sfence  }
0xb7: {  	s30 =	sld [smem:$0x0];
	_ =	sdelay $0x2  }
0xb8: {  	s31 =	sshll.u32 s1, $0xD;
	s1 =	sshrl.u32 s1, $0x2  }
0xb9: {  	s3 =	sand.u32 $0x4000, s31;
	s1 =	sadd.s32 s1, s30  }
0xba: {  	s0 =	sor.u32 s3, s0;
	s1 =	sshll.u32 s1, $0x11  }
0xbb: {  	s0 =	sor.u32 s1, s0  }
0xbc: {  	s0 =	sadd.s32 $0x8F2B, s0  }
0xbd: {  	[sflag:s0] =	ssyncadd.remote.s32 $0x1  }
0xbe: {  	_ =	sfence.sel $0xFFFF  }
0xbf: {  	[dreg:$0x0] =	wrdreg $0xFFFFFFFF;
	(pc) =	sbr.abs _section_cstart, $3  }
0xc0: {  	[dreg:$0x1] =	wrdreg $0xFFFFFFFF  }
0xc1: {  	_ =	task.clear_ibuf [dreg:s7], $0x2FFFF;
	_ =	strace $0x9FFFFFFF  }
0xc2: {  	(tm) =	ssettm $0x7FFFFFFF  }
0xc3: {  	_ =	shalt  }
tec
execute0_lowered:
.L_overlay_start_1:
0x0: {  	(tag) =	ssettag $0x1  }
0x1: {  	s4 =	rddreg [dreg:$0x0]  }
0x2: {  	s6 =	rddreg [dreg:$0x1]  }
0x3: {  	s0 =	rddreg [dreg:$0x2];
	s2 =	simm.s32 $0x0;
	s1 =	stileid.u32  }
0x4: {  	s3 =	srdreg.scid;
	[smem:$0x7FF] =	sst s2  }
0x5: {  	s5 =	sshll.u32 s1, $0xE;
	s7 =	sand.u32 $0x1, s3;
	s3 =	sadd.s32 $0x115600, s4  }
0x6: {  	s9 =	sshll.u32 s1, $0xD;
	_ =	strace $0x80000047;
	s5 =	sadd.s32 s5, s4  }
0x7: {  	s29 =	ssub.s32 $0x2, s7;
	s10 =	sshll.u32 s7, $0xC;
	s7 =	sshll.u32 s7, $0xD  }
0x8: {  	s8 =	sshrl.u32 s29, $0x1;
	s30 =	sor.u32 s10, s9;
	s5 =	sadd.s32 s7, s5  }
0x9: {  	s7 =	simm.s32 $0x2;
	s9 =	simm.s32 $0x1;
	s10 =	simm.s32 $0x0  }
0xa: {  	s4 =	ssub.s32 s29, s8;
	s31 =	sshrl.u32 s30, $0x3;
	s5 =	sadd.s32 $0x95600, s5  }
0xb: {  	s8 =	simm.s32 $0x80;
	s4 =	smax.u32 s4, $0x1;
	s6 =	sadd.s32 s31, s6  }
.LBB2_1:
0xc: {  	s11 =	sadd.s32 $0x0, s6  }
0xd: {  	[tilespmem:s2], [sflag:$0x2] =	stream.linear.gather [hbm4b:s11+s2], $0x80, $0x38;
	[tilespmem:$0x880] =	vst v63  }
0xe: {  	_ =	swait.ge [sflag:s7], $0x80  }
0xf: {  	[sflag:s7] =	ssyncset.done $0x0  }
0x10: {  	[sflag:s7] =	ssyncadd.s32 $0xFFFFFF80  }
0x11: {  	[tilespmem:s8], [sflag:$0x1] =	stream.indirect.gather [hbm4b:s3+s8], $0x10, s2, s8, $0xb8;
	[tilespmem:$0x880] =	vst v63  }
0x12: {  	_ =	swait.ge [sflag:s9], $0x800  }
0x13: {  	[sflag:s9] =	ssyncset.done $0x0  }
0x14: {  	[sflag:s9] =	ssyncadd.s32 $0xFFFFF800  }
0x15: {  	[hbm4b:s5+s2] =	stream.linear.scatter [tilespmem:s8], [sflag:$0x2], $0x800, $0x38;
	[tilespmem:$0x880] =	vst v63  }
0x16: {  	s12 =	simm.s32 $0x10;
	_ =	swait.ge [sflag:s7], $0x800  }
0x17: {  	s13 =	simm.s32 $0x20;
	s11 =	sadd.s32 $0x100, s5;
	[sflag:s7] =	ssyncset.done $0x0  }
.LBB2_2:
0x18: {  	s14 =	sadd.s32 s12, s6  }
0x19: {  	[sflag:s7] =	ssyncadd.s32 $0xFFFFF800;
	s12 =	smov.u32 s13;
	s15 =	sadd.s32 $0x10, s13  }
0x1a: {  	[tilespmem:s2], [sflag:$0x2] =	stream.linear.gather [hbm4b:s14+s2], $0x80, $0x38;
	[tilespmem:$0x880] =	vst v63  }
0x1b: {  	p0 =	sne.s32 s13, $0x1F0;
	_ =	swait.ge [sflag:s7], $0x80  }
0x1c: {  	[sflag:s7] =	ssyncset.done $0x0  }
0x1d: {  	[sflag:s7] =	ssyncadd.s32 $0xFFFFFF80  }
0x1e: {  	[tilespmem:s8], [sflag:$0x1] =	stream.indirect.gather [hbm4b:s3+s8], $0x10, s2, s8, $0xb8;
	[tilespmem:$0x880] =	vst v63  }
0x1f: {  	_ =	swait.ge [sflag:s9], $0x800  }
.Ltmp0:
0x20: {  	[sflag:s9] =	ssyncset.done $0x0;
	(pc) =	sbr.rel @p0 .LBB2_2-.Ltmp0, $4  }
0x21: {  	[sflag:s9] =	ssyncadd.s32 $0xFFFFF800  }
0x22: {  	[hbm4b:s11+s2] =	stream.linear.scatter [tilespmem:s8], [sflag:$0x2], $0x800, $0x38;
	[tilespmem:$0x880] =	vst v63  }
0x23: {  	_ =	swait.ge [sflag:s7], $0x800  }
0x24: {  	s13 =	smov.u32 s15;
	s11 =	sadd.s32 $0x100, s11;
	[sflag:s7] =	ssyncset.done $0x0  }
0x25: {  	s12 =	sadd.s32 s12, s6;
	[sflag:s7] =	ssyncadd.s32 $0xFFFFF800  }
0x26: {  	[tilespmem:s2], [sflag:$0x2] =	stream.linear.gather [hbm4b:s12+s2], $0x80, $0x38;
	[tilespmem:$0x880] =	vst v63  }
0x27: {  	_ =	swait.ge [sflag:s7], $0x80  }
0x28: {  	[sflag:s7] =	ssyncset.done $0x0  }
0x29: {  	[sflag:s7] =	ssyncadd.s32 $0xFFFFFF80  }
0x2a: {  	[tilespmem:s8], [sflag:$0x1] =	stream.indirect.gather [hbm4b:s3+s8], $0x10, s2, s8, $0xb8;
	[tilespmem:$0x880] =	vst v63  }
0x2b: {  	s10 =	sadd.s32 $0x1, s10;
	_ =	swait.ge [sflag:s9], $0x800  }
0x2c: {  	p0 =	sne.s32 s10, s4;
	[sflag:s9] =	ssyncset.done $0x0  }
.Ltmp1:
0x2d: {  	[sflag:s9] =	ssyncadd.s32 $0xFFFFF800;
	(pc) =	sbr.rel @p0 .LBB2_1-.Ltmp1, $4  }
0x2e: {  	[hbm4b:s11+s2] =	stream.linear.scatter [tilespmem:s8], [sflag:$0x2], $0x800, $0x38;
	[tilespmem:$0x880] =	vst v63  }
0x2f: {  	_ =	swait.ge [sflag:s7], $0x800  }
0x30: {  	[sflag:s7] =	ssyncset.done $0x0  }
0x31: {  	[sflag:s7] =	ssyncadd.s32 $0xFFFFF800  }
0x32: {  	_ =	sfence.sel $0x180000  }
0x33: {  	[bflag:$0x0] =	sbarrier.arrive $0xFFFF  }
0x34: {  	p0 =	sne.s32 s1, $0x0;
	_ =	strace $0x90000047  }
0x35: {  	s0 =	sadd.s32 @!p0 $0x100000, s0;
	[bflag:$0x2] =	sbarrier.arrive $0xFFFF  }
0x36: {  	[sflag:s0] =	ssyncadd.tile.s32 @!p0 $0x1;
	_ =	shalt  }
.Lfunc_end2:
_tile_overlayer_lowered:
.L_overlay_start_2:
0x37: {  	(tag) =	ssettag $0x2  }
0x38: {  	s0 =	rddreg [dreg:$0x0];
	s2 =	stileid.u32  }
0x39: {  	s1 =	rddreg [dreg:$0x1];
	p0 =	sne.s32 s2, $0x0  }
0x3a: {  	s3 =	rddreg [dreg:$0x2];
	[bflag:$0x3] =	sbarrier.arrive $0xFFFF;
	s2 =	simm.s32 @!p0 $0x1C02  }
0x3b: {  	[timem:s3], [sflag:s2] =	dma.local @!p0 [hbm:s0], s1  }
0x3c: {  	s0 =	simm.s32 @!p0 $0x2  }
0x3d: {  	_ =	swait.ge @!p0 [sflag:s0], s1  }
0x3e: {  	s1 =	ssub.s32 @!p0 $0x0, s1;
	[sflag:s0] =	ssyncset.done @!p0 $0x0  }
0x3f: {  	[sflag:s0] =	ssyncadd.s32 @!p0 s1  }
0x40: {  	[bflag:$0x3] =	sbarrier.arrive $0xFFFF  }
0x41: {  	_ =	shalt  }

// kernel: kernel.15.cloned.1.call-start
scs
__scs_entry_jumppad:
0x0: {  	(pc) =	sbr.rel $0x88, $3  }
0x1: {  	(tag) =	ssettag $0x0;
	lr =	simm.s32 $0x1  }
0x2: {  	[smem:$0x3F86] =	sst lr;
	_ =	strace $0xD0000000  }
0x3: {  	_ = 	snop  }
0x4: {  	_ = 	snop  }
0x5: {  	_ = 	snop  }
0x6: {  	_ = 	snop  }
0x7: {  	_ = 	snop  }
__scs_overlays_trampoline_lowered:
0x8: {  	[smem:$0x3F95] =	sst s0  }
0x9: {  	[smem:$0x3F96] =	sst s1  }
0xa: {  	[smem:$0x3F97] =	sst s2  }
0xb: {  	[smem:$0x3F98] =	sst s3  }
0xc: {  	[smem:$0x3F99] =	sst s4  }
0xd: {  	[smem:$0x3F9A] =	sst s5  }
0xe: {  	[smem:$0x3F9B] =	sst s6  }
0xf: {  	[smem:$0x3F9C] =	sst s7  }
0x10: {  	[smem:$0x3F9D] =	sst s8  }
0x11: {  	[smem:$0x3F9E] =	sst s9;
	s0 =	simm.s32 @!p0 $0x0  }
0x12: {  	s1 =	sld [smem:$0x3F84];
	s0 =	simm.s32 @p0 $0x1  }
0x13: {  	[smem:$0x3F9F] =	sst s0;
	s0 =	simm.s32 @!p1 $0x0  }
0x14: {  	s2 =	sld [smem:$0x3F83];
	s0 =	simm.s32 @p1 $0x1  }
0x15: {  	[smem:$0x3FA0] =	sst s0;
	s0 =	simm.s32 @!p2 $0x0  }
0x16: {  	s3 =	sld [smem:$0x3FDB];
	s0 =	simm.s32 @p2 $0x1  }
0x17: {  	s4 =	simm.s32 $0x1BF5;
	[smem:$0x3FA2] =	sst s0  }
0x18: {  	s0 =	sld [smem:$0x3F85];
	_ =	swait.ge [sflag:s4], $0x0  }
0x19: {  	s7 =	sld [smem:$0x3F86]  }
0x1a: {  	s8 =	sadd.s32 $0xFFFFE003, lr  }
0x1b: {  	s9 =	sadd.s32 $0xFFFFFEF7, lr;
	s5 =	simm.s32 $0xFFFFFFFF;
	p2 =	slt.u32 s8, $0xFFFFF086  }
0x1c: {  	p1 =	slt.u32 s9, $0xF7A;
	s5 =	simm.s32 @!p2 $0x0  }
0x1d: {  	s5 =	simm.s32 @p1 $0x1;
	p0 =	seq.s32 s7, s2  }
0x1e: {  	s7 =	smul.u32 @!p0 $0xF7A, s2;
	p2 =	seq.s32 @!p0 s5, $0x0  }
0x1f: {  	s9 =	smul.u32 $0xF7A, s1;
	s8 =	simm.s32 @!p0 $0x1BF5;
	p2 =	por !p2, p0  }
0x20: {  	[sflag:s8] =	ssyncset.s32 @!p0 $0xFFFFF086;
	s6 =	sadd.s32 @!p0 s3, s7;
	s7 =	simm.s32 @!p0 $0x108  }
0x21: {  	s3 =	sadd.s32 s3, s9;
	s6 =	sadd.s32 @!p0 $0x88, s6;
	s7 =	simm.s32 @p2 $0x1082  }
0x22: {  	[simem:s7], [sflag:s8] =	dma.local @!p0 [hbm:s6], $0xF7A  }
0x23: {  	s9 =	sor.u32 $0xD0000000, s2;
	s6 =	simm.s32 $0x108;
	_ =	swait.ge @!p0 [sflag:s8], $0x0  }
0x24: {  	s3 =	sadd.s32 $0x88, s3;
	s6 =	simm.s32 @!p1 $0x1082;
	[sflag:s4] =	ssyncset.s32 $0xFFFFF086  }
0x25: {  	[simem:s6], [sflag:s4] =	dma.local [hbm:s3], $0xF7A  }
0x26: {  	[smem:$0x3F86] =	sst s1;
	(tag) =	ssettag s2;
	_ =	strace s9  }
0x27: {  	s1 =	sld [smem:$0x3F96]  }
0x28: {  	s2 =	sld [smem:$0x3F97]  }
0x29: {  	s4 =	sld [smem:$0x3F99]  }
0x2a: {  	p0 =	seq.s32 s5, $0x0;
	s5 =	sld [smem:$0x3F9A]  }
0x2b: {  	s6 =	sld [smem:$0x3F9B]  }
0x2c: {  	s7 =	sld [smem:$0x3F9C]  }
0x2d: {  	s3 =	simm.s32 $0x108;
	s8 =	sld [smem:$0x3F9D]  }
0x2e: {  	s3 =	simm.s32 @!p0 $0x1082;
	s9 =	sld [smem:$0x3F9E]  }
0x2f: {  	lr =	sadd.s32 s0, s3;
	s0 =	sld [smem:$0x3F95]  }
0x30: {  	s3 =	sld [smem:$0x3F98]  }
0x31: {  	[smem:$0x3FA1] =	sst s10  }
0x32: {  	s10 =	sld [smem:$0x3F9F];
	_ =	sdelay $0x3  }
0x33: {  	p0 =	seq.s32 s10, $0x1;
	s10 =	sld [smem:$0x3FA1];
	_ =	sdelay $0x3  }
0x34: {  	[smem:$0x3FA1] =	sst s10  }
0x35: {  	s10 =	sld [smem:$0x3FA0];
	_ =	sdelay $0x3  }
0x36: {  	p1 =	seq.s32 s10, $0x1;
	s10 =	sld [smem:$0x3FA1];
	_ =	sdelay $0x3  }
0x37: {  	[smem:$0x3FA1] =	sst s10  }
0x38: {  	s10 =	sld [smem:$0x3FA2]  }
0x39: {  	_ = 	snop;
	(pc) =	sbr.ind lr, $3  }
0x3a: {  	_ = 	snop  }
0x3b: {  	_ = 	snop  }
0x3c: {  	p2 =	seq.s32 s10, $0x1;
	s10 =	sld [smem:$0x3FA1]  }
0x3d: {  	_ =	shalt  }
0x3e: {  	_ =	shalt  }
0x3f: {  	_ =	shalt  }
0x40: {  	_ =	shalt  }
0x41: {  	_ =	shalt  }
0x42: {  	_ =	shalt  }
0x43: {  	_ =	shalt  }
0x44: {  	_ =	shalt  }
0x45: {  	_ =	shalt  }
0x46: {  	_ =	shalt  }
0x47: {  	_ =	shalt  }
0x48: {  	_ =	shalt  }
0x49: {  	_ =	shalt  }
0x4a: {  	_ =	shalt  }
0x4b: {  	_ =	shalt  }
0x4c: {  	_ =	shalt  }
0x4d: {  	_ =	shalt  }
0x4e: {  	_ =	shalt  }
0x4f: {  	_ =	shalt  }
0x50: {  	_ =	shalt  }
0x51: {  	_ =	shalt  }
0x52: {  	_ =	shalt  }
0x53: {  	_ =	shalt  }
0x54: {  	_ =	shalt  }
0x55: {  	_ =	shalt  }
0x56: {  	_ =	shalt  }
0x57: {  	_ =	shalt  }
0x58: {  	_ =	shalt  }
0x59: {  	_ =	shalt  }
0x5a: {  	_ =	shalt  }
0x5b: {  	_ =	shalt  }
0x5c: {  	_ =	shalt  }
0x5d: {  	_ =	shalt  }
0x5e: {  	_ =	shalt  }
0x5f: {  	_ =	shalt  }
0x60: {  	_ =	shalt  }
0x61: {  	_ =	shalt  }
0x62: {  	_ =	shalt  }
0x63: {  	_ =	shalt  }
0x64: {  	_ =	shalt  }
0x65: {  	_ =	shalt  }
0x66: {  	_ =	shalt  }
0x67: {  	_ =	shalt  }
0x68: {  	_ =	shalt  }
0x69: {  	_ =	shalt  }
0x6a: {  	_ =	shalt  }
0x6b: {  	_ =	shalt  }
0x6c: {  	_ =	shalt  }
0x6d: {  	_ =	shalt  }
0x6e: {  	_ =	shalt  }
0x6f: {  	_ =	shalt  }
0x70: {  	_ =	shalt  }
0x71: {  	_ =	shalt  }
0x72: {  	_ =	shalt  }
0x73: {  	_ =	shalt  }
0x74: {  	_ =	shalt  }
0x75: {  	_ =	shalt  }
0x76: {  	_ =	shalt  }
0x77: {  	_ =	shalt  }
0x78: {  	_ =	shalt  }
0x79: {  	_ =	shalt  }
0x7a: {  	_ =	shalt  }
0x7b: {  	_ =	shalt  }
0x7c: {  	_ =	shalt  }
0x7d: {  	_ =	shalt  }
0x7e: {  	_ =	shalt  }
0x7f: {  	_ =	shalt  }
0x80: {  	_ =	shalt  }
0x81: {  	_ =	shalt  }
0x82: {  	_ =	shalt  }
0x83: {  	_ =	shalt  }
0x84: {  	_ =	shalt  }
0x85: {  	_ =	shalt  }
0x86: {  	_ =	shalt  }
0x87: {  	_ =	shalt  }
.Lfunc_end0:
.L_simem_size_0:
called_computation.1_lowered:
.L_overlay_start_0:
0x88: {  	s2 =	sld [smem:$0x3FD9]  }
0x89: {  	s3 =	sld [smem:$0x3FFE];
	_ =	sdelay $0x1  }
0x8a: {  	s1 =	srdreg.scid  }
0x8b: {  	s0 =	sand.u32 $0x1, s1  }
0x8c: {  	s16 =	sshll.u32 s0, $0xA;
	s2 =	sadd.s32 s3, s2  }
0x8d: {  	s2 =	sadd.s32 s2, s16  }
0x8e: {  	[smem:$0x3FAD] =	sst s2  }
0x8f: {  	_ = 	snop  }
0x90: {  	(tm) =	ssettm $0x1  }
0x91: {  	s17 =	sld [smem:$0x3FFB];
	_ =	sdelay $0x3  }
0x92: {  	_ =	strace s17  }
0x93: {  	s2 =	sld [smem:$0x3FFC];
	_ =	sdelay $0x3  }
0x94: {  	_ =	strace s2  }
0x95: {  	s2 =	sld [smem:$0x3FFD];
	_ =	sdelay $0x3  }
0x96: {  	_ =	strace s2  }
0x97: {  	_ =	strace $0x8FFFFFFF  }
0x98: {  	s18 =	sld [smem:$0x3FDB];
	_ =	sdelay $0x1  }
0x99: {  	s19 =	simm.s32 $_scs_section_size  }
0x9a: {  	s4 =	simm.s32 $_size__tile_overlayer_lowered;
	s5 =	simm.s32 $_tile_overlayer_lowered  }
0x9b: {  	s22 =	simm.s32 $0x1BFF;
	s21 =	sshll.u32 s5, $0x1;
	s2 =	sadd.s32 s19, s18  }
0x9c: {  	s6 =	simm.s32 $0x0;
	s20 =	sshll.u32 s4, $0x1;
	s4 =	sadd.s32 s21, s2  }
0x9d: {  	[timem:s6], [sflag:s22] =	dma.local [hbm:s4], s20  }
0x9e: {  	_ =	swait.ge [sflag:s22], s20  }
0x9f: {  	s3 =	ssub.s32 $0x0, s20;
	[sflag:s22] =	ssyncset.done $0x0  }
0xa0: {  	[sflag:s22] =	ssyncadd.s32 s3;
	_ =	sdelay $0x1  }
0xa1: {  	s23 =	simm.s32 $0x1B8B  }
0xa2: {  	_ =	swait.ge [sflag:s23], $0x1  }
0xa3: {  	[sflag:s23] =	ssyncset.done $0x0  }
0xa4: {  	s25 =	simm.s32 $0x1B8E;
	s24 =	sld [smem:$0x3FFE];
	[sflag:s23] =	ssyncadd.s32 $0xFFFFFFFF  }
0xa5: {  	s26 =	simm.s32 $execute0_lowered;
	[smem:$0x3FD2] =	sst s25  }
0xa6: {  	s4 =	sshll.u32 s26, $0x1;
	_ =	strace $0x80000049;
	[dreg:$0x1] =	wrdreg $0xFFFFFFFF  }
0xa7: {  	s28 =	simm.s32 $_size_execute0_lowered;
	s2 =	sadd.s32 s2, s4;
	[dreg:$0x0] =	wrdreg $0x0  }
0xa8: {  	s4 =	sshll.u32 s28, $0x1;
	[dreg:$0x2] =	wrdreg s2  }
0xa9: {  	[dreg:$0x3] =	wrdreg s4  }
0xaa: {  	[dreg:$0x4] =	wrdreg $0xC0  }
0xab: {  	_ =	task [dreg:s6], $0x5FFFF  }
0xac: {  	[dreg:$0x1] =	wrdreg $0xFFFFFFFF  }
0xad: {  	[dreg:$0x0] =	wrdreg $0x60  }
0xae: {  	[dreg:$0x2] =	wrdreg s24  }
0xaf: {  	[dreg:$0x3] =	wrdreg $0x9  }
0xb0: {  	_ =	task.clear_ibuf [dreg:s6], $0x4FFFF;
	_ =	strace $0x90000049  }
0xb1: {  	s29 =	simm.s32 $0x9;
	_ =	strace $0x8000004B  }
0xb2: {  	_ =	swait.ge [sflag:s29], $0x1  }
0xb3: {  	[sflag:s29] =	ssyncadd.s32 $0xFFFFFFFF  }
0xb4: {  	_ =	strace $0x9000004B  }
0xb5: {  	_ =	sfence  }
0xb6: {  	s30 =	sld [smem:$0x0];
	_ =	sdelay $0x2  }
0xb7: {  	s31 =	sshll.u32 s1, $0xD;
	s1 =	sshrl.u32 s1, $0x2  }
0xb8: {  	s3 =	sand.u32 $0x4000, s31;
	s1 =	sadd.s32 s1, s30  }
0xb9: {  	s0 =	sor.u32 s3, s0;
	s1 =	sshll.u32 s1, $0x11  }
0xba: {  	s0 =	sor.u32 s1, s0  }
0xbb: {  	s0 =	sadd.s32 $0x8F2B, s0  }
0xbc: {  	[sflag:s0] =	ssyncadd.remote.s32 $0x1  }
0xbd: {  	_ =	sfence.sel $0xFFFF  }
0xbe: {  	[dreg:$0x0] =	wrdreg $0xFFFFFFFF;
	(pc) =	sbr.abs _section_cstart, $3  }
0xbf: {  	[dreg:$0x1] =	wrdreg $0xFFFFFFFF  }
0xc0: {  	_ =	task.clear_ibuf [dreg:s6], $0x2FFFF;
	_ =	strace $0x9FFFFFFF  }
0xc1: {  	(tm) =	ssettm $0x7FFFFFFF  }
tec
execute0_lowered:
.L_overlay_start_1:
0x0: {  	(tag) =	ssettag $0x1  }
0x1: {  	s4 =	rddreg [dreg:$0x0]  }
0x2: {  	s0 =	rddreg [dreg:$0x1];
	s2 =	simm.s32 $0x0;
	s5 =	srdreg.scid  }
0x3: {  	s1 =	stileid.u32;
	s10 =	simm.s32 $0x0;
	[smem:$0x7FF] =	sst s2  }
0x4: {  	s3 =	sadd.s32 $0xDBE00, s4;
	s5 =	sand.u32 $0x1, s5;
	s6 =	sshll.u32 s1, $0xC  }
0x5: {  	s8 =	smul.u32 $0x22000, s1;
	_ =	strace $0x8000004A;
	s7 =	sshll.u32 s5, $0xB  }
0x6: {  	s9 =	ssub.s32 $0x2, s5;
	s5 =	smul.u32 $0x11000, s5;
	s6 =	sor.u32 s7, s6  }
0x7: {  	s30 =	sshrl.u32 s9, $0x1;
	s8 =	sadd.s32 s8, s4;
	s6 =	sshrl.u32 s6, $0x3  }
0x8: {  	s7 =	ssub.s32 s9, s30;
	s31 =	sadd.s32 s5, s8;
	s8 =	simm.s32 $0x80  }
0x9: {  	s9 =	simm.s32 $0x1;
	s6 =	sadd.s32 s6, s4;
	s4 =	smax.u32 s7, $0x1  }
0xa: {  	s7 =	simm.s32 $0x2;
	s5 =	sadd.s32 $0xD9E00, s6;
	s6 =	sadd.s32 $0xFDE00, s31  }
.LBB2_1:
0xb: {  	s11 =	sadd.s32 $0x0, s5  }
0xc: {  	[tilespmem:s2], [sflag:$0x2] =	stream.linear.gather [hbm4b:s11+s2], $0x80, $0x38;
	[tilespmem:$0x8880] =	vst v63  }
0xd: {  	_ =	swait.ge [sflag:s7], $0x80  }
0xe: {  	[sflag:s7] =	ssyncset.done $0x0  }
0xf: {  	[sflag:s7] =	ssyncadd.s32 $0xFFFFFF80  }
0x10: {  	[tilespmem:s8], [sflag:$0x1] =	stream.indirect.gather [hbm4b:s3+s8], $0x110, s2, s8, $0xb8;
	[tilespmem:$0x8880] =	vst v63  }
0x11: {  	_ =	swait.ge [sflag:s9], $0x8800  }
0x12: {  	[sflag:s9] =	ssyncset.done $0x0  }
0x13: {  	[sflag:s9] =	ssyncadd.s32 $0xFFFF7800  }
0x14: {  	[hbm4b:s6+s2] =	stream.linear.scatter [tilespmem:s8], [sflag:$0x2], $0x8800, $0x38;
	[tilespmem:$0x8880] =	vst v63  }
0x15: {  	s12 =	simm.s32 $0x10;
	_ =	swait.ge [sflag:s7], $0x8800  }
0x16: {  	s13 =	simm.s32 $0x20;
	s11 =	sadd.s32 $0x1100, s6;
	[sflag:s7] =	ssyncset.done $0x0  }
.LBB2_2:
0x17: {  	s14 =	sadd.s32 s12, s5  }
0x18: {  	[sflag:s7] =	ssyncadd.s32 $0xFFFF7800;
	s12 =	smov.u32 s13;
	s15 =	sadd.s32 $0x10, s13  }
0x19: {  	[tilespmem:s2], [sflag:$0x2] =	stream.linear.gather [hbm4b:s14+s2], $0x80, $0x38;
	[tilespmem:$0x8880] =	vst v63  }
0x1a: {  	p0 =	sne.s32 s13, $0xF0;
	_ =	swait.ge [sflag:s7], $0x80  }
0x1b: {  	[sflag:s7] =	ssyncset.done $0x0  }
0x1c: {  	[sflag:s7] =	ssyncadd.s32 $0xFFFFFF80  }
0x1d: {  	[tilespmem:s8], [sflag:$0x1] =	stream.indirect.gather [hbm4b:s3+s8], $0x110, s2, s8, $0xb8;
	[tilespmem:$0x8880] =	vst v63  }
0x1e: {  	_ =	swait.ge [sflag:s9], $0x8800  }
.Ltmp0:
0x1f: {  	[sflag:s9] =	ssyncset.done $0x0;
	(pc) =	sbr.rel @p0 .LBB2_2-.Ltmp0, $4  }
0x20: {  	[sflag:s9] =	ssyncadd.s32 $0xFFFF7800  }
0x21: {  	[hbm4b:s11+s2] =	stream.linear.scatter [tilespmem:s8], [sflag:$0x2], $0x8800, $0x38;
	[tilespmem:$0x8880] =	vst v63  }
0x22: {  	_ =	swait.ge [sflag:s7], $0x8800  }
0x23: {  	s13 =	smov.u32 s15;
	s11 =	sadd.s32 $0x1100, s11;
	[sflag:s7] =	ssyncset.done $0x0  }
0x24: {  	s12 =	sadd.s32 s12, s5;
	[sflag:s7] =	ssyncadd.s32 $0xFFFF7800  }
0x25: {  	[tilespmem:s2], [sflag:$0x2] =	stream.linear.gather [hbm4b:s12+s2], $0x80, $0x38;
	[tilespmem:$0x8880] =	vst v63  }
0x26: {  	_ =	swait.ge [sflag:s7], $0x80  }
0x27: {  	[sflag:s7] =	ssyncset.done $0x0  }
0x28: {  	[sflag:s7] =	ssyncadd.s32 $0xFFFFFF80  }
0x29: {  	[tilespmem:s8], [sflag:$0x1] =	stream.indirect.gather [hbm4b:s3+s8], $0x110, s2, s8, $0xb8;
	[tilespmem:$0x8880] =	vst v63  }
0x2a: {  	s10 =	sadd.s32 $0x1, s10;
	_ =	swait.ge [sflag:s9], $0x8800  }
0x2b: {  	p0 =	sne.s32 s10, s4;
	[sflag:s9] =	ssyncset.done $0x0  }
.Ltmp1:
0x2c: {  	[sflag:s9] =	ssyncadd.s32 $0xFFFF7800;
	(pc) =	sbr.rel @p0 .LBB2_1-.Ltmp1, $4  }
0x2d: {  	[hbm4b:s11+s2] =	stream.linear.scatter [tilespmem:s8], [sflag:$0x2], $0x8800, $0x38;
	[tilespmem:$0x8880] =	vst v63  }
0x2e: {  	_ =	swait.ge [sflag:s7], $0x8800  }
0x2f: {  	[sflag:s7] =	ssyncset.done $0x0  }
0x30: {  	[sflag:s7] =	ssyncadd.s32 $0xFFFF7800  }
0x31: {  	_ =	sfence.sel $0x180000  }
0x32: {  	[bflag:$0x0] =	sbarrier.arrive $0xFFFF  }
0x33: {  	p0 =	sne.s32 s1, $0x0;
	_ =	strace $0x9000004A  }
0x34: {  	s0 =	sadd.s32 @!p0 $0x100000, s0;
	[bflag:$0x2] =	sbarrier.arrive $0xFFFF  }
0x35: {  	[sflag:s0] =	ssyncadd.tile.s32 @!p0 $0x1;
	_ =	shalt  }
.Lfunc_end2:
_tile_overlayer_lowered:
.L_overlay_start_2:
0x36: {  	(tag) =	ssettag $0x2  }
0x37: {  	s0 =	rddreg [dreg:$0x0];
	s2 =	stileid.u32  }
0x38: {  	s1 =	rddreg [dreg:$0x1];
	p0 =	sne.s32 s2, $0x0  }
0x39: {  	s3 =	rddreg [dreg:$0x2];
	[bflag:$0x3] =	sbarrier.arrive $0xFFFF;
	s2 =	simm.s32 @!p0 $0x1C02  }
0x3a: {  	[timem:s3], [sflag:s2] =	dma.local @!p0 [hbm:s0], s1  }
0x3b: {  	s0 =	simm.s32 @!p0 $0x2  }
0x3c: {  	_ =	swait.ge @!p0 [sflag:s0], s1  }
0x3d: {  	s1 =	ssub.s32 @!p0 $0x0, s1;
	[sflag:s0] =	ssyncset.done @!p0 $0x0  }
0x3e: {  	[sflag:s0] =	ssyncadd.s32 @!p0 s1  }
0x3f: {  	[bflag:$0x3] =	sbarrier.arrive $0xFFFF  }
0x40: {  	_ =	shalt  }

</sc_bundles>
